<compile_context>
chip_gen: v7x
topology: tpu7x:2x2x1
jax: 0.10.2.dev20260603
libtpu: 0.0.44.dev20260713+nightly
codegen_flags: <defaults>
</compile_context>

<pallas_src>
import functools

import jax
import jax.numpy as jnp
from jax import lax
from jax.experimental import pallas as pl
from jax.experimental.pallas import tpu as pltpu
from jax.experimental.pallas import tpu_sc as plsc

VOCAB = 100000
EMBED = 64
MAX_POS = 512
B, S = 4096, 200
N = B * S

NC, NS = 2, 16
NW = NC * NS
RPW = N // NW
CHUNK = 800
NCHUNK = RPW // CHUNK
SUB = 100
NSUB = CHUNK // SUB
GROUPS = CHUNK // 16


def _sc_embed_ln(ids2d, word_emb, pos_emb, gamma, beta):
  mesh = plsc.VectorSubcoreMesh(core_axis_name="c", subcore_axis_name="s")

  @functools.partial(
      pl.kernel,
      out_type=jax.ShapeDtypeStruct((N, EMBED), jnp.float32),
      mesh=mesh,
      compiler_params=pltpu.CompilerParams(
          needs_layout_passes=False, use_tc_tiling_on_sc=False),
      scratch_types=[
          pltpu.VMEM((NSUB, SUB), jnp.int32),
          pltpu.VMEM((CHUNK, EMBED), jnp.float32),
          pltpu.VMEM((S, EMBED), jnp.float32),
          pltpu.VMEM((EMBED,), jnp.float32),
          pltpu.VMEM((EMBED,), jnp.float32),
          pltpu.VMEM((EMBED * 16,), jnp.float32),
          pltpu.SemaphoreType.DMA,
      ],
  )
  def k(ids_hbm, wtab_hbm, pos_hbm, g_hbm, b_hbm, out_hbm,
        idx_v, rows_v, pos_v, g_v, b_v, tmp_v, sem):
    wid = lax.axis_index("s") * NC + lax.axis_index("c")

    pltpu.sync_copy(pos_hbm.at[pl.ds(0, S)], pos_v)
    pltpu.sync_copy(g_hbm, g_v)
    pltpu.sync_copy(b_hbm, b_v)

    iota16 = lax.iota(jnp.int32, 16)

    def chunk_body(c, carry):
      base = pl.multiple_of(wid * RPW + c * CHUNK, CHUNK)
      pltpu.sync_copy(ids_hbm.at[pl.ds(pl.multiple_of(base // SUB, NSUB), NSUB)],
                      idx_v)
      cps = [
          pltpu.async_copy(wtab_hbm.at[idx_v.at[q]],
                           rows_v.at[pl.ds(q * SUB, SUB)], sem)
          for q in range(NSUB)
      ]
      for cp in cps:
        cp.wait()

      def group_body(g, carry2):
        ridx = g * 16 + iota16
        prow = lax.rem(ridx, S)
        acc_s = jnp.zeros((16,), jnp.float32)
        acc_q = jnp.zeros((16,), jnp.float32)
        for j in range(EMBED):
          cj = jnp.full((16,), j, jnp.int32)
          w = plsc.load_gather(rows_v, [ridx, cj])
          p = plsc.load_gather(pos_v, [prow, cj])
          x = w + p
          acc_s = acc_s + x
          acc_q = acc_q + x * x
          tmp_v[pl.ds(j * 16, 16)] = x
        mu = acc_s * (1.0 / EMBED)
        var = acc_q * (1.0 / EMBED) - mu * mu
        t = var + 1e-5
        yi = jnp.int32(0x5F3759DF) - lax.shift_right_arithmetic(
            plsc.bitcast(t, jnp.int32), 1)
        y = plsc.bitcast(yi, jnp.float32)
        for _ in range(3):
          y = y * (1.5 - 0.5 * t * y * y)
        for j in range(EMBED):
          cj = jnp.full((16,), j, jnp.int32)
          x = tmp_v[pl.ds(j * 16, 16)]
          gj = plsc.load_gather(g_v, [cj])
          bj = plsc.load_gather(b_v, [cj])
          out = (x - mu) * y * gj + bj
          plsc.store_scatter(rows_v, [ridx, cj], out)
        return carry2

      lax.fori_loop(0, GROUPS, group_body, 0)

      pltpu.sync_copy(rows_v, out_hbm.at[pl.ds(base, CHUNK)])
      return carry

    lax.fori_loop(0, NCHUNK, chunk_body, 0)

  return k(ids2d, word_emb, pos_emb, gamma, beta)


def kernel(input_ids, word_emb, pos_emb, gamma, beta):
  ids2d = input_ids.astype(jnp.int32).reshape(N // SUB, SUB)
  out = _sc_embed_ln(ids2d, word_emb, pos_emb, gamma, beta)
  return out.reshape(B, S, EMBED)

# --- scband reference (transcript-rebuilt; emitter-appended) ---
"""Pipeline reference for scband-medical-knowledge-embedding-87411174408329 (READ-ONLY COPY).

The authoritative reference and input builder live on the scoring server;
editing this copy changes nothing except your own understanding.
"""

import jax, jax.numpy as jnp
import numpy as np

VOCAB = 100000
EMBED = 64
MAX_POS = 512
B, S = 4096, 200

def setup_inputs(seed: int = 0) -> dict:
    key = jax.random.key(seed)
    k1, k2, k3 = jax.random.split(key, 3)
    input_ids = jax.random.randint(k1, (B, S), 0, VOCAB, dtype=jnp.int64 if jax.config.jax_enable_x64 else jnp.int32)
    word_emb = jax.random.normal(k2, (VOCAB, EMBED), dtype=jnp.float32) * 0.02
    pos_emb = jax.random.normal(k3, (MAX_POS, EMBED), dtype=jnp.float32) * 0.02
    gamma = jnp.ones((EMBED,), dtype=jnp.float32)
    beta = jnp.zeros((EMBED,), dtype=jnp.float32)
    return {"input_ids": input_ids, "word_emb": word_emb, "pos_emb": pos_emb, "gamma": gamma, "beta": beta}

def reference(input_ids, word_emb, pos_emb, gamma, beta):
    # word embedding lookup
    word_embeds = jnp.take(word_emb, input_ids, axis=0)              # [B, S, D]
    # default position_ids = arange(seq_len) broadcast over batch
    seq_len = input_ids.shape[1]
    position_ids = jnp.arange(seq_len)
    position_embeds = jnp.take(pos_emb, position_ids, axis=0)[None, :, :]  # [1, S, D]
    embeddings = word_embeds + position_embeds
    # structure_ids is None -> skipped
    # LayerNorm (eps=1e-5, elementwise affine)
    mu = jnp.mean(embeddings, axis=-1, keepdims=True)
    var = jnp.var(embeddings, axis=-1, keepdims=True)
    xn = (embeddings - mu) / jnp.sqrt(var + 1e-5)
    out = xn * gamma + beta
    # dropout is identity in eval mode
    return out

if __name__ == "__main__":
    import jax
    _d = setup_inputs()
    print(jax.jit(kernel)(*tuple(_d.values())))

</pallas_src>

<mosaic_0001>
#map = affine_map<(d0, d1) -> (0, 0)>
#map1 = affine_map<(d0, d1) -> (0)>
module attributes {stable_mosaic.version = 14 : i64} {
  func.func @k(%arg0: i32, %arg1: i32, %arg2: memref<8192x100xi32, #tpu.memory_space<hbm>>, %arg3: memref<100000x64xf32, #tpu.memory_space<hbm>>, %arg4: memref<512x64xf32, #tpu.memory_space<hbm>>, %arg5: memref<64xf32, #tpu.memory_space<hbm>>, %arg6: memref<64xf32, #tpu.memory_space<hbm>>, %arg7: memref<819200x64xf32, #tpu.memory_space<hbm>>, %arg8: memref<8x100xi32, #tpu.memory_space<vmem>>, %arg9: memref<800x64xf32, #tpu.memory_space<vmem>>, %arg10: memref<200x64xf32, #tpu.memory_space<vmem>>, %arg11: memref<64xf32, #tpu.memory_space<vmem>>, %arg12: memref<64xf32, #tpu.memory_space<vmem>>, %arg13: memref<1024xf32, #tpu.memory_space<vmem>>, %arg14: memref<!tpu.dma_semaphore, #tpu.memory_space<semaphore_mem>>) attributes {dimension_semantics = [#tpu.dimension_semantics<core_parallel>, #tpu.dimension_semantics<subcore_parallel>], iteration_bounds = array<i64: 2, 16>, scalar_prefetch = 0 : i64, scratch_operands = 7 : i64, tpu.core_type = #tpu.core_type<sc_vector_subcore>, window_params = [{transform_indices = #map}, {transform_indices = #map}, {transform_indices = #map}, {transform_indices = #map1}, {transform_indices = #map1}, {transform_indices = #map}]} {
    %mul3A = arith.constant 2 : i32
    %mul3A_0 = arith.muli %arg1, %mul3A : i32
    %add3A = arith.addi %mul3A_0, %arg0 : i32
    "tpu.region"() ({
      %run_scoped3A = tpu.sem_alloc : memref<!tpu.dma_semaphore, #tpu.memory_space<semaphore_mem>>
      %dma_start3A = arith.constant 0 : i32
      %dma_start3A_6 = arith.constant 0 : i32
      %dma_start3A_7 = tpu.memref_slice %arg4[%dma_start3A, %dma_start3A_6] : memref<512x64xf32, #tpu.memory_space<hbm>> -> memref<200x64xf32, #tpu.memory_space<hbm>>
      %dma_start3A_8 = arith.constant 0 : i32
      %dma_start3A_9 = arith.constant 0 : i32
      %dma_start3A_10 = tpu.memref_slice %arg4[%dma_start3A_8, %dma_start3A_9] : memref<512x64xf32, #tpu.memory_space<hbm>> -> memref<200x64xf32, #tpu.memory_space<hbm>>
      tpu.enqueue_dma source(%dma_start3A_10 : memref<200x64xf32, #tpu.memory_space<hbm>>) target(%arg10 : memref<200x64xf32, #tpu.memory_space<vmem>>) target_semaphore(%run_scoped3A : memref<!tpu.dma_semaphore, #tpu.memory_space<semaphore_mem>>)
      %dma_wait3A = arith.constant 0 : i32
      %dma_wait3A_11 = arith.constant 0 : i32
      %dma_wait3A_12 = tpu.memref_slice %arg4[%dma_wait3A, %dma_wait3A_11] : memref<512x64xf32, #tpu.memory_space<hbm>> -> memref<200x64xf32, #tpu.memory_space<hbm>>
      %dma_wait3A_13 = arith.constant 0 : i32
      %dma_wait3A_14 = arith.constant 0 : i32
      %dma_wait3A_15 = tpu.memref_slice %arg4[%dma_wait3A_13, %dma_wait3A_14] : memref<512x64xf32, #tpu.memory_space<hbm>> -> memref<200x64xf32, #tpu.memory_space<hbm>>
      tpu.wait_dma2 semaphore(%run_scoped3A : memref<!tpu.dma_semaphore, #tpu.memory_space<semaphore_mem>>) src(%dma_wait3A_15 : memref<200x64xf32, #tpu.memory_space<hbm>>) dst(%arg10 : memref<200x64xf32, #tpu.memory_space<vmem>>)
      tpu.yield
    }) : () -> ()
    "tpu.region"() ({
      %run_scoped3A = tpu.sem_alloc : memref<!tpu.dma_semaphore, #tpu.memory_space<semaphore_mem>>
      tpu.enqueue_dma source(%arg5 : memref<64xf32, #tpu.memory_space<hbm>>) target(%arg11 : memref<64xf32, #tpu.memory_space<vmem>>) target_semaphore(%run_scoped3A : memref<!tpu.dma_semaphore, #tpu.memory_space<semaphore_mem>>)
      tpu.wait_dma2 semaphore(%run_scoped3A : memref<!tpu.dma_semaphore, #tpu.memory_space<semaphore_mem>>) src(%arg5 : memref<64xf32, #tpu.memory_space<hbm>>) dst(%arg11 : memref<64xf32, #tpu.memory_space<vmem>>)
      tpu.yield
    }) : () -> ()
    "tpu.region"() ({
      %run_scoped3A = tpu.sem_alloc : memref<!tpu.dma_semaphore, #tpu.memory_space<semaphore_mem>>
      tpu.enqueue_dma source(%arg6 : memref<64xf32, #tpu.memory_space<hbm>>) target(%arg12 : memref<64xf32, #tpu.memory_space<vmem>>) target_semaphore(%run_scoped3A : memref<!tpu.dma_semaphore, #tpu.memory_space<semaphore_mem>>)
      tpu.wait_dma2 semaphore(%run_scoped3A : memref<!tpu.dma_semaphore, #tpu.memory_space<semaphore_mem>>) src(%arg6 : memref<64xf32, #tpu.memory_space<hbm>>) dst(%arg12 : memref<64xf32, #tpu.memory_space<vmem>>)
      tpu.yield
    }) : () -> ()
    %iota3A = tpu.iota {dimensions = array<i32: 0>} : vector<16xi32>
    %scan3A = arith.constant 0 : i32
    %scan3A_1 = arith.constant 0 : i32
    %scan3A_2 = arith.constant 32 : i32
    %scan3A_3 = arith.addi %scan3A_1, %scan3A_2 : i32
    %scan3A_4 = arith.constant 1 : i32
    scf.for %scan3A_6 = %scan3A_1 to %scan3A_3 step %scan3A_4  : i32 {
      %mul3A_7 = arith.constant 25600 : i32
      %mul3A_8 = arith.muli %add3A, %mul3A_7 : i32
      %mul3A_9 = arith.constant 800 : i32
      %mul3A_10 = arith.muli %scan3A_6, %mul3A_9 : i32
      %add3A_11 = arith.addi %mul3A_8, %mul3A_10 : i32
      %multiple_of3A = tpu.assume_multiple %add3A_11, 800 : i32
      %jit3A = arith.constant 100 : i32
      %div3A = arith.divsi %multiple_of3A, %jit3A : i32
      %sign3A = arith.constant 0 : i32
      %sign3A_12 = arith.cmpi sgt, %multiple_of3A, %sign3A : i32
      %sign3A_13 = arith.extui %sign3A_12 : i1 to i32
      %sign3A_14 = arith.constant 0 : i32
      %sign3A_15 = arith.cmpi slt, %multiple_of3A, %sign3A_14 : i32
      %sign3A_16 = arith.extui %sign3A_15 : i1 to i32
      %sign3A_17 = arith.subi %sign3A_13, %sign3A_16 : i32
      %sign3A_18 = arith.constant 0 : i32
      %sign3A_19 = arith.cmpi sgt, %jit3A, %sign3A_18 : i32
      %sign3A_20 = arith.extui %sign3A_19 : i1 to i32
      %sign3A_21 = arith.constant 0 : i32
      %sign3A_22 = arith.cmpi slt, %jit3A, %sign3A_21 : i32
      %sign3A_23 = arith.extui %sign3A_22 : i1 to i32
      %sign3A_24 = arith.subi %sign3A_20, %sign3A_23 : i32
      %ne3A = arith.cmpi ne, %sign3A_17, %sign3A_24 : i32
      %rem3A = arith.remsi %multiple_of3A, %jit3A : i32
      %ne3A_25 = arith.constant 0 : i32
      %ne3A_26 = arith.cmpi ne, %rem3A, %ne3A_25 : i32
      %and3A = arith.andi %ne3A, %ne3A_26 : i1
      %sub3A = arith.constant 1 : i32
      %sub3A_27 = arith.subi %div3A, %sub3A : i32
      %select_n3A = arith.select %and3A, %sub3A_27, %div3A : i32
      %multiple_of3A_28 = tpu.assume_multiple %select_n3A, 8 : i32
      "tpu.region"() ({
        %run_scoped3A = tpu.sem_alloc : memref<!tpu.dma_semaphore, #tpu.memory_space<semaphore_mem>>
        %dma_start3A_193 = arith.constant 0 : i32
        %dma_start3A_194 = tpu.memref_slice %arg2[%multiple_of3A_28, %dma_start3A_193] : memref<8192x100xi32, #tpu.memory_space<hbm>> -> memref<8x100xi32, #tpu.memory_space<hbm>>
        %dma_start3A_195 = arith.constant 0 : i32
        %dma_start3A_196 = tpu.memref_slice %arg2[%multiple_of3A_28, %dma_start3A_195] : memref<8192x100xi32, #tpu.memory_space<hbm>> -> memref<8x100xi32, #tpu.memory_space<hbm>>
        tpu.enqueue_dma source(%dma_start3A_196 : memref<8x100xi32, #tpu.memory_space<hbm>>) target(%arg8 : memref<8x100xi32, #tpu.memory_space<vmem>>) target_semaphore(%run_scoped3A : memref<!tpu.dma_semaphore, #tpu.memory_space<semaphore_mem>>)
        %dma_wait3A_197 = arith.constant 0 : i32
        %dma_wait3A_198 = tpu.memref_slice %arg2[%multiple_of3A_28, %dma_wait3A_197] : memref<8192x100xi32, #tpu.memory_space<hbm>> -> memref<8x100xi32, #tpu.memory_space<hbm>>
        %dma_wait3A_199 = arith.constant 0 : i32
        %dma_wait3A_200 = tpu.memref_slice %arg2[%multiple_of3A_28, %dma_wait3A_199] : memref<8192x100xi32, #tpu.memory_space<hbm>> -> memref<8x100xi32, #tpu.memory_space<hbm>>
        tpu.wait_dma2 semaphore(%run_scoped3A : memref<!tpu.dma_semaphore, #tpu.memory_space<semaphore_mem>>) src(%dma_wait3A_200 : memref<8x100xi32, #tpu.memory_space<hbm>>) dst(%arg8 : memref<8x100xi32, #tpu.memory_space<vmem>>)
        tpu.yield
      }) : () -> ()
      %dma_start3A = arith.constant 0 : i32
      %dma_start3A_29 = arith.constant 0 : i32
      %dma_start3A_30 = arith.constant 0 : i32
      %dma_start3A_31 = tpu.memref_slice %arg9[%dma_start3A_29, %dma_start3A_30] : memref<800x64xf32, #tpu.memory_space<vmem>> -> memref<100x64xf32, #tpu.memory_space<vmem>>
      %dma_start3A_32 = arith.constant 0 : i32
      %dma_start3A_33 = tpu.memref_slice %arg8[%dma_start3A, %dma_start3A_32] : memref<8x100xi32, #tpu.memory_space<vmem>> -> memref<1x100xi32, #tpu.memory_space<vmem>>
      %dma_start3A_34 = tpu.memref_squeeze %dma_start3A_33 : memref<1x100xi32, #tpu.memory_space<vmem>> -> memref<100xi32, #tpu.memory_space<vmem>>
      %dma_start3A_35 = arith.constant 0 : i32
      %dma_start3A_36 = arith.constant 0 : i32
      %dma_start3A_37 = tpu.memref_slice %arg3[%dma_start3A_35, %dma_start3A_36] : memref<100000x64xf32, #tpu.memory_space<hbm>> -> memref<100000x64xf32, #tpu.memory_space<hbm>>
      tpu.enqueue_indirect_dma source(%dma_start3A_37 : memref<100000x64xf32, #tpu.memory_space<hbm>>) target(%dma_start3A_31 : memref<100x64xf32, #tpu.memory_space<vmem>>) offsets(%dma_start3A_34 : memref<100xi32, #tpu.memory_space<vmem>>) semaphore(%arg14 : memref<!tpu.dma_semaphore, #tpu.memory_space<semaphore_mem>>)
      %dma_start3A_38 = arith.constant 1 : i32
      %dma_start3A_39 = arith.constant 100 : i32
      %dma_start3A_40 = arith.constant 0 : i32
      %dma_start3A_41 = tpu.memref_slice %arg9[%dma_start3A_39, %dma_start3A_40] : memref<800x64xf32, #tpu.memory_space<vmem>> -> memref<100x64xf32, #tpu.memory_space<vmem>>
      %dma_start3A_42 = arith.constant 0 : i32
      %dma_start3A_43 = tpu.memref_slice %arg8[%dma_start3A_38, %dma_start3A_42] : memref<8x100xi32, #tpu.memory_space<vmem>> -> memref<1x100xi32, #tpu.memory_space<vmem>>
      %dma_start3A_44 = tpu.memref_squeeze %dma_start3A_43 : memref<1x100xi32, #tpu.memory_space<vmem>> -> memref<100xi32, #tpu.memory_space<vmem>>
      %dma_start3A_45 = arith.constant 0 : i32
      %dma_start3A_46 = arith.constant 0 : i32
      %dma_start3A_47 = tpu.memref_slice %arg3[%dma_start3A_45, %dma_start3A_46] : memref<100000x64xf32, #tpu.memory_space<hbm>> -> memref<100000x64xf32, #tpu.memory_space<hbm>>
      tpu.enqueue_indirect_dma source(%dma_start3A_47 : memref<100000x64xf32, #tpu.memory_space<hbm>>) target(%dma_start3A_41 : memref<100x64xf32, #tpu.memory_space<vmem>>) offsets(%dma_start3A_44 : memref<100xi32, #tpu.memory_space<vmem>>) semaphore(%arg14 : memref<!tpu.dma_semaphore, #tpu.memory_space<semaphore_mem>>)
      %dma_start3A_48 = arith.constant 2 : i32
      %dma_start3A_49 = arith.constant 200 : i32
      %dma_start3A_50 = arith.constant 0 : i32
      %dma_start3A_51 = tpu.memref_slice %arg9[%dma_start3A_49, %dma_start3A_50] : memref<800x64xf32, #tpu.memory_space<vmem>> -> memref<100x64xf32, #tpu.memory_space<vmem>>
      %dma_start3A_52 = arith.constant 0 : i32
      %dma_start3A_53 = tpu.memref_slice %arg8[%dma_start3A_48, %dma_start3A_52] : memref<8x100xi32, #tpu.memory_space<vmem>> -> memref<1x100xi32, #tpu.memory_space<vmem>>
      %dma_start3A_54 = tpu.memref_squeeze %dma_start3A_53 : memref<1x100xi32, #tpu.memory_space<vmem>> -> memref<100xi32, #tpu.memory_space<vmem>>
      %dma_start3A_55 = arith.constant 0 : i32
      %dma_start3A_56 = arith.constant 0 : i32
      %dma_start3A_57 = tpu.memref_slice %arg3[%dma_start3A_55, %dma_start3A_56] : memref<100000x64xf32, #tpu.memory_space<hbm>> -> memref<100000x64xf32, #tpu.memory_space<hbm>>
      tpu.enqueue_indirect_dma source(%dma_start3A_57 : memref<100000x64xf32, #tpu.memory_space<hbm>>) target(%dma_start3A_51 : memref<100x64xf32, #tpu.memory_space<vmem>>) offsets(%dma_start3A_54 : memref<100xi32, #tpu.memory_space<vmem>>) semaphore(%arg14 : memref<!tpu.dma_semaphore, #tpu.memory_space<semaphore_mem>>)
      %dma_start3A_58 = arith.constant 3 : i32
      %dma_start3A_59 = arith.constant 300 : i32
      %dma_start3A_60 = arith.constant 0 : i32
      %dma_start3A_61 = tpu.memref_slice %arg9[%dma_start3A_59, %dma_start3A_60] : memref<800x64xf32, #tpu.memory_space<vmem>> -> memref<100x64xf32, #tpu.memory_space<vmem>>
      %dma_start3A_62 = arith.constant 0 : i32
      %dma_start3A_63 = tpu.memref_slice %arg8[%dma_start3A_58, %dma_start3A_62] : memref<8x100xi32, #tpu.memory_space<vmem>> -> memref<1x100xi32, #tpu.memory_space<vmem>>
      %dma_start3A_64 = tpu.memref_squeeze %dma_start3A_63 : memref<1x100xi32, #tpu.memory_space<vmem>> -> memref<100xi32, #tpu.memory_space<vmem>>
      %dma_start3A_65 = arith.constant 0 : i32
      %dma_start3A_66 = arith.constant 0 : i32
      %dma_start3A_67 = tpu.memref_slice %arg3[%dma_start3A_65, %dma_start3A_66] : memref<100000x64xf32, #tpu.memory_space<hbm>> -> memref<100000x64xf32, #tpu.memory_space<hbm>>
      tpu.enqueue_indirect_dma source(%dma_start3A_67 : memref<100000x64xf32, #tpu.memory_space<hbm>>) target(%dma_start3A_61 : memref<100x64xf32, #tpu.memory_space<vmem>>) offsets(%dma_start3A_64 : memref<100xi32, #tpu.memory_space<vmem>>) semaphore(%arg14 : memref<!tpu.dma_semaphore, #tpu.memory_space<semaphore_mem>>)
      %dma_start3A_68 = arith.constant 4 : i32
      %dma_start3A_69 = arith.constant 400 : i32
      %dma_start3A_70 = arith.constant 0 : i32
      %dma_start3A_71 = tpu.memref_slice %arg9[%dma_start3A_69, %dma_start3A_70] : memref<800x64xf32, #tpu.memory_space<vmem>> -> memref<100x64xf32, #tpu.memory_space<vmem>>
      %dma_start3A_72 = arith.constant 0 : i32
      %dma_start3A_73 = tpu.memref_slice %arg8[%dma_start3A_68, %dma_start3A_72] : memref<8x100xi32, #tpu.memory_space<vmem>> -> memref<1x100xi32, #tpu.memory_space<vmem>>
      %dma_start3A_74 = tpu.memref_squeeze %dma_start3A_73 : memref<1x100xi32, #tpu.memory_space<vmem>> -> memref<100xi32, #tpu.memory_space<vmem>>
      %dma_start3A_75 = arith.constant 0 : i32
      %dma_start3A_76 = arith.constant 0 : i32
      %dma_start3A_77 = tpu.memref_slice %arg3[%dma_start3A_75, %dma_start3A_76] : memref<100000x64xf32, #tpu.memory_space<hbm>> -> memref<100000x64xf32, #tpu.memory_space<hbm>>
      tpu.enqueue_indirect_dma source(%dma_start3A_77 : memref<100000x64xf32, #tpu.memory_space<hbm>>) target(%dma_start3A_71 : memref<100x64xf32, #tpu.memory_space<vmem>>) offsets(%dma_start3A_74 : memref<100xi32, #tpu.memory_space<vmem>>) semaphore(%arg14 : memref<!tpu.dma_semaphore, #tpu.memory_space<semaphore_mem>>)
      %dma_start3A_78 = arith.constant 5 : i32
      %dma_start3A_79 = arith.constant 500 : i32
      %dma_start3A_80 = arith.constant 0 : i32
      %dma_start3A_81 = tpu.memref_slice %arg9[%dma_start3A_79, %dma_start3A_80] : memref<800x64xf32, #tpu.memory_space<vmem>> -> memref<100x64xf32, #tpu.memory_space<vmem>>
      %dma_start3A_82 = arith.constant 0 : i32
      %dma_start3A_83 = tpu.memref_slice %arg8[%dma_start3A_78, %dma_start3A_82] : memref<8x100xi32, #tpu.memory_space<vmem>> -> memref<1x100xi32, #tpu.memory_space<vmem>>
      %dma_start3A_84 = tpu.memref_squeeze %dma_start3A_83 : memref<1x100xi32, #tpu.memory_space<vmem>> -> memref<100xi32, #tpu.memory_space<vmem>>
      %dma_start3A_85 = arith.constant 0 : i32
      %dma_start3A_86 = arith.constant 0 : i32
      %dma_start3A_87 = tpu.memref_slice %arg3[%dma_start3A_85, %dma_start3A_86] : memref<100000x64xf32, #tpu.memory_space<hbm>> -> memref<100000x64xf32, #tpu.memory_space<hbm>>
      tpu.enqueue_indirect_dma source(%dma_start3A_87 : memref<100000x64xf32, #tpu.memory_space<hbm>>) target(%dma_start3A_81 : memref<100x64xf32, #tpu.memory_space<vmem>>) offsets(%dma_start3A_84 : memref<100xi32, #tpu.memory_space<vmem>>) semaphore(%arg14 : memref<!tpu.dma_semaphore, #tpu.memory_space<semaphore_mem>>)
      %dma_start3A_88 = arith.constant 6 : i32
      %dma_start3A_89 = arith.constant 600 : i32
      %dma_start3A_90 = arith.constant 0 : i32
      %dma_start3A_91 = tpu.memref_slice %arg9[%dma_start3A_89, %dma_start3A_90] : memref<800x64xf32, #tpu.memory_space<vmem>> -> memref<100x64xf32, #tpu.memory_space<vmem>>
      %dma_start3A_92 = arith.constant 0 : i32
      %dma_start3A_93 = tpu.memref_slice %arg8[%dma_start3A_88, %dma_start3A_92] : memref<8x100xi32, #tpu.memory_space<vmem>> -> memref<1x100xi32, #tpu.memory_space<vmem>>
      %dma_start3A_94 = tpu.memref_squeeze %dma_start3A_93 : memref<1x100xi32, #tpu.memory_space<vmem>> -> memref<100xi32, #tpu.memory_space<vmem>>
      %dma_start3A_95 = arith.constant 0 : i32
      %dma_start3A_96 = arith.constant 0 : i32
      %dma_start3A_97 = tpu.memref_slice %arg3[%dma_start3A_95, %dma_start3A_96] : memref<100000x64xf32, #tpu.memory_space<hbm>> -> memref<100000x64xf32, #tpu.memory_space<hbm>>
      tpu.enqueue_indirect_dma source(%dma_start3A_97 : memref<100000x64xf32, #tpu.memory_space<hbm>>) target(%dma_start3A_91 : memref<100x64xf32, #tpu.memory_space<vmem>>) offsets(%dma_start3A_94 : memref<100xi32, #tpu.memory_space<vmem>>) semaphore(%arg14 : memref<!tpu.dma_semaphore, #tpu.memory_space<semaphore_mem>>)
      %dma_start3A_98 = arith.constant 7 : i32
      %dma_start3A_99 = arith.constant 700 : i32
      %dma_start3A_100 = arith.constant 0 : i32
      %dma_start3A_101 = tpu.memref_slice %arg9[%dma_start3A_99, %dma_start3A_100] : memref<800x64xf32, #tpu.memory_space<vmem>> -> memref<100x64xf32, #tpu.memory_space<vmem>>
      %dma_start3A_102 = arith.constant 0 : i32
      %dma_start3A_103 = tpu.memref_slice %arg8[%dma_start3A_98, %dma_start3A_102] : memref<8x100xi32, #tpu.memory_space<vmem>> -> memref<1x100xi32, #tpu.memory_space<vmem>>
      %dma_start3A_104 = tpu.memref_squeeze %dma_start3A_103 : memref<1x100xi32, #tpu.memory_space<vmem>> -> memref<100xi32, #tpu.memory_space<vmem>>
      %dma_start3A_105 = arith.constant 0 : i32
      %dma_start3A_106 = arith.constant 0 : i32
      %dma_start3A_107 = tpu.memref_slice %arg3[%dma_start3A_105, %dma_start3A_106] : memref<100000x64xf32, #tpu.memory_space<hbm>> -> memref<100000x64xf32, #tpu.memory_space<hbm>>
      tpu.enqueue_indirect_dma source(%dma_start3A_107 : memref<100000x64xf32, #tpu.memory_space<hbm>>) target(%dma_start3A_101 : memref<100x64xf32, #tpu.memory_space<vmem>>) offsets(%dma_start3A_104 : memref<100xi32, #tpu.memory_space<vmem>>) semaphore(%arg14 : memref<!tpu.dma_semaphore, #tpu.memory_space<semaphore_mem>>)
      %dma_wait3A = arith.constant 0 : i32
      %dma_wait3A_108 = arith.constant 0 : i32
      %dma_wait3A_109 = arith.constant 0 : i32
      %dma_wait3A_110 = tpu.memref_slice %arg9[%dma_wait3A_108, %dma_wait3A_109] : memref<800x64xf32, #tpu.memory_space<vmem>> -> memref<100x64xf32, #tpu.memory_space<vmem>>
      %dma_wait3A_111 = arith.constant 0 : i32
      %dma_wait3A_112 = tpu.memref_slice %arg8[%dma_wait3A, %dma_wait3A_111] : memref<8x100xi32, #tpu.memory_space<vmem>> -> memref<1x100xi32, #tpu.memory_space<vmem>>
      %dma_wait3A_113 = tpu.memref_squeeze %dma_wait3A_112 : memref<1x100xi32, #tpu.memory_space<vmem>> -> memref<100xi32, #tpu.memory_space<vmem>>
      %dma_wait3A_114 = arith.constant 0 : i32
      %dma_wait3A_115 = arith.constant 0 : i32
      %dma_wait3A_116 = tpu.memref_slice %arg3[%dma_wait3A_114, %dma_wait3A_115] : memref<100000x64xf32, #tpu.memory_space<hbm>> -> memref<100000x64xf32, #tpu.memory_space<hbm>>
      tpu.wait_indirect_dma semaphore(%arg14 : memref<!tpu.dma_semaphore, #tpu.memory_space<semaphore_mem>>) src(%dma_wait3A_116 : memref<100000x64xf32, #tpu.memory_space<hbm>>) dst(%dma_wait3A_110 : memref<100x64xf32, #tpu.memory_space<vmem>>)
      %dma_wait3A_117 = arith.constant 1 : i32
      %dma_wait3A_118 = arith.constant 100 : i32
      %dma_wait3A_119 = arith.constant 0 : i32
      %dma_wait3A_120 = tpu.memref_slice %arg9[%dma_wait3A_118, %dma_wait3A_119] : memref<800x64xf32, #tpu.memory_space<vmem>> -> memref<100x64xf32, #tpu.memory_space<vmem>>
      %dma_wait3A_121 = arith.constant 0 : i32
      %dma_wait3A_122 = tpu.memref_slice %arg8[%dma_wait3A_117, %dma_wait3A_121] : memref<8x100xi32, #tpu.memory_space<vmem>> -> memref<1x100xi32, #tpu.memory_space<vmem>>
      %dma_wait3A_123 = tpu.memref_squeeze %dma_wait3A_122 : memref<1x100xi32, #tpu.memory_space<vmem>> -> memref<100xi32, #tpu.memory_space<vmem>>
      %dma_wait3A_124 = arith.constant 0 : i32
      %dma_wait3A_125 = arith.constant 0 : i32
      %dma_wait3A_126 = tpu.memref_slice %arg3[%dma_wait3A_124, %dma_wait3A_125] : memref<100000x64xf32, #tpu.memory_space<hbm>> -> memref<100000x64xf32, #tpu.memory_space<hbm>>
      tpu.wait_indirect_dma semaphore(%arg14 : memref<!tpu.dma_semaphore, #tpu.memory_space<semaphore_mem>>) src(%dma_wait3A_126 : memref<100000x64xf32, #tpu.memory_space<hbm>>) dst(%dma_wait3A_120 : memref<100x64xf32, #tpu.memory_space<vmem>>)
      %dma_wait3A_127 = arith.constant 2 : i32
      %dma_wait3A_128 = arith.constant 200 : i32
      %dma_wait3A_129 = arith.constant 0 : i32
      %dma_wait3A_130 = tpu.memref_slice %arg9[%dma_wait3A_128, %dma_wait3A_129] : memref<800x64xf32, #tpu.memory_space<vmem>> -> memref<100x64xf32, #tpu.memory_space<vmem>>
      %dma_wait3A_131 = arith.constant 0 : i32
      %dma_wait3A_132 = tpu.memref_slice %arg8[%dma_wait3A_127, %dma_wait3A_131] : memref<8x100xi32, #tpu.memory_space<vmem>> -> memref<1x100xi32, #tpu.memory_space<vmem>>
      %dma_wait3A_133 = tpu.memref_squeeze %dma_wait3A_132 : memref<1x100xi32, #tpu.memory_space<vmem>> -> memref<100xi32, #tpu.memory_space<vmem>>
      %dma_wait3A_134 = arith.constant 0 : i32
      %dma_wait3A_135 = arith.constant 0 : i32
      %dma_wait3A_136 = tpu.memref_slice %arg3[%dma_wait3A_134, %dma_wait3A_135] : memref<100000x64xf32, #tpu.memory_space<hbm>> -> memref<100000x64xf32, #tpu.memory_space<hbm>>
      tpu.wait_indirect_dma semaphore(%arg14 : memref<!tpu.dma_semaphore, #tpu.memory_space<semaphore_mem>>) src(%dma_wait3A_136 : memref<100000x64xf32, #tpu.memory_space<hbm>>) dst(%dma_wait3A_130 : memref<100x64xf32, #tpu.memory_space<vmem>>)
      %dma_wait3A_137 = arith.constant 3 : i32
      %dma_wait3A_138 = arith.constant 300 : i32
      %dma_wait3A_139 = arith.constant 0 : i32
      %dma_wait3A_140 = tpu.memref_slice %arg9[%dma_wait3A_138, %dma_wait3A_139] : memref<800x64xf32, #tpu.memory_space<vmem>> -> memref<100x64xf32, #tpu.memory_space<vmem>>
      %dma_wait3A_141 = arith.constant 0 : i32
      %dma_wait3A_142 = tpu.memref_slice %arg8[%dma_wait3A_137, %dma_wait3A_141] : memref<8x100xi32, #tpu.memory_space<vmem>> -> memref<1x100xi32, #tpu.memory_space<vmem>>
      %dma_wait3A_143 = tpu.memref_squeeze %dma_wait3A_142 : memref<1x100xi32, #tpu.memory_space<vmem>> -> memref<100xi32, #tpu.memory_space<vmem>>
      %dma_wait3A_144 = arith.constant 0 : i32
      %dma_wait3A_145 = arith.constant 0 : i32
      %dma_wait3A_146 = tpu.memref_slice %arg3[%dma_wait3A_144, %dma_wait3A_145] : memref<100000x64xf32, #tpu.memory_space<hbm>> -> memref<100000x64xf32, #tpu.memory_space<hbm>>
      tpu.wait_indirect_dma semaphore(%arg14 : memref<!tpu.dma_semaphore, #tpu.memory_space<semaphore_mem>>) src(%dma_wait3A_146 : memref<100000x64xf32, #tpu.memory_space<hbm>>) dst(%dma_wait3A_140 : memref<100x64xf32, #tpu.memory_space<vmem>>)
      %dma_wait3A_147 = arith.constant 4 : i32
      %dma_wait3A_148 = arith.constant 400 : i32
      %dma_wait3A_149 = arith.constant 0 : i32
      %dma_wait3A_150 = tpu.memref_slice %arg9[%dma_wait3A_148, %dma_wait3A_149] : memref<800x64xf32, #tpu.memory_space<vmem>> -> memref<100x64xf32, #tpu.memory_space<vmem>>
      %dma_wait3A_151 = arith.constant 0 : i32
      %dma_wait3A_152 = tpu.memref_slice %arg8[%dma_wait3A_147, %dma_wait3A_151] : memref<8x100xi32, #tpu.memory_space<vmem>> -> memref<1x100xi32, #tpu.memory_space<vmem>>
      %dma_wait3A_153 = tpu.memref_squeeze %dma_wait3A_152 : memref<1x100xi32, #tpu.memory_space<vmem>> -> memref<100xi32, #tpu.memory_space<vmem>>
      %dma_wait3A_154 = arith.constant 0 : i32
      %dma_wait3A_155 = arith.constant 0 : i32
      %dma_wait3A_156 = tpu.memref_slice %arg3[%dma_wait3A_154, %dma_wait3A_155] : memref<100000x64xf32, #tpu.memory_space<hbm>> -> memref<100000x64xf32, #tpu.memory_space<hbm>>
      tpu.wait_indirect_dma semaphore(%arg14 : memref<!tpu.dma_semaphore, #tpu.memory_space<semaphore_mem>>) src(%dma_wait3A_156 : memref<100000x64xf32, #tpu.memory_space<hbm>>) dst(%dma_wait3A_150 : memref<100x64xf32, #tpu.memory_space<vmem>>)
      %dma_wait3A_157 = arith.constant 5 : i32
      %dma_wait3A_158 = arith.constant 500 : i32
      %dma_wait3A_159 = arith.constant 0 : i32
      %dma_wait3A_160 = tpu.memref_slice %arg9[%dma_wait3A_158, %dma_wait3A_159] : memref<800x64xf32, #tpu.memory_space<vmem>> -> memref<100x64xf32, #tpu.memory_space<vmem>>
      %dma_wait3A_161 = arith.constant 0 : i32
      %dma_wait3A_162 = tpu.memref_slice %arg8[%dma_wait3A_157, %dma_wait3A_161] : memref<8x100xi32, #tpu.memory_space<vmem>> -> memref<1x100xi32, #tpu.memory_space<vmem>>
      %dma_wait3A_163 = tpu.memref_squeeze %dma_wait3A_162 : memref<1x100xi32, #tpu.memory_space<vmem>> -> memref<100xi32, #tpu.memory_space<vmem>>
      %dma_wait3A_164 = arith.constant 0 : i32
      %dma_wait3A_165 = arith.constant 0 : i32
      %dma_wait3A_166 = tpu.memref_slice %arg3[%dma_wait3A_164, %dma_wait3A_165] : memref<100000x64xf32, #tpu.memory_space<hbm>> -> memref<100000x64xf32, #tpu.memory_space<hbm>>
      tpu.wait_indirect_dma semaphore(%arg14 : memref<!tpu.dma_semaphore, #tpu.memory_space<semaphore_mem>>) src(%dma_wait3A_166 : memref<100000x64xf32, #tpu.memory_space<hbm>>) dst(%dma_wait3A_160 : memref<100x64xf32, #tpu.memory_space<vmem>>)
      %dma_wait3A_167 = arith.constant 6 : i32
      %dma_wait3A_168 = arith.constant 600 : i32
      %dma_wait3A_169 = arith.constant 0 : i32
      %dma_wait3A_170 = tpu.memref_slice %arg9[%dma_wait3A_168, %dma_wait3A_169] : memref<800x64xf32, #tpu.memory_space<vmem>> -> memref<100x64xf32, #tpu.memory_space<vmem>>
      %dma_wait3A_171 = arith.constant 0 : i32
      %dma_wait3A_172 = tpu.memref_slice %arg8[%dma_wait3A_167, %dma_wait3A_171] : memref<8x100xi32, #tpu.memory_space<vmem>> -> memref<1x100xi32, #tpu.memory_space<vmem>>
      %dma_wait3A_173 = tpu.memref_squeeze %dma_wait3A_172 : memref<1x100xi32, #tpu.memory_space<vmem>> -> memref<100xi32, #tpu.memory_space<vmem>>
      %dma_wait3A_174 = arith.constant 0 : i32
      %dma_wait3A_175 = arith.constant 0 : i32
      %dma_wait3A_176 = tpu.memref_slice %arg3[%dma_wait3A_174, %dma_wait3A_175] : memref<100000x64xf32, #tpu.memory_space<hbm>> -> memref<100000x64xf32, #tpu.memory_space<hbm>>
      tpu.wait_indirect_dma semaphore(%arg14 : memref<!tpu.dma_semaphore, #tpu.memory_space<semaphore_mem>>) src(%dma_wait3A_176 : memref<100000x64xf32, #tpu.memory_space<hbm>>) dst(%dma_wait3A_170 : memref<100x64xf32, #tpu.memory_space<vmem>>)
      %dma_wait3A_177 = arith.constant 7 : i32
      %dma_wait3A_178 = arith.constant 700 : i32
      %dma_wait3A_179 = arith.constant 0 : i32
      %dma_wait3A_180 = tpu.memref_slice %arg9[%dma_wait3A_178, %dma_wait3A_179] : memref<800x64xf32, #tpu.memory_space<vmem>> -> memref<100x64xf32, #tpu.memory_space<vmem>>
      %dma_wait3A_181 = arith.constant 0 : i32
      %dma_wait3A_182 = tpu.memref_slice %arg8[%dma_wait3A_177, %dma_wait3A_181] : memref<8x100xi32, #tpu.memory_space<vmem>> -> memref<1x100xi32, #tpu.memory_space<vmem>>
      %dma_wait3A_183 = tpu.memref_squeeze %dma_wait3A_182 : memref<1x100xi32, #tpu.memory_space<vmem>> -> memref<100xi32, #tpu.memory_space<vmem>>
      %dma_wait3A_184 = arith.constant 0 : i32
      %dma_wait3A_185 = arith.constant 0 : i32
      %dma_wait3A_186 = tpu.memref_slice %arg3[%dma_wait3A_184, %dma_wait3A_185] : memref<100000x64xf32, #tpu.memory_space<hbm>> -> memref<100000x64xf32, #tpu.memory_space<hbm>>
      tpu.wait_indirect_dma semaphore(%arg14 : memref<!tpu.dma_semaphore, #tpu.memory_space<semaphore_mem>>) src(%dma_wait3A_186 : memref<100000x64xf32, #tpu.memory_space<hbm>>) dst(%dma_wait3A_180 : memref<100x64xf32, #tpu.memory_space<vmem>>)
      %scan3A_187 = arith.constant 0 : i32
      %scan3A_188 = arith.constant 0 : i32
      %scan3A_189 = arith.constant 50 : i32
      %scan3A_190 = arith.addi %scan3A_188, %scan3A_189 : i32
      %scan3A_191 = arith.constant 1 : i32
      scf.for %scan3A_193 = %scan3A_188 to %scan3A_190 step %scan3A_191  : i32 {
        %mul3A_194 = arith.constant 16 : i32
        %mul3A_195 = arith.muli %scan3A_193, %mul3A_194 : i32
        %add3A_196 = vector.broadcast %mul3A_195 : i32 to vector<16xi32>
        %add3A_197 = arith.addi %add3A_196, %iota3A : vector<16xi32>
        %rem3A_198 = arith.constant 200 : i32
        %rem3A_199 = vector.broadcast %rem3A_198 : i32 to vector<16xi32>
        %rem3A_200 = arith.remsi %add3A_197, %rem3A_199 : vector<16xi32>
        %broadcast_in_dim3A = arith.constant 0.000000e+00 : f32
        %broadcast_in_dim3A_201 = vector.broadcast %broadcast_in_dim3A : f32 to vector<16xf32>
        %broadcast_in_dim3A_202 = arith.constant 0.000000e+00 : f32
        %broadcast_in_dim3A_203 = vector.broadcast %broadcast_in_dim3A_202 : f32 to vector<16xf32>
        %broadcast_in_dim3A_204 = arith.constant 0 : i32
        %broadcast_in_dim3A_205 = vector.broadcast %broadcast_in_dim3A_204 : i32 to vector<16xi32>
        %gather3A = tpu.vector_load_idx %arg9[%add3A_197, %broadcast_in_dim3A_205] : memref<800x64xf32, #tpu.memory_space<vmem>>[vector<16xi32>, vector<16xi32>], vector<16xf32>,
        %gather3A_206 = tpu.vector_load_idx %arg10[%rem3A_200, %broadcast_in_dim3A_205] : memref<200x64xf32, #tpu.memory_space<vmem>>[vector<16xi32>, vector<16xi32>], vector<16xf32>,
        %add3A_207 = arith.addf %gather3A, %gather3A_206 : vector<16xf32>
        %add3A_208 = arith.addf %broadcast_in_dim3A_201, %add3A_207 : vector<16xf32>
        %mul3A_209 = arith.mulf %add3A_207, %add3A_207 : vector<16xf32>
        %add3A_210 = arith.addf %broadcast_in_dim3A_203, %mul3A_209 : vector<16xf32>
        %swap3A = arith.constant 0 : index
        %swap3A_211 = tpu.vector_load %arg13[%swap3A] {strides = array<i32>} : memref<1024xf32, #tpu.memory_space<vmem>>, vector<16xf32>,
        tpu.vector_store %arg13[%swap3A], %add3A_207 {strides = array<i32>} : memref<1024xf32, #tpu.memory_space<vmem>>, vector<16xf32>,
        %broadcast_in_dim3A_212 = arith.constant 1 : i32
        %broadcast_in_dim3A_213 = vector.broadcast %broadcast_in_dim3A_212 : i32 to vector<16xi32>
        %gather3A_214 = tpu.vector_load_idx %arg9[%add3A_197, %broadcast_in_dim3A_213] : memref<800x64xf32, #tpu.memory_space<vmem>>[vector<16xi32>, vector<16xi32>], vector<16xf32>,
        %gather3A_215 = tpu.vector_load_idx %arg10[%rem3A_200, %broadcast_in_dim3A_213] : memref<200x64xf32, #tpu.memory_space<vmem>>[vector<16xi32>, vector<16xi32>], vector<16xf32>,
        %add3A_216 = arith.addf %gather3A_214, %gather3A_215 : vector<16xf32>
        %add3A_217 = arith.addf %add3A_208, %add3A_216 : vector<16xf32>
        %mul3A_218 = arith.mulf %add3A_216, %add3A_216 : vector<16xf32>
        %add3A_219 = arith.addf %add3A_210, %mul3A_218 : vector<16xf32>
        %swap3A_220 = arith.constant 16 : index
        %swap3A_221 = tpu.vector_load %arg13[%swap3A_220] {strides = array<i32>} : memref<1024xf32, #tpu.memory_space<vmem>>, vector<16xf32>,
        tpu.vector_store %arg13[%swap3A_220], %add3A_216 {strides = array<i32>} : memref<1024xf32, #tpu.memory_space<vmem>>, vector<16xf32>,
        %broadcast_in_dim3A_222 = arith.constant 2 : i32
        %broadcast_in_dim3A_223 = vector.broadcast %broadcast_in_dim3A_222 : i32 to vector<16xi32>
        %gather3A_224 = tpu.vector_load_idx %arg9[%add3A_197, %broadcast_in_dim3A_223] : memref<800x64xf32, #tpu.memory_space<vmem>>[vector<16xi32>, vector<16xi32>], vector<16xf32>,
        %gather3A_225 = tpu.vector_load_idx %arg10[%rem3A_200, %broadcast_in_dim3A_223] : memref<200x64xf32, #tpu.memory_space<vmem>>[vector<16xi32>, vector<16xi32>], vector<16xf32>,
        %add3A_226 = arith.addf %gather3A_224, %gather3A_225 : vector<16xf32>
        %add3A_227 = arith.addf %add3A_217, %add3A_226 : vector<16xf32>
        %mul3A_228 = arith.mulf %add3A_226, %add3A_226 : vector<16xf32>
        %add3A_229 = arith.addf %add3A_219, %mul3A_228 : vector<16xf32>
        %swap3A_230 = arith.constant 32 : index
        %swap3A_231 = tpu.vector_load %arg13[%swap3A_230] {strides = array<i32>} : memref<1024xf32, #tpu.memory_space<vmem>>, vector<16xf32>,
        tpu.vector_store %arg13[%swap3A_230], %add3A_226 {strides = array<i32>} : memref<1024xf32, #tpu.memory_space<vmem>>, vector<16xf32>,
        %broadcast_in_dim3A_232 = arith.constant 3 : i32
        %broadcast_in_dim3A_233 = vector.broadcast %broadcast_in_dim3A_232 : i32 to vector<16xi32>
        %gather3A_234 = tpu.vector_load_idx %arg9[%add3A_197, %broadcast_in_dim3A_233] : memref<800x64xf32, #tpu.memory_space<vmem>>[vector<16xi32>, vector<16xi32>], vector<16xf32>,
        %gather3A_235 = tpu.vector_load_idx %arg10[%rem3A_200, %broadcast_in_dim3A_233] : memref<200x64xf32, #tpu.memory_space<vmem>>[vector<16xi32>, vector<16xi32>], vector<16xf32>,
        %add3A_236 = arith.addf %gather3A_234, %gather3A_235 : vector<16xf32>
        %add3A_237 = arith.addf %add3A_227, %add3A_236 : vector<16xf32>
        %mul3A_238 = arith.mulf %add3A_236, %add3A_236 : vector<16xf32>
        %add3A_239 = arith.addf %add3A_229, %mul3A_238 : vector<16xf32>
        %swap3A_240 = arith.constant 48 : index
        %swap3A_241 = tpu.vector_load %arg13[%swap3A_240] {strides = array<i32>} : memref<1024xf32, #tpu.memory_space<vmem>>, vector<16xf32>,
        tpu.vector_store %arg13[%swap3A_240], %add3A_236 {strides = array<i32>} : memref<1024xf32, #tpu.memory_space<vmem>>, vector<16xf32>,
        %broadcast_in_dim3A_242 = arith.constant 4 : i32
        %broadcast_in_dim3A_243 = vector.broadcast %broadcast_in_dim3A_242 : i32 to vector<16xi32>
        %gather3A_244 = tpu.vector_load_idx %arg9[%add3A_197, %broadcast_in_dim3A_243] : memref<800x64xf32, #tpu.memory_space<vmem>>[vector<16xi32>, vector<16xi32>], vector<16xf32>,
        %gather3A_245 = tpu.vector_load_idx %arg10[%rem3A_200, %broadcast_in_dim3A_243] : memref<200x64xf32, #tpu.memory_space<vmem>>[vector<16xi32>, vector<16xi32>], vector<16xf32>,
        %add3A_246 = arith.addf %gather3A_244, %gather3A_245 : vector<16xf32>
        %add3A_247 = arith.addf %add3A_237, %add3A_246 : vector<16xf32>
        %mul3A_248 = arith.mulf %add3A_246, %add3A_246 : vector<16xf32>
        %add3A_249 = arith.addf %add3A_239, %mul3A_248 : vector<16xf32>
        %swap3A_250 = arith.constant 64 : index
        %swap3A_251 = tpu.vector_load %arg13[%swap3A_250] {strides = array<i32>} : memref<1024xf32, #tpu.memory_space<vmem>>, vector<16xf32>,
        tpu.vector_store %arg13[%swap3A_250], %add3A_246 {strides = array<i32>} : memref<1024xf32, #tpu.memory_space<vmem>>, vector<16xf32>,
        %broadcast_in_dim3A_252 = arith.constant 5 : i32
        %broadcast_in_dim3A_253 = vector.broadcast %broadcast_in_dim3A_252 : i32 to vector<16xi32>
        %gather3A_254 = tpu.vector_load_idx %arg9[%add3A_197, %broadcast_in_dim3A_253] : memref<800x64xf32, #tpu.memory_space<vmem>>[vector<16xi32>, vector<16xi32>], vector<16xf32>,
        %gather3A_255 = tpu.vector_load_idx %arg10[%rem3A_200, %broadcast_in_dim3A_253] : memref<200x64xf32, #tpu.memory_space<vmem>>[vector<16xi32>, vector<16xi32>], vector<16xf32>,
        %add3A_256 = arith.addf %gather3A_254, %gather3A_255 : vector<16xf32>
        %add3A_257 = arith.addf %add3A_247, %add3A_256 : vector<16xf32>
        %mul3A_258 = arith.mulf %add3A_256, %add3A_256 : vector<16xf32>
        %add3A_259 = arith.addf %add3A_249, %mul3A_258 : vector<16xf32>
        %swap3A_260 = arith.constant 80 : index
        %swap3A_261 = tpu.vector_load %arg13[%swap3A_260] {strides = array<i32>} : memref<1024xf32, #tpu.memory_space<vmem>>, vector<16xf32>,
        tpu.vector_store %arg13[%swap3A_260], %add3A_256 {strides = array<i32>} : memref<1024xf32, #tpu.memory_space<vmem>>, vector<16xf32>,
        %broadcast_in_dim3A_262 = arith.constant 6 : i32
        %broadcast_in_dim3A_263 = vector.broadcast %broadcast_in_dim3A_262 : i32 to vector<16xi32>
        %gather3A_264 = tpu.vector_load_idx %arg9[%add3A_197, %broadcast_in_dim3A_263] : memref<800x64xf32, #tpu.memory_space<vmem>>[vector<16xi32>, vector<16xi32>], vector<16xf32>,
        %gather3A_265 = tpu.vector_load_idx %arg10[%rem3A_200, %broadcast_in_dim3A_263] : memref<200x64xf32, #tpu.memory_space<vmem>>[vector<16xi32>, vector<16xi32>], vector<16xf32>,
        %add3A_266 = arith.addf %gather3A_264, %gather3A_265 : vector<16xf32>
        %add3A_267 = arith.addf %add3A_257, %add3A_266 : vector<16xf32>
        %mul3A_268 = arith.mulf %add3A_266, %add3A_266 : vector<16xf32>
        %add3A_269 = arith.addf %add3A_259, %mul3A_268 : vector<16xf32>
        %swap3A_270 = arith.constant 96 : index
        %swap3A_271 = tpu.vector_load %arg13[%swap3A_270] {strides = array<i32>} : memref<1024xf32, #tpu.memory_space<vmem>>, vector<16xf32>,
        tpu.vector_store %arg13[%swap3A_270], %add3A_266 {strides = array<i32>} : memref<1024xf32, #tpu.memory_space<vmem>>, vector<16xf32>,
        %broadcast_in_dim3A_272 = arith.constant 7 : i32
        %broadcast_in_dim3A_273 = vector.broadcast %broadcast_in_dim3A_272 : i32 to vector<16xi32>
        %gather3A_274 = tpu.vector_load_idx %arg9[%add3A_197, %broadcast_in_dim3A_273] : memref<800x64xf32, #tpu.memory_space<vmem>>[vector<16xi32>, vector<16xi32>], vector<16xf32>,
        %gather3A_275 = tpu.vector_load_idx %arg10[%rem3A_200, %broadcast_in_dim3A_273] : memref<200x64xf32, #tpu.memory_space<vmem>>[vector<16xi32>, vector<16xi32>], vector<16xf32>,
        %add3A_276 = arith.addf %gather3A_274, %gather3A_275 : vector<16xf32>
        %add3A_277 = arith.addf %add3A_267, %add3A_276 : vector<16xf32>
        %mul3A_278 = arith.mulf %add3A_276, %add3A_276 : vector<16xf32>
        %add3A_279 = arith.addf %add3A_269, %mul3A_278 : vector<16xf32>
        %swap3A_280 = arith.constant 112 : index
        %swap3A_281 = tpu.vector_load %arg13[%swap3A_280] {strides = array<i32>} : memref<1024xf32, #tpu.memory_space<vmem>>, vector<16xf32>,
        tpu.vector_store %arg13[%swap3A_280], %add3A_276 {strides = array<i32>} : memref<1024xf32, #tpu.memory_space<vmem>>, vector<16xf32>,
        %broadcast_in_dim3A_282 = arith.constant 8 : i32
        %broadcast_in_dim3A_283 = vector.broadcast %broadcast_in_dim3A_282 : i32 to vector<16xi32>
        %gather3A_284 = tpu.vector_load_idx %arg9[%add3A_197, %broadcast_in_dim3A_283] : memref<800x64xf32, #tpu.memory_space<vmem>>[vector<16xi32>, vector<16xi32>], vector<16xf32>,
        %gather3A_285 = tpu.vector_load_idx %arg10[%rem3A_200, %broadcast_in_dim3A_283] : memref<200x64xf32, #tpu.memory_space<vmem>>[vector<16xi32>, vector<16xi32>], vector<16xf32>,
        %add3A_286 = arith.addf %gather3A_284, %gather3A_285 : vector<16xf32>
        %add3A_287 = arith.addf %add3A_277, %add3A_286 : vector<16xf32>
        %mul3A_288 = arith.mulf %add3A_286, %add3A_286 : vector<16xf32>
        %add3A_289 = arith.addf %add3A_279, %mul3A_288 : vector<16xf32>
        %swap3A_290 = arith.constant 128 : index
        %swap3A_291 = tpu.vector_load %arg13[%swap3A_290] {strides = array<i32>} : memref<1024xf32, #tpu.memory_space<vmem>>, vector<16xf32>,
        tpu.vector_store %arg13[%swap3A_290], %add3A_286 {strides = array<i32>} : memref<1024xf32, #tpu.memory_space<vmem>>, vector<16xf32>,
        %broadcast_in_dim3A_292 = arith.constant 9 : i32
        %broadcast_in_dim3A_293 = vector.broadcast %broadcast_in_dim3A_292 : i32 to vector<16xi32>
        %gather3A_294 = tpu.vector_load_idx %arg9[%add3A_197, %broadcast_in_dim3A_293] : memref<800x64xf32, #tpu.memory_space<vmem>>[vector<16xi32>, vector<16xi32>], vector<16xf32>,
        %gather3A_295 = tpu.vector_load_idx %arg10[%rem3A_200, %broadcast_in_dim3A_293] : memref<200x64xf32, #tpu.memory_space<vmem>>[vector<16xi32>, vector<16xi32>], vector<16xf32>,
        %add3A_296 = arith.addf %gather3A_294, %gather3A_295 : vector<16xf32>
        %add3A_297 = arith.addf %add3A_287, %add3A_296 : vector<16xf32>
        %mul3A_298 = arith.mulf %add3A_296, %add3A_296 : vector<16xf32>
        %add3A_299 = arith.addf %add3A_289, %mul3A_298 : vector<16xf32>
        %swap3A_300 = arith.constant 144 : index
        %swap3A_301 = tpu.vector_load %arg13[%swap3A_300] {strides = array<i32>} : memref<1024xf32, #tpu.memory_space<vmem>>, vector<16xf32>,
        tpu.vector_store %arg13[%swap3A_300], %add3A_296 {strides = array<i32>} : memref<1024xf32, #tpu.memory_space<vmem>>, vector<16xf32>,
        %broadcast_in_dim3A_302 = arith.constant 10 : i32
        %broadcast_in_dim3A_303 = vector.broadcast %broadcast_in_dim3A_302 : i32 to vector<16xi32>
        %gather3A_304 = tpu.vector_load_idx %arg9[%add3A_197, %broadcast_in_dim3A_303] : memref<800x64xf32, #tpu.memory_space<vmem>>[vector<16xi32>, vector<16xi32>], vector<16xf32>,
        %gather3A_305 = tpu.vector_load_idx %arg10[%rem3A_200, %broadcast_in_dim3A_303] : memref<200x64xf32, #tpu.memory_space<vmem>>[vector<16xi32>, vector<16xi32>], vector<16xf32>,
        %add3A_306 = arith.addf %gather3A_304, %gather3A_305 : vector<16xf32>
        %add3A_307 = arith.addf %add3A_297, %add3A_306 : vector<16xf32>
        %mul3A_308 = arith.mulf %add3A_306, %add3A_306 : vector<16xf32>
        %add3A_309 = arith.addf %add3A_299, %mul3A_308 : vector<16xf32>
        %swap3A_310 = arith.constant 160 : index
        %swap3A_311 = tpu.vector_load %arg13[%swap3A_310] {strides = array<i32>} : memref<1024xf32, #tpu.memory_space<vmem>>, vector<16xf32>,
        tpu.vector_store %arg13[%swap3A_310], %add3A_306 {strides = array<i32>} : memref<1024xf32, #tpu.memory_space<vmem>>, vector<16xf32>,
        %broadcast_in_dim3A_312 = arith.constant 11 : i32
        %broadcast_in_dim3A_313 = vector.broadcast %broadcast_in_dim3A_312 : i32 to vector<16xi32>
        %gather3A_314 = tpu.vector_load_idx %arg9[%add3A_197, %broadcast_in_dim3A_313] : memref<800x64xf32, #tpu.memory_space<vmem>>[vector<16xi32>, vector<16xi32>], vector<16xf32>,
        %gather3A_315 = tpu.vector_load_idx %arg10[%rem3A_200, %broadcast_in_dim3A_313] : memref<200x64xf32, #tpu.memory_space<vmem>>[vector<16xi32>, vector<16xi32>], vector<16xf32>,
        %add3A_316 = arith.addf %gather3A_314, %gather3A_315 : vector<16xf32>
        %add3A_317 = arith.addf %add3A_307, %add3A_316 : vector<16xf32>
        %mul3A_318 = arith.mulf %add3A_316, %add3A_316 : vector<16xf32>
        %add3A_319 = arith.addf %add3A_309, %mul3A_318 : vector<16xf32>
        %swap3A_320 = arith.constant 176 : index
        %swap3A_321 = tpu.vector_load %arg13[%swap3A_320] {strides = array<i32>} : memref<1024xf32, #tpu.memory_space<vmem>>, vector<16xf32>,
        tpu.vector_store %arg13[%swap3A_320], %add3A_316 {strides = array<i32>} : memref<1024xf32, #tpu.memory_space<vmem>>, vector<16xf32>,
        %broadcast_in_dim3A_322 = arith.constant 12 : i32
        %broadcast_in_dim3A_323 = vector.broadcast %broadcast_in_dim3A_322 : i32 to vector<16xi32>
        %gather3A_324 = tpu.vector_load_idx %arg9[%add3A_197, %broadcast_in_dim3A_323] : memref<800x64xf32, #tpu.memory_space<vmem>>[vector<16xi32>, vector<16xi32>], vector<16xf32>,
        %gather3A_325 = tpu.vector_load_idx %arg10[%rem3A_200, %broadcast_in_dim3A_323] : memref<200x64xf32, #tpu.memory_space<vmem>>[vector<16xi32>, vector<16xi32>], vector<16xf32>,
        %add3A_326 = arith.addf %gather3A_324, %gather3A_325 : vector<16xf32>
        %add3A_327 = arith.addf %add3A_317, %add3A_326 : vector<16xf32>
        %mul3A_328 = arith.mulf %add3A_326, %add3A_326 : vector<16xf32>
        %add3A_329 = arith.addf %add3A_319, %mul3A_328 : vector<16xf32>
        %swap3A_330 = arith.constant 192 : index
        %swap3A_331 = tpu.vector_load %arg13[%swap3A_330] {strides = array<i32>} : memref<1024xf32, #tpu.memory_space<vmem>>, vector<16xf32>,
        tpu.vector_store %arg13[%swap3A_330], %add3A_326 {strides = array<i32>} : memref<1024xf32, #tpu.memory_space<vmem>>, vector<16xf32>,
        %broadcast_in_dim3A_332 = arith.constant 13 : i32
        %broadcast_in_dim3A_333 = vector.broadcast %broadcast_in_dim3A_332 : i32 to vector<16xi32>
        %gather3A_334 = tpu.vector_load_idx %arg9[%add3A_197, %broadcast_in_dim3A_333] : memref<800x64xf32, #tpu.memory_space<vmem>>[vector<16xi32>, vector<16xi32>], vector<16xf32>,
        %gather3A_335 = tpu.vector_load_idx %arg10[%rem3A_200, %broadcast_in_dim3A_333] : memref<200x64xf32, #tpu.memory_space<vmem>>[vector<16xi32>, vector<16xi32>], vector<16xf32>,
        %add3A_336 = arith.addf %gather3A_334, %gather3A_335 : vector<16xf32>
        %add3A_337 = arith.addf %add3A_327, %add3A_336 : vector<16xf32>
        %mul3A_338 = arith.mulf %add3A_336, %add3A_336 : vector<16xf32>
        %add3A_339 = arith.addf %add3A_329, %mul3A_338 : vector<16xf32>
        %swap3A_340 = arith.constant 208 : index
        %swap3A_341 = tpu.vector_load %arg13[%swap3A_340] {strides = array<i32>} : memref<1024xf32, #tpu.memory_space<vmem>>, vector<16xf32>,
        tpu.vector_store %arg13[%swap3A_340], %add3A_336 {strides = array<i32>} : memref<1024xf32, #tpu.memory_space<vmem>>, vector<16xf32>,
        %broadcast_in_dim3A_342 = arith.constant 14 : i32
        %broadcast_in_dim3A_343 = vector.broadcast %broadcast_in_dim3A_342 : i32 to vector<16xi32>
        %gather3A_344 = tpu.vector_load_idx %arg9[%add3A_197, %broadcast_in_dim3A_343] : memref<800x64xf32, #tpu.memory_space<vmem>>[vector<16xi32>, vector<16xi32>], vector<16xf32>,
        %gather3A_345 = tpu.vector_load_idx %arg10[%rem3A_200, %broadcast_in_dim3A_343] : memref<200x64xf32, #tpu.memory_space<vmem>>[vector<16xi32>, vector<16xi32>], vector<16xf32>,
        %add3A_346 = arith.addf %gather3A_344, %gather3A_345 : vector<16xf32>
        %add3A_347 = arith.addf %add3A_337, %add3A_346 : vector<16xf32>
        %mul3A_348 = arith.mulf %add3A_346, %add3A_346 : vector<16xf32>
        %add3A_349 = arith.addf %add3A_339, %mul3A_348 : vector<16xf32>
        %swap3A_350 = arith.constant 224 : index
        %swap3A_351 = tpu.vector_load %arg13[%swap3A_350] {strides = array<i32>} : memref<1024xf32, #tpu.memory_space<vmem>>, vector<16xf32>,
        tpu.vector_store %arg13[%swap3A_350], %add3A_346 {strides = array<i32>} : memref<1024xf32, #tpu.memory_space<vmem>>, vector<16xf32>,
        %broadcast_in_dim3A_352 = arith.constant 15 : i32
        %broadcast_in_dim3A_353 = vector.broadcast %broadcast_in_dim3A_352 : i32 to vector<16xi32>
        %gather3A_354 = tpu.vector_load_idx %arg9[%add3A_197, %broadcast_in_dim3A_353] : memref<800x64xf32, #tpu.memory_space<vmem>>[vector<16xi32>, vector<16xi32>], vector<16xf32>,
        %gather3A_355 = tpu.vector_load_idx %arg10[%rem3A_200, %broadcast_in_dim3A_353] : memref<200x64xf32, #tpu.memory_space<vmem>>[vector<16xi32>, vector<16xi32>], vector<16xf32>,
        %add3A_356 = arith.addf %gather3A_354, %gather3A_355 : vector<16xf32>
        %add3A_357 = arith.addf %add3A_347, %add3A_356 : vector<16xf32>
        %mul3A_358 = arith.mulf %add3A_356, %add3A_356 : vector<16xf32>
        %add3A_359 = arith.addf %add3A_349, %mul3A_358 : vector<16xf32>
        %swap3A_360 = arith.constant 240 : index
        %swap3A_361 = tpu.vector_load %arg13[%swap3A_360] {strides = array<i32>} : memref<1024xf32, #tpu.memory_space<vmem>>, vector<16xf32>,
        tpu.vector_store %arg13[%swap3A_360], %add3A_356 {strides = array<i32>} : memref<1024xf32, #tpu.memory_space<vmem>>, vector<16xf32>,
        %broadcast_in_dim3A_362 = arith.constant 16 : i32
        %broadcast_in_dim3A_363 = vector.broadcast %broadcast_in_dim3A_362 : i32 to vector<16xi32>
        %gather3A_364 = tpu.vector_load_idx %arg9[%add3A_197, %broadcast_in_dim3A_363] : memref<800x64xf32, #tpu.memory_space<vmem>>[vector<16xi32>, vector<16xi32>], vector<16xf32>,
        %gather3A_365 = tpu.vector_load_idx %arg10[%rem3A_200, %broadcast_in_dim3A_363] : memref<200x64xf32, #tpu.memory_space<vmem>>[vector<16xi32>, vector<16xi32>], vector<16xf32>,
        %add3A_366 = arith.addf %gather3A_364, %gather3A_365 : vector<16xf32>
        %add3A_367 = arith.addf %add3A_357, %add3A_366 : vector<16xf32>
        %mul3A_368 = arith.mulf %add3A_366, %add3A_366 : vector<16xf32>
        %add3A_369 = arith.addf %add3A_359, %mul3A_368 : vector<16xf32>
        %swap3A_370 = arith.constant 256 : index
        %swap3A_371 = tpu.vector_load %arg13[%swap3A_370] {strides = array<i32>} : memref<1024xf32, #tpu.memory_space<vmem>>, vector<16xf32>,
        tpu.vector_store %arg13[%swap3A_370], %add3A_366 {strides = array<i32>} : memref<1024xf32, #tpu.memory_space<vmem>>, vector<16xf32>,
        %broadcast_in_dim3A_372 = arith.constant 17 : i32
        %broadcast_in_dim3A_373 = vector.broadcast %broadcast_in_dim3A_372 : i32 to vector<16xi32>
        %gather3A_374 = tpu.vector_load_idx %arg9[%add3A_197, %broadcast_in_dim3A_373] : memref<800x64xf32, #tpu.memory_space<vmem>>[vector<16xi32>, vector<16xi32>], vector<16xf32>,
        %gather3A_375 = tpu.vector_load_idx %arg10[%rem3A_200, %broadcast_in_dim3A_373] : memref<200x64xf32, #tpu.memory_space<vmem>>[vector<16xi32>, vector<16xi32>], vector<16xf32>,
        %add3A_376 = arith.addf %gather3A_374, %gather3A_375 : vector<16xf32>
        %add3A_377 = arith.addf %add3A_367, %add3A_376 : vector<16xf32>
        %mul3A_378 = arith.mulf %add3A_376, %add3A_376 : vector<16xf32>
        %add3A_379 = arith.addf %add3A_369, %mul3A_378 : vector<16xf32>
        %swap3A_380 = arith.constant 272 : index
        %swap3A_381 = tpu.vector_load %arg13[%swap3A_380] {strides = array<i32>} : memref<1024xf32, #tpu.memory_space<vmem>>, vector<16xf32>,
        tpu.vector_store %arg13[%swap3A_380], %add3A_376 {strides = array<i32>} : memref<1024xf32, #tpu.memory_space<vmem>>, vector<16xf32>,
        %broadcast_in_dim3A_382 = arith.constant 18 : i32
        %broadcast_in_dim3A_383 = vector.broadcast %broadcast_in_dim3A_382 : i32 to vector<16xi32>
        %gather3A_384 = tpu.vector_load_idx %arg9[%add3A_197, %broadcast_in_dim3A_383] : memref<800x64xf32, #tpu.memory_space<vmem>>[vector<16xi32>, vector<16xi32>], vector<16xf32>,
        %gather3A_385 = tpu.vector_load_idx %arg10[%rem3A_200, %broadcast_in_dim3A_383] : memref<200x64xf32, #tpu.memory_space<vmem>>[vector<16xi32>, vector<16xi32>], vector<16xf32>,
        %add3A_386 = arith.addf %gather3A_384, %gather3A_385 : vector<16xf32>
        %add3A_387 = arith.addf %add3A_377, %add3A_386 : vector<16xf32>
        %mul3A_388 = arith.mulf %add3A_386, %add3A_386 : vector<16xf32>
        %add3A_389 = arith.addf %add3A_379, %mul3A_388 : vector<16xf32>
        %swap3A_390 = arith.constant 288 : index
        %swap3A_391 = tpu.vector_load %arg13[%swap3A_390] {strides = array<i32>} : memref<1024xf32, #tpu.memory_space<vmem>>, vector<16xf32>,
        tpu.vector_store %arg13[%swap3A_390], %add3A_386 {strides = array<i32>} : memref<1024xf32, #tpu.memory_space<vmem>>, vector<16xf32>,
        %broadcast_in_dim3A_392 = arith.constant 19 : i32
        %broadcast_in_dim3A_393 = vector.broadcast %broadcast_in_dim3A_392 : i32 to vector<16xi32>
        %gather3A_394 = tpu.vector_load_idx %arg9[%add3A_197, %broadcast_in_dim3A_393] : memref<800x64xf32, #tpu.memory_space<vmem>>[vector<16xi32>, vector<16xi32>], vector<16xf32>,
        %gather3A_395 = tpu.vector_load_idx %arg10[%rem3A_200, %broadcast_in_dim3A_393] : memref<200x64xf32, #tpu.memory_space<vmem>>[vector<16xi32>, vector<16xi32>], vector<16xf32>,
        %add3A_396 = arith.addf %gather3A_394, %gather3A_395 : vector<16xf32>
        %add3A_397 = arith.addf %add3A_387, %add3A_396 : vector<16xf32>
        %mul3A_398 = arith.mulf %add3A_396, %add3A_396 : vector<16xf32>
        %add3A_399 = arith.addf %add3A_389, %mul3A_398 : vector<16xf32>
        %swap3A_400 = arith.constant 304 : index
        %swap3A_401 = tpu.vector_load %arg13[%swap3A_400] {strides = array<i32>} : memref<1024xf32, #tpu.memory_space<vmem>>, vector<16xf32>,
        tpu.vector_store %arg13[%swap3A_400], %add3A_396 {strides = array<i32>} : memref<1024xf32, #tpu.memory_space<vmem>>, vector<16xf32>,
        %broadcast_in_dim3A_402 = arith.constant 20 : i32
        %broadcast_in_dim3A_403 = vector.broadcast %broadcast_in_dim3A_402 : i32 to vector<16xi32>
        %gather3A_404 = tpu.vector_load_idx %arg9[%add3A_197, %broadcast_in_dim3A_403] : memref<800x64xf32, #tpu.memory_space<vmem>>[vector<16xi32>, vector<16xi32>], vector<16xf32>,
        %gather3A_405 = tpu.vector_load_idx %arg10[%rem3A_200, %broadcast_in_dim3A_403] : memref<200x64xf32, #tpu.memory_space<vmem>>[vector<16xi32>, vector<16xi32>], vector<16xf32>,
        %add3A_406 = arith.addf %gather3A_404, %gather3A_405 : vector<16xf32>
        %add3A_407 = arith.addf %add3A_397, %add3A_406 : vector<16xf32>
        %mul3A_408 = arith.mulf %add3A_406, %add3A_406 : vector<16xf32>
        %add3A_409 = arith.addf %add3A_399, %mul3A_408 : vector<16xf32>
        %swap3A_410 = arith.constant 320 : index
        %swap3A_411 = tpu.vector_load %arg13[%swap3A_410] {strides = array<i32>} : memref<1024xf32, #tpu.memory_space<vmem>>, vector<16xf32>,
        tpu.vector_store %arg13[%swap3A_410], %add3A_406 {strides = array<i32>} : memref<1024xf32, #tpu.memory_space<vmem>>, vector<16xf32>,
        %broadcast_in_dim3A_412 = arith.constant 21 : i32
        %broadcast_in_dim3A_413 = vector.broadcast %broadcast_in_dim3A_412 : i32 to vector<16xi32>
        %gather3A_414 = tpu.vector_load_idx %arg9[%add3A_197, %broadcast_in_dim3A_413] : memref<800x64xf32, #tpu.memory_space<vmem>>[vector<16xi32>, vector<16xi32>], vector<16xf32>,
        %gather3A_415 = tpu.vector_load_idx %arg10[%rem3A_200, %broadcast_in_dim3A_413] : memref<200x64xf32, #tpu.memory_space<vmem>>[vector<16xi32>, vector<16xi32>], vector<16xf32>,
        %add3A_416 = arith.addf %gather3A_414, %gather3A_415 : vector<16xf32>
        %add3A_417 = arith.addf %add3A_407, %add3A_416 : vector<16xf32>
        %mul3A_418 = arith.mulf %add3A_416, %add3A_416 : vector<16xf32>
        %add3A_419 = arith.addf %add3A_409, %mul3A_418 : vector<16xf32>
        %swap3A_420 = arith.constant 336 : index
        %swap3A_421 = tpu.vector_load %arg13[%swap3A_420] {strides = array<i32>} : memref<1024xf32, #tpu.memory_space<vmem>>, vector<16xf32>,
        tpu.vector_store %arg13[%swap3A_420], %add3A_416 {strides = array<i32>} : memref<1024xf32, #tpu.memory_space<vmem>>, vector<16xf32>,
        %broadcast_in_dim3A_422 = arith.constant 22 : i32
        %broadcast_in_dim3A_423 = vector.broadcast %broadcast_in_dim3A_422 : i32 to vector<16xi32>
        %gather3A_424 = tpu.vector_load_idx %arg9[%add3A_197, %broadcast_in_dim3A_423] : memref<800x64xf32, #tpu.memory_space<vmem>>[vector<16xi32>, vector<16xi32>], vector<16xf32>,
        %gather3A_425 = tpu.vector_load_idx %arg10[%rem3A_200, %broadcast_in_dim3A_423] : memref<200x64xf32, #tpu.memory_space<vmem>>[vector<16xi32>, vector<16xi32>], vector<16xf32>,
        %add3A_426 = arith.addf %gather3A_424, %gather3A_425 : vector<16xf32>
        %add3A_427 = arith.addf %add3A_417, %add3A_426 : vector<16xf32>
        %mul3A_428 = arith.mulf %add3A_426, %add3A_426 : vector<16xf32>
        %add3A_429 = arith.addf %add3A_419, %mul3A_428 : vector<16xf32>
        %swap3A_430 = arith.constant 352 : index
        %swap3A_431 = tpu.vector_load %arg13[%swap3A_430] {strides = array<i32>} : memref<1024xf32, #tpu.memory_space<vmem>>, vector<16xf32>,
        tpu.vector_store %arg13[%swap3A_430], %add3A_426 {strides = array<i32>} : memref<1024xf32, #tpu.memory_space<vmem>>, vector<16xf32>,
        %broadcast_in_dim3A_432 = arith.constant 23 : i32
        %broadcast_in_dim3A_433 = vector.broadcast %broadcast_in_dim3A_432 : i32 to vector<16xi32>
        %gather3A_434 = tpu.vector_load_idx %arg9[%add3A_197, %broadcast_in_dim3A_433] : memref<800x64xf32, #tpu.memory_space<vmem>>[vector<16xi32>, vector<16xi32>], vector<16xf32>,
        %gather3A_435 = tpu.vector_load_idx %arg10[%rem3A_200, %broadcast_in_dim3A_433] : memref<200x64xf32, #tpu.memory_space<vmem>>[vector<16xi32>, vector<16xi32>], vector<16xf32>,
        %add3A_436 = arith.addf %gather3A_434, %gather3A_435 : vector<16xf32>
        %add3A_437 = arith.addf %add3A_427, %add3A_436 : vector<16xf32>
        %mul3A_438 = arith.mulf %add3A_436, %add3A_436 : vector<16xf32>
        %add3A_439 = arith.addf %add3A_429, %mul3A_438 : vector<16xf32>
        %swap3A_440 = arith.constant 368 : index
        %swap3A_441 = tpu.vector_load %arg13[%swap3A_440] {strides = array<i32>} : memref<1024xf32, #tpu.memory_space<vmem>>, vector<16xf32>,
        tpu.vector_store %arg13[%swap3A_440], %add3A_436 {strides = array<i32>} : memref<1024xf32, #tpu.memory_space<vmem>>, vector<16xf32>,
        %broadcast_in_dim3A_442 = arith.constant 24 : i32
        %broadcast_in_dim3A_443 = vector.broadcast %broadcast_in_dim3A_442 : i32 to vector<16xi32>
        %gather3A_444 = tpu.vector_load_idx %arg9[%add3A_197, %broadcast_in_dim3A_443] : memref<800x64xf32, #tpu.memory_space<vmem>>[vector<16xi32>, vector<16xi32>], vector<16xf32>,
        %gather3A_445 = tpu.vector_load_idx %arg10[%rem3A_200, %broadcast_in_dim3A_443] : memref<200x64xf32, #tpu.memory_space<vmem>>[vector<16xi32>, vector<16xi32>], vector<16xf32>,
        %add3A_446 = arith.addf %gather3A_444, %gather3A_445 : vector<16xf32>
        %add3A_447 = arith.addf %add3A_437, %add3A_446 : vector<16xf32>
        %mul3A_448 = arith.mulf %add3A_446, %add3A_446 : vector<16xf32>
        %add3A_449 = arith.addf %add3A_439, %mul3A_448 : vector<16xf32>
        %swap3A_450 = arith.constant 384 : index
        %swap3A_451 = tpu.vector_load %arg13[%swap3A_450] {strides = array<i32>} : memref<1024xf32, #tpu.memory_space<vmem>>, vector<16xf32>,
        tpu.vector_store %arg13[%swap3A_450], %add3A_446 {strides = array<i32>} : memref<1024xf32, #tpu.memory_space<vmem>>, vector<16xf32>,
        %broadcast_in_dim3A_452 = arith.constant 25 : i32
        %broadcast_in_dim3A_453 = vector.broadcast %broadcast_in_dim3A_452 : i32 to vector<16xi32>
        %gather3A_454 = tpu.vector_load_idx %arg9[%add3A_197, %broadcast_in_dim3A_453] : memref<800x64xf32, #tpu.memory_space<vmem>>[vector<16xi32>, vector<16xi32>], vector<16xf32>,
        %gather3A_455 = tpu.vector_load_idx %arg10[%rem3A_200, %broadcast_in_dim3A_453] : memref<200x64xf32, #tpu.memory_space<vmem>>[vector<16xi32>, vector<16xi32>], vector<16xf32>,
        %add3A_456 = arith.addf %gather3A_454, %gather3A_455 : vector<16xf32>
        %add3A_457 = arith.addf %add3A_447, %add3A_456 : vector<16xf32>
        %mul3A_458 = arith.mulf %add3A_456, %add3A_456 : vector<16xf32>
        %add3A_459 = arith.addf %add3A_449, %mul3A_458 : vector<16xf32>
        %swap3A_460 = arith.constant 400 : index
        %swap3A_461 = tpu.vector_load %arg13[%swap3A_460] {strides = array<i32>} : memref<1024xf32, #tpu.memory_space<vmem>>, vector<16xf32>,
        tpu.vector_store %arg13[%swap3A_460], %add3A_456 {strides = array<i32>} : memref<1024xf32, #tpu.memory_space<vmem>>, vector<16xf32>,
        %broadcast_in_dim3A_462 = arith.constant 26 : i32
        %broadcast_in_dim3A_463 = vector.broadcast %broadcast_in_dim3A_462 : i32 to vector<16xi32>
        %gather3A_464 = tpu.vector_load_idx %arg9[%add3A_197, %broadcast_in_dim3A_463] : memref<800x64xf32, #tpu.memory_space<vmem>>[vector<16xi32>, vector<16xi32>], vector<16xf32>,
        %gather3A_465 = tpu.vector_load_idx %arg10[%rem3A_200, %broadcast_in_dim3A_463] : memref<200x64xf32, #tpu.memory_space<vmem>>[vector<16xi32>, vector<16xi32>], vector<16xf32>,
        %add3A_466 = arith.addf %gather3A_464, %gather3A_465 : vector<16xf32>
        %add3A_467 = arith.addf %add3A_457, %add3A_466 : vector<16xf32>
        %mul3A_468 = arith.mulf %add3A_466, %add3A_466 : vector<16xf32>
        %add3A_469 = arith.addf %add3A_459, %mul3A_468 : vector<16xf32>
        %swap3A_470 = arith.constant 416 : index
        %swap3A_471 = tpu.vector_load %arg13[%swap3A_470] {strides = array<i32>} : memref<1024xf32, #tpu.memory_space<vmem>>, vector<16xf32>,
        tpu.vector_store %arg13[%swap3A_470], %add3A_466 {strides = array<i32>} : memref<1024xf32, #tpu.memory_space<vmem>>, vector<16xf32>,
        %broadcast_in_dim3A_472 = arith.constant 27 : i32
        %broadcast_in_dim3A_473 = vector.broadcast %broadcast_in_dim3A_472 : i32 to vector<16xi32>
        %gather3A_474 = tpu.vector_load_idx %arg9[%add3A_197, %broadcast_in_dim3A_473] : memref<800x64xf32, #tpu.memory_space<vmem>>[vector<16xi32>, vector<16xi32>], vector<16xf32>,
        %gather3A_475 = tpu.vector_load_idx %arg10[%rem3A_200, %broadcast_in_dim3A_473] : memref<200x64xf32, #tpu.memory_space<vmem>>[vector<16xi32>, vector<16xi32>], vector<16xf32>,
        %add3A_476 = arith.addf %gather3A_474, %gather3A_475 : vector<16xf32>
        %add3A_477 = arith.addf %add3A_467, %add3A_476 : vector<16xf32>
        %mul3A_478 = arith.mulf %add3A_476, %add3A_476 : vector<16xf32>
        %add3A_479 = arith.addf %add3A_469, %mul3A_478 : vector<16xf32>
        %swap3A_480 = arith.constant 432 : index
        %swap3A_481 = tpu.vector_load %arg13[%swap3A_480] {strides = array<i32>} : memref<1024xf32, #tpu.memory_space<vmem>>, vector<16xf32>,
        tpu.vector_store %arg13[%swap3A_480], %add3A_476 {strides = array<i32>} : memref<1024xf32, #tpu.memory_space<vmem>>, vector<16xf32>,
        %broadcast_in_dim3A_482 = arith.constant 28 : i32
        %broadcast_in_dim3A_483 = vector.broadcast %broadcast_in_dim3A_482 : i32 to vector<16xi32>
        %gather3A_484 = tpu.vector_load_idx %arg9[%add3A_197, %broadcast_in_dim3A_483] : memref<800x64xf32, #tpu.memory_space<vmem>>[vector<16xi32>, vector<16xi32>], vector<16xf32>,
        %gather3A_485 = tpu.vector_load_idx %arg10[%rem3A_200, %broadcast_in_dim3A_483] : memref<200x64xf32, #tpu.memory_space<vmem>>[vector<16xi32>, vector<16xi32>], vector<16xf32>,
        %add3A_486 = arith.addf %gather3A_484, %gather3A_485 : vector<16xf32>
        %add3A_487 = arith.addf %add3A_477, %add3A_486 : vector<16xf32>
        %mul3A_488 = arith.mulf %add3A_486, %add3A_486 : vector<16xf32>
        %add3A_489 = arith.addf %add3A_479, %mul3A_488 : vector<16xf32>
        %swap3A_490 = arith.constant 448 : index
        %swap3A_491 = tpu.vector_load %arg13[%swap3A_490] {strides = array<i32>} : memref<1024xf32, #tpu.memory_space<vmem>>, vector<16xf32>,
        tpu.vector_store %arg13[%swap3A_490], %add3A_486 {strides = array<i32>} : memref<1024xf32, #tpu.memory_space<vmem>>, vector<16xf32>,
        %broadcast_in_dim3A_492 = arith.constant 29 : i32
        %broadcast_in_dim3A_493 = vector.broadcast %broadcast_in_dim3A_492 : i32 to vector<16xi32>
        %gather3A_494 = tpu.vector_load_idx %arg9[%add3A_197, %broadcast_in_dim3A_493] : memref<800x64xf32, #tpu.memory_space<vmem>>[vector<16xi32>, vector<16xi32>], vector<16xf32>,
        %gather3A_495 = tpu.vector_load_idx %arg10[%rem3A_200, %broadcast_in_dim3A_493] : memref<200x64xf32, #tpu.memory_space<vmem>>[vector<16xi32>, vector<16xi32>], vector<16xf32>,
        %add3A_496 = arith.addf %gather3A_494, %gather3A_495 : vector<16xf32>
        %add3A_497 = arith.addf %add3A_487, %add3A_496 : vector<16xf32>
        %mul3A_498 = arith.mulf %add3A_496, %add3A_496 : vector<16xf32>
        %add3A_499 = arith.addf %add3A_489, %mul3A_498 : vector<16xf32>
        %swap3A_500 = arith.constant 464 : index
        %swap3A_501 = tpu.vector_load %arg13[%swap3A_500] {strides = array<i32>} : memref<1024xf32, #tpu.memory_space<vmem>>, vector<16xf32>,
        tpu.vector_store %arg13[%swap3A_500], %add3A_496 {strides = array<i32>} : memref<1024xf32, #tpu.memory_space<vmem>>, vector<16xf32>,
        %broadcast_in_dim3A_502 = arith.constant 30 : i32
        %broadcast_in_dim3A_503 = vector.broadcast %broadcast_in_dim3A_502 : i32 to vector<16xi32>
        %gather3A_504 = tpu.vector_load_idx %arg9[%add3A_197, %broadcast_in_dim3A_503] : memref<800x64xf32, #tpu.memory_space<vmem>>[vector<16xi32>, vector<16xi32>], vector<16xf32>,
        %gather3A_505 = tpu.vector_load_idx %arg10[%rem3A_200, %broadcast_in_dim3A_503] : memref<200x64xf32, #tpu.memory_space<vmem>>[vector<16xi32>, vector<16xi32>], vector<16xf32>,
        %add3A_506 = arith.addf %gather3A_504, %gather3A_505 : vector<16xf32>
        %add3A_507 = arith.addf %add3A_497, %add3A_506 : vector<16xf32>
        %mul3A_508 = arith.mulf %add3A_506, %add3A_506 : vector<16xf32>
        %add3A_509 = arith.addf %add3A_499, %mul3A_508 : vector<16xf32>
        %swap3A_510 = arith.constant 480 : index
        %swap3A_511 = tpu.vector_load %arg13[%swap3A_510] {strides = array<i32>} : memref<1024xf32, #tpu.memory_space<vmem>>, vector<16xf32>,
        tpu.vector_store %arg13[%swap3A_510], %add3A_506 {strides = array<i32>} : memref<1024xf32, #tpu.memory_space<vmem>>, vector<16xf32>,
        %broadcast_in_dim3A_512 = arith.constant 31 : i32
        %broadcast_in_dim3A_513 = vector.broadcast %broadcast_in_dim3A_512 : i32 to vector<16xi32>
        %gather3A_514 = tpu.vector_load_idx %arg9[%add3A_197, %broadcast_in_dim3A_513] : memref<800x64xf32, #tpu.memory_space<vmem>>[vector<16xi32>, vector<16xi32>], vector<16xf32>,
        %gather3A_515 = tpu.vector_load_idx %arg10[%rem3A_200, %broadcast_in_dim3A_513] : memref<200x64xf32, #tpu.memory_space<vmem>>[vector<16xi32>, vector<16xi32>], vector<16xf32>,
        %add3A_516 = arith.addf %gather3A_514, %gather3A_515 : vector<16xf32>
        %add3A_517 = arith.addf %add3A_507, %add3A_516 : vector<16xf32>
        %mul3A_518 = arith.mulf %add3A_516, %add3A_516 : vector<16xf32>
        %add3A_519 = arith.addf %add3A_509, %mul3A_518 : vector<16xf32>
        %swap3A_520 = arith.constant 496 : index
        %swap3A_521 = tpu.vector_load %arg13[%swap3A_520] {strides = array<i32>} : memref<1024xf32, #tpu.memory_space<vmem>>, vector<16xf32>,
        tpu.vector_store %arg13[%swap3A_520], %add3A_516 {strides = array<i32>} : memref<1024xf32, #tpu.memory_space<vmem>>, vector<16xf32>,
        %broadcast_in_dim3A_522 = arith.constant 32 : i32
        %broadcast_in_dim3A_523 = vector.broadcast %broadcast_in_dim3A_522 : i32 to vector<16xi32>
        %gather3A_524 = tpu.vector_load_idx %arg9[%add3A_197, %broadcast_in_dim3A_523] : memref<800x64xf32, #tpu.memory_space<vmem>>[vector<16xi32>, vector<16xi32>], vector<16xf32>,
        %gather3A_525 = tpu.vector_load_idx %arg10[%rem3A_200, %broadcast_in_dim3A_523] : memref<200x64xf32, #tpu.memory_space<vmem>>[vector<16xi32>, vector<16xi32>], vector<16xf32>,
        %add3A_526 = arith.addf %gather3A_524, %gather3A_525 : vector<16xf32>
        %add3A_527 = arith.addf %add3A_517, %add3A_526 : vector<16xf32>
        %mul3A_528 = arith.mulf %add3A_526, %add3A_526 : vector<16xf32>
        %add3A_529 = arith.addf %add3A_519, %mul3A_528 : vector<16xf32>
        %swap3A_530 = arith.constant 512 : index
        %swap3A_531 = tpu.vector_load %arg13[%swap3A_530] {strides = array<i32>} : memref<1024xf32, #tpu.memory_space<vmem>>, vector<16xf32>,
        tpu.vector_store %arg13[%swap3A_530], %add3A_526 {strides = array<i32>} : memref<1024xf32, #tpu.memory_space<vmem>>, vector<16xf32>,
        %broadcast_in_dim3A_532 = arith.constant 33 : i32
        %broadcast_in_dim3A_533 = vector.broadcast %broadcast_in_dim3A_532 : i32 to vector<16xi32>
        %gather3A_534 = tpu.vector_load_idx %arg9[%add3A_197, %broadcast_in_dim3A_533] : memref<800x64xf32, #tpu.memory_space<vmem>>[vector<16xi32>, vector<16xi32>], vector<16xf32>,
        %gather3A_535 = tpu.vector_load_idx %arg10[%rem3A_200, %broadcast_in_dim3A_533] : memref<200x64xf32, #tpu.memory_space<vmem>>[vector<16xi32>, vector<16xi32>], vector<16xf32>,
        %add3A_536 = arith.addf %gather3A_534, %gather3A_535 : vector<16xf32>
        %add3A_537 = arith.addf %add3A_527, %add3A_536 : vector<16xf32>
        %mul3A_538 = arith.mulf %add3A_536, %add3A_536 : vector<16xf32>
        %add3A_539 = arith.addf %add3A_529, %mul3A_538 : vector<16xf32>
        %swap3A_540 = arith.constant 528 : index
        %swap3A_541 = tpu.vector_load %arg13[%swap3A_540] {strides = array<i32>} : memref<1024xf32, #tpu.memory_space<vmem>>, vector<16xf32>,
        tpu.vector_store %arg13[%swap3A_540], %add3A_536 {strides = array<i32>} : memref<1024xf32, #tpu.memory_space<vmem>>, vector<16xf32>,
        %broadcast_in_dim3A_542 = arith.constant 34 : i32
        %broadcast_in_dim3A_543 = vector.broadcast %broadcast_in_dim3A_542 : i32 to vector<16xi32>
        %gather3A_544 = tpu.vector_load_idx %arg9[%add3A_197, %broadcast_in_dim3A_543] : memref<800x64xf32, #tpu.memory_space<vmem>>[vector<16xi32>, vector<16xi32>], vector<16xf32>,
        %gather3A_545 = tpu.vector_load_idx %arg10[%rem3A_200, %broadcast_in_dim3A_543] : memref<200x64xf32, #tpu.memory_space<vmem>>[vector<16xi32>, vector<16xi32>], vector<16xf32>,
        %add3A_546 = arith.addf %gather3A_544, %gather3A_545 : vector<16xf32>
        %add3A_547 = arith.addf %add3A_537, %add3A_546 : vector<16xf32>
        %mul3A_548 = arith.mulf %add3A_546, %add3A_546 : vector<16xf32>
        %add3A_549 = arith.addf %add3A_539, %mul3A_548 : vector<16xf32>
        %swap3A_550 = arith.constant 544 : index
        %swap3A_551 = tpu.vector_load %arg13[%swap3A_550] {strides = array<i32>} : memref<1024xf32, #tpu.memory_space<vmem>>, vector<16xf32>,
        tpu.vector_store %arg13[%swap3A_550], %add3A_546 {strides = array<i32>} : memref<1024xf32, #tpu.memory_space<vmem>>, vector<16xf32>,
        %broadcast_in_dim3A_552 = arith.constant 35 : i32
        %broadcast_in_dim3A_553 = vector.broadcast %broadcast_in_dim3A_552 : i32 to vector<16xi32>
        %gather3A_554 = tpu.vector_load_idx %arg9[%add3A_197, %broadcast_in_dim3A_553] : memref<800x64xf32, #tpu.memory_space<vmem>>[vector<16xi32>, vector<16xi32>], vector<16xf32>,
        %gather3A_555 = tpu.vector_load_idx %arg10[%rem3A_200, %broadcast_in_dim3A_553] : memref<200x64xf32, #tpu.memory_space<vmem>>[vector<16xi32>, vector<16xi32>], vector<16xf32>,
        %add3A_556 = arith.addf %gather3A_554, %gather3A_555 : vector<16xf32>
        %add3A_557 = arith.addf %add3A_547, %add3A_556 : vector<16xf32>
        %mul3A_558 = arith.mulf %add3A_556, %add3A_556 : vector<16xf32>
        %add3A_559 = arith.addf %add3A_549, %mul3A_558 : vector<16xf32>
        %swap3A_560 = arith.constant 560 : index
        %swap3A_561 = tpu.vector_load %arg13[%swap3A_560] {strides = array<i32>} : memref<1024xf32, #tpu.memory_space<vmem>>, vector<16xf32>,
        tpu.vector_store %arg13[%swap3A_560], %add3A_556 {strides = array<i32>} : memref<1024xf32, #tpu.memory_space<vmem>>, vector<16xf32>,
        %broadcast_in_dim3A_562 = arith.constant 36 : i32
        %broadcast_in_dim3A_563 = vector.broadcast %broadcast_in_dim3A_562 : i32 to vector<16xi32>
        %gather3A_564 = tpu.vector_load_idx %arg9[%add3A_197, %broadcast_in_dim3A_563] : memref<800x64xf32, #tpu.memory_space<vmem>>[vector<16xi32>, vector<16xi32>], vector<16xf32>,
        %gather3A_565 = tpu.vector_load_idx %arg10[%rem3A_200, %broadcast_in_dim3A_563] : memref<200x64xf32, #tpu.memory_space<vmem>>[vector<16xi32>, vector<16xi32>], vector<16xf32>,
        %add3A_566 = arith.addf %gather3A_564, %gather3A_565 : vector<16xf32>
        %add3A_567 = arith.addf %add3A_557, %add3A_566 : vector<16xf32>
        %mul3A_568 = arith.mulf %add3A_566, %add3A_566 : vector<16xf32>
        %add3A_569 = arith.addf %add3A_559, %mul3A_568 : vector<16xf32>
        %swap3A_570 = arith.constant 576 : index
        %swap3A_571 = tpu.vector_load %arg13[%swap3A_570] {strides = array<i32>} : memref<1024xf32, #tpu.memory_space<vmem>>, vector<16xf32>,
        tpu.vector_store %arg13[%swap3A_570], %add3A_566 {strides = array<i32>} : memref<1024xf32, #tpu.memory_space<vmem>>, vector<16xf32>,
        %broadcast_in_dim3A_572 = arith.constant 37 : i32
        %broadcast_in_dim3A_573 = vector.broadcast %broadcast_in_dim3A_572 : i32 to vector<16xi32>
        %gather3A_574 = tpu.vector_load_idx %arg9[%add3A_197, %broadcast_in_dim3A_573] : memref<800x64xf32, #tpu.memory_space<vmem>>[vector<16xi32>, vector<16xi32>], vector<16xf32>,
        %gather3A_575 = tpu.vector_load_idx %arg10[%rem3A_200, %broadcast_in_dim3A_573] : memref<200x64xf32, #tpu.memory_space<vmem>>[vector<16xi32>, vector<16xi32>], vector<16xf32>,
        %add3A_576 = arith.addf %gather3A_574, %gather3A_575 : vector<16xf32>
        %add3A_577 = arith.addf %add3A_567, %add3A_576 : vector<16xf32>
        %mul3A_578 = arith.mulf %add3A_576, %add3A_576 : vector<16xf32>
        %add3A_579 = arith.addf %add3A_569, %mul3A_578 : vector<16xf32>
        %swap3A_580 = arith.constant 592 : index
        %swap3A_581 = tpu.vector_load %arg13[%swap3A_580] {strides = array<i32>} : memref<1024xf32, #tpu.memory_space<vmem>>, vector<16xf32>,
        tpu.vector_store %arg13[%swap3A_580], %add3A_576 {strides = array<i32>} : memref<1024xf32, #tpu.memory_space<vmem>>, vector<16xf32>,
        %broadcast_in_dim3A_582 = arith.constant 38 : i32
        %broadcast_in_dim3A_583 = vector.broadcast %broadcast_in_dim3A_582 : i32 to vector<16xi32>
        %gather3A_584 = tpu.vector_load_idx %arg9[%add3A_197, %broadcast_in_dim3A_583] : memref<800x64xf32, #tpu.memory_space<vmem>>[vector<16xi32>, vector<16xi32>], vector<16xf32>,
        %gather3A_585 = tpu.vector_load_idx %arg10[%rem3A_200, %broadcast_in_dim3A_583] : memref<200x64xf32, #tpu.memory_space<vmem>>[vector<16xi32>, vector<16xi32>], vector<16xf32>,
        %add3A_586 = arith.addf %gather3A_584, %gather3A_585 : vector<16xf32>
        %add3A_587 = arith.addf %add3A_577, %add3A_586 : vector<16xf32>
        %mul3A_588 = arith.mulf %add3A_586, %add3A_586 : vector<16xf32>
        %add3A_589 = arith.addf %add3A_579, %mul3A_588 : vector<16xf32>
        %swap3A_590 = arith.constant 608 : index
        %swap3A_591 = tpu.vector_load %arg13[%swap3A_590] {strides = array<i32>} : memref<1024xf32, #tpu.memory_space<vmem>>, vector<16xf32>,
        tpu.vector_store %arg13[%swap3A_590], %add3A_586 {strides = array<i32>} : memref<1024xf32, #tpu.memory_space<vmem>>, vector<16xf32>,
        %broadcast_in_dim3A_592 = arith.constant 39 : i32
        %broadcast_in_dim3A_593 = vector.broadcast %broadcast_in_dim3A_592 : i32 to vector<16xi32>
        %gather3A_594 = tpu.vector_load_idx %arg9[%add3A_197, %broadcast_in_dim3A_593] : memref<800x64xf32, #tpu.memory_space<vmem>>[vector<16xi32>, vector<16xi32>], vector<16xf32>,
        %gather3A_595 = tpu.vector_load_idx %arg10[%rem3A_200, %broadcast_in_dim3A_593] : memref<200x64xf32, #tpu.memory_space<vmem>>[vector<16xi32>, vector<16xi32>], vector<16xf32>,
        %add3A_596 = arith.addf %gather3A_594, %gather3A_595 : vector<16xf32>
        %add3A_597 = arith.addf %add3A_587, %add3A_596 : vector<16xf32>
        %mul3A_598 = arith.mulf %add3A_596, %add3A_596 : vector<16xf32>
        %add3A_599 = arith.addf %add3A_589, %mul3A_598 : vector<16xf32>
        %swap3A_600 = arith.constant 624 : index
        %swap3A_601 = tpu.vector_load %arg13[%swap3A_600] {strides = array<i32>} : memref<1024xf32, #tpu.memory_space<vmem>>, vector<16xf32>,
        tpu.vector_store %arg13[%swap3A_600], %add3A_596 {strides = array<i32>} : memref<1024xf32, #tpu.memory_space<vmem>>, vector<16xf32>,
        %broadcast_in_dim3A_602 = arith.constant 40 : i32
        %broadcast_in_dim3A_603 = vector.broadcast %broadcast_in_dim3A_602 : i32 to vector<16xi32>
        %gather3A_604 = tpu.vector_load_idx %arg9[%add3A_197, %broadcast_in_dim3A_603] : memref<800x64xf32, #tpu.memory_space<vmem>>[vector<16xi32>, vector<16xi32>], vector<16xf32>,
        %gather3A_605 = tpu.vector_load_idx %arg10[%rem3A_200, %broadcast_in_dim3A_603] : memref<200x64xf32, #tpu.memory_space<vmem>>[vector<16xi32>, vector<16xi32>], vector<16xf32>,
        %add3A_606 = arith.addf %gather3A_604, %gather3A_605 : vector<16xf32>
        %add3A_607 = arith.addf %add3A_597, %add3A_606 : vector<16xf32>
        %mul3A_608 = arith.mulf %add3A_606, %add3A_606 : vector<16xf32>
        %add3A_609 = arith.addf %add3A_599, %mul3A_608 : vector<16xf32>
        %swap3A_610 = arith.constant 640 : index
        %swap3A_611 = tpu.vector_load %arg13[%swap3A_610] {strides = array<i32>} : memref<1024xf32, #tpu.memory_space<vmem>>, vector<16xf32>,
        tpu.vector_store %arg13[%swap3A_610], %add3A_606 {strides = array<i32>} : memref<1024xf32, #tpu.memory_space<vmem>>, vector<16xf32>,
        %broadcast_in_dim3A_612 = arith.constant 41 : i32
        %broadcast_in_dim3A_613 = vector.broadcast %broadcast_in_dim3A_612 : i32 to vector<16xi32>
        %gather3A_614 = tpu.vector_load_idx %arg9[%add3A_197, %broadcast_in_dim3A_613] : memref<800x64xf32, #tpu.memory_space<vmem>>[vector<16xi32>, vector<16xi32>], vector<16xf32>,
        %gather3A_615 = tpu.vector_load_idx %arg10[%rem3A_200, %broadcast_in_dim3A_613] : memref<200x64xf32, #tpu.memory_space<vmem>>[vector<16xi32>, vector<16xi32>], vector<16xf32>,
        %add3A_616 = arith.addf %gather3A_614, %gather3A_615 : vector<16xf32>
        %add3A_617 = arith.addf %add3A_607, %add3A_616 : vector<16xf32>
        %mul3A_618 = arith.mulf %add3A_616, %add3A_616 : vector<16xf32>
        %add3A_619 = arith.addf %add3A_609, %mul3A_618 : vector<16xf32>
        %swap3A_620 = arith.constant 656 : index
        %swap3A_621 = tpu.vector_load %arg13[%swap3A_620] {strides = array<i32>} : memref<1024xf32, #tpu.memory_space<vmem>>, vector<16xf32>,
        tpu.vector_store %arg13[%swap3A_620], %add3A_616 {strides = array<i32>} : memref<1024xf32, #tpu.memory_space<vmem>>, vector<16xf32>,
        %broadcast_in_dim3A_622 = arith.constant 42 : i32
        %broadcast_in_dim3A_623 = vector.broadcast %broadcast_in_dim3A_622 : i32 to vector<16xi32>
        %gather3A_624 = tpu.vector_load_idx %arg9[%add3A_197, %broadcast_in_dim3A_623] : memref<800x64xf32, #tpu.memory_space<vmem>>[vector<16xi32>, vector<16xi32>], vector<16xf32>,
        %gather3A_625 = tpu.vector_load_idx %arg10[%rem3A_200, %broadcast_in_dim3A_623] : memref<200x64xf32, #tpu.memory_space<vmem>>[vector<16xi32>, vector<16xi32>], vector<16xf32>,
        %add3A_626 = arith.addf %gather3A_624, %gather3A_625 : vector<16xf32>
        %add3A_627 = arith.addf %add3A_617, %add3A_626 : vector<16xf32>
        %mul3A_628 = arith.mulf %add3A_626, %add3A_626 : vector<16xf32>
        %add3A_629 = arith.addf %add3A_619, %mul3A_628 : vector<16xf32>
        %swap3A_630 = arith.constant 672 : index
        %swap3A_631 = tpu.vector_load %arg13[%swap3A_630] {strides = array<i32>} : memref<1024xf32, #tpu.memory_space<vmem>>, vector<16xf32>,
        tpu.vector_store %arg13[%swap3A_630], %add3A_626 {strides = array<i32>} : memref<1024xf32, #tpu.memory_space<vmem>>, vector<16xf32>,
        %broadcast_in_dim3A_632 = arith.constant 43 : i32
        %broadcast_in_dim3A_633 = vector.broadcast %broadcast_in_dim3A_632 : i32 to vector<16xi32>
        %gather3A_634 = tpu.vector_load_idx %arg9[%add3A_197, %broadcast_in_dim3A_633] : memref<800x64xf32, #tpu.memory_space<vmem>>[vector<16xi32>, vector<16xi32>], vector<16xf32>,
        %gather3A_635 = tpu.vector_load_idx %arg10[%rem3A_200, %broadcast_in_dim3A_633] : memref<200x64xf32, #tpu.memory_space<vmem>>[vector<16xi32>, vector<16xi32>], vector<16xf32>,
        %add3A_636 = arith.addf %gather3A_634, %gather3A_635 : vector<16xf32>
        %add3A_637 = arith.addf %add3A_627, %add3A_636 : vector<16xf32>
        %mul3A_638 = arith.mulf %add3A_636, %add3A_636 : vector<16xf32>
        %add3A_639 = arith.addf %add3A_629, %mul3A_638 : vector<16xf32>
        %swap3A_640 = arith.constant 688 : index
        %swap3A_641 = tpu.vector_load %arg13[%swap3A_640] {strides = array<i32>} : memref<1024xf32, #tpu.memory_space<vmem>>, vector<16xf32>,
        tpu.vector_store %arg13[%swap3A_640], %add3A_636 {strides = array<i32>} : memref<1024xf32, #tpu.memory_space<vmem>>, vector<16xf32>,
        %broadcast_in_dim3A_642 = arith.constant 44 : i32
        %broadcast_in_dim3A_643 = vector.broadcast %broadcast_in_dim3A_642 : i32 to vector<16xi32>
        %gather3A_644 = tpu.vector_load_idx %arg9[%add3A_197, %broadcast_in_dim3A_643] : memref<800x64xf32, #tpu.memory_space<vmem>>[vector<16xi32>, vector<16xi32>], vector<16xf32>,
        %gather3A_645 = tpu.vector_load_idx %arg10[%rem3A_200, %broadcast_in_dim3A_643] : memref<200x64xf32, #tpu.memory_space<vmem>>[vector<16xi32>, vector<16xi32>], vector<16xf32>,
        %add3A_646 = arith.addf %gather3A_644, %gather3A_645 : vector<16xf32>
        %add3A_647 = arith.addf %add3A_637, %add3A_646 : vector<16xf32>
        %mul3A_648 = arith.mulf %add3A_646, %add3A_646 : vector<16xf32>
        %add3A_649 = arith.addf %add3A_639, %mul3A_648 : vector<16xf32>
        %swap3A_650 = arith.constant 704 : index
        %swap3A_651 = tpu.vector_load %arg13[%swap3A_650] {strides = array<i32>} : memref<1024xf32, #tpu.memory_space<vmem>>, vector<16xf32>,
        tpu.vector_store %arg13[%swap3A_650], %add3A_646 {strides = array<i32>} : memref<1024xf32, #tpu.memory_space<vmem>>, vector<16xf32>,
        %broadcast_in_dim3A_652 = arith.constant 45 : i32
        %broadcast_in_dim3A_653 = vector.broadcast %broadcast_in_dim3A_652 : i32 to vector<16xi32>
        %gather3A_654 = tpu.vector_load_idx %arg9[%add3A_197, %broadcast_in_dim3A_653] : memref<800x64xf32, #tpu.memory_space<vmem>>[vector<16xi32>, vector<16xi32>], vector<16xf32>,
        %gather3A_655 = tpu.vector_load_idx %arg10[%rem3A_200, %broadcast_in_dim3A_653] : memref<200x64xf32, #tpu.memory_space<vmem>>[vector<16xi32>, vector<16xi32>], vector<16xf32>,
        %add3A_656 = arith.addf %gather3A_654, %gather3A_655 : vector<16xf32>
        %add3A_657 = arith.addf %add3A_647, %add3A_656 : vector<16xf32>
        %mul3A_658 = arith.mulf %add3A_656, %add3A_656 : vector<16xf32>
        %add3A_659 = arith.addf %add3A_649, %mul3A_658 : vector<16xf32>
        %swap3A_660 = arith.constant 720 : index
        %swap3A_661 = tpu.vector_load %arg13[%swap3A_660] {strides = array<i32>} : memref<1024xf32, #tpu.memory_space<vmem>>, vector<16xf32>,
        tpu.vector_store %arg13[%swap3A_660], %add3A_656 {strides = array<i32>} : memref<1024xf32, #tpu.memory_space<vmem>>, vector<16xf32>,
        %broadcast_in_dim3A_662 = arith.constant 46 : i32
        %broadcast_in_dim3A_663 = vector.broadcast %broadcast_in_dim3A_662 : i32 to vector<16xi32>
        %gather3A_664 = tpu.vector_load_idx %arg9[%add3A_197, %broadcast_in_dim3A_663] : memref<800x64xf32, #tpu.memory_space<vmem>>[vector<16xi32>, vector<16xi32>], vector<16xf32>,
        %gather3A_665 = tpu.vector_load_idx %arg10[%rem3A_200, %broadcast_in_dim3A_663] : memref<200x64xf32, #tpu.memory_space<vmem>>[vector<16xi32>, vector<16xi32>], vector<16xf32>,
        %add3A_666 = arith.addf %gather3A_664, %gather3A_665 : vector<16xf32>
        %add3A_667 = arith.addf %add3A_657, %add3A_666 : vector<16xf32>
        %mul3A_668 = arith.mulf %add3A_666, %add3A_666 : vector<16xf32>
        %add3A_669 = arith.addf %add3A_659, %mul3A_668 : vector<16xf32>
        %swap3A_670 = arith.constant 736 : index
        %swap3A_671 = tpu.vector_load %arg13[%swap3A_670] {strides = array<i32>} : memref<1024xf32, #tpu.memory_space<vmem>>, vector<16xf32>,
        tpu.vector_store %arg13[%swap3A_670], %add3A_666 {strides = array<i32>} : memref<1024xf32, #tpu.memory_space<vmem>>, vector<16xf32>,
        %broadcast_in_dim3A_672 = arith.constant 47 : i32
        %broadcast_in_dim3A_673 = vector.broadcast %broadcast_in_dim3A_672 : i32 to vector<16xi32>
        %gather3A_674 = tpu.vector_load_idx %arg9[%add3A_197, %broadcast_in_dim3A_673] : memref<800x64xf32, #tpu.memory_space<vmem>>[vector<16xi32>, vector<16xi32>], vector<16xf32>,
        %gather3A_675 = tpu.vector_load_idx %arg10[%rem3A_200, %broadcast_in_dim3A_673] : memref<200x64xf32, #tpu.memory_space<vmem>>[vector<16xi32>, vector<16xi32>], vector<16xf32>,
        %add3A_676 = arith.addf %gather3A_674, %gather3A_675 : vector<16xf32>
        %add3A_677 = arith.addf %add3A_667, %add3A_676 : vector<16xf32>
        %mul3A_678 = arith.mulf %add3A_676, %add3A_676 : vector<16xf32>
        %add3A_679 = arith.addf %add3A_669, %mul3A_678 : vector<16xf32>
        %swap3A_680 = arith.constant 752 : index
        %swap3A_681 = tpu.vector_load %arg13[%swap3A_680] {strides = array<i32>} : memref<1024xf32, #tpu.memory_space<vmem>>, vector<16xf32>,
        tpu.vector_store %arg13[%swap3A_680], %add3A_676 {strides = array<i32>} : memref<1024xf32, #tpu.memory_space<vmem>>, vector<16xf32>,
        %broadcast_in_dim3A_682 = arith.constant 48 : i32
        %broadcast_in_dim3A_683 = vector.broadcast %broadcast_in_dim3A_682 : i32 to vector<16xi32>
        %gather3A_684 = tpu.vector_load_idx %arg9[%add3A_197, %broadcast_in_dim3A_683] : memref<800x64xf32, #tpu.memory_space<vmem>>[vector<16xi32>, vector<16xi32>], vector<16xf32>,
        %gather3A_685 = tpu.vector_load_idx %arg10[%rem3A_200, %broadcast_in_dim3A_683] : memref<200x64xf32, #tpu.memory_space<vmem>>[vector<16xi32>, vector<16xi32>], vector<16xf32>,
        %add3A_686 = arith.addf %gather3A_684, %gather3A_685 : vector<16xf32>
        %add3A_687 = arith.addf %add3A_677, %add3A_686 : vector<16xf32>
        %mul3A_688 = arith.mulf %add3A_686, %add3A_686 : vector<16xf32>
        %add3A_689 = arith.addf %add3A_679, %mul3A_688 : vector<16xf32>
        %swap3A_690 = arith.constant 768 : index
        %swap3A_691 = tpu.vector_load %arg13[%swap3A_690] {strides = array<i32>} : memref<1024xf32, #tpu.memory_space<vmem>>, vector<16xf32>,
        tpu.vector_store %arg13[%swap3A_690], %add3A_686 {strides = array<i32>} : memref<1024xf32, #tpu.memory_space<vmem>>, vector<16xf32>,
        %broadcast_in_dim3A_692 = arith.constant 49 : i32
        %broadcast_in_dim3A_693 = vector.broadcast %broadcast_in_dim3A_692 : i32 to vector<16xi32>
        %gather3A_694 = tpu.vector_load_idx %arg9[%add3A_197, %broadcast_in_dim3A_693] : memref<800x64xf32, #tpu.memory_space<vmem>>[vector<16xi32>, vector<16xi32>], vector<16xf32>,
        %gather3A_695 = tpu.vector_load_idx %arg10[%rem3A_200, %broadcast_in_dim3A_693] : memref<200x64xf32, #tpu.memory_space<vmem>>[vector<16xi32>, vector<16xi32>], vector<16xf32>,
        %add3A_696 = arith.addf %gather3A_694, %gather3A_695 : vector<16xf32>
        %add3A_697 = arith.addf %add3A_687, %add3A_696 : vector<16xf32>
        %mul3A_698 = arith.mulf %add3A_696, %add3A_696 : vector<16xf32>
        %add3A_699 = arith.addf %add3A_689, %mul3A_698 : vector<16xf32>
        %swap3A_700 = arith.constant 784 : index
        %swap3A_701 = tpu.vector_load %arg13[%swap3A_700] {strides = array<i32>} : memref<1024xf32, #tpu.memory_space<vmem>>, vector<16xf32>,
        tpu.vector_store %arg13[%swap3A_700], %add3A_696 {strides = array<i32>} : memref<1024xf32, #tpu.memory_space<vmem>>, vector<16xf32>,
        %broadcast_in_dim3A_702 = arith.constant 50 : i32
        %broadcast_in_dim3A_703 = vector.broadcast %broadcast_in_dim3A_702 : i32 to vector<16xi32>
        %gather3A_704 = tpu.vector_load_idx %arg9[%add3A_197, %broadcast_in_dim3A_703] : memref<800x64xf32, #tpu.memory_space<vmem>>[vector<16xi32>, vector<16xi32>], vector<16xf32>,
        %gather3A_705 = tpu.vector_load_idx %arg10[%rem3A_200, %broadcast_in_dim3A_703] : memref<200x64xf32, #tpu.memory_space<vmem>>[vector<16xi32>, vector<16xi32>], vector<16xf32>,
        %add3A_706 = arith.addf %gather3A_704, %gather3A_705 : vector<16xf32>
        %add3A_707 = arith.addf %add3A_697, %add3A_706 : vector<16xf32>
        %mul3A_708 = arith.mulf %add3A_706, %add3A_706 : vector<16xf32>
        %add3A_709 = arith.addf %add3A_699, %mul3A_708 : vector<16xf32>
        %swap3A_710 = arith.constant 800 : index
        %swap3A_711 = tpu.vector_load %arg13[%swap3A_710] {strides = array<i32>} : memref<1024xf32, #tpu.memory_space<vmem>>, vector<16xf32>,
        tpu.vector_store %arg13[%swap3A_710], %add3A_706 {strides = array<i32>} : memref<1024xf32, #tpu.memory_space<vmem>>, vector<16xf32>,
        %broadcast_in_dim3A_712 = arith.constant 51 : i32
        %broadcast_in_dim3A_713 = vector.broadcast %broadcast_in_dim3A_712 : i32 to vector<16xi32>
        %gather3A_714 = tpu.vector_load_idx %arg9[%add3A_197, %broadcast_in_dim3A_713] : memref<800x64xf32, #tpu.memory_space<vmem>>[vector<16xi32>, vector<16xi32>], vector<16xf32>,
        %gather3A_715 = tpu.vector_load_idx %arg10[%rem3A_200, %broadcast_in_dim3A_713] : memref<200x64xf32, #tpu.memory_space<vmem>>[vector<16xi32>, vector<16xi32>], vector<16xf32>,
        %add3A_716 = arith.addf %gather3A_714, %gather3A_715 : vector<16xf32>
        %add3A_717 = arith.addf %add3A_707, %add3A_716 : vector<16xf32>
        %mul3A_718 = arith.mulf %add3A_716, %add3A_716 : vector<16xf32>
        %add3A_719 = arith.addf %add3A_709, %mul3A_718 : vector<16xf32>
        %swap3A_720 = arith.constant 816 : index
        %swap3A_721 = tpu.vector_load %arg13[%swap3A_720] {strides = array<i32>} : memref<1024xf32, #tpu.memory_space<vmem>>, vector<16xf32>,
        tpu.vector_store %arg13[%swap3A_720], %add3A_716 {strides = array<i32>} : memref<1024xf32, #tpu.memory_space<vmem>>, vector<16xf32>,
        %broadcast_in_dim3A_722 = arith.constant 52 : i32
        %broadcast_in_dim3A_723 = vector.broadcast %broadcast_in_dim3A_722 : i32 to vector<16xi32>
        %gather3A_724 = tpu.vector_load_idx %arg9[%add3A_197, %broadcast_in_dim3A_723] : memref<800x64xf32, #tpu.memory_space<vmem>>[vector<16xi32>, vector<16xi32>], vector<16xf32>,
        %gather3A_725 = tpu.vector_load_idx %arg10[%rem3A_200, %broadcast_in_dim3A_723] : memref<200x64xf32, #tpu.memory_space<vmem>>[vector<16xi32>, vector<16xi32>], vector<16xf32>,
        %add3A_726 = arith.addf %gather3A_724, %gather3A_725 : vector<16xf32>
        %add3A_727 = arith.addf %add3A_717, %add3A_726 : vector<16xf32>
        %mul3A_728 = arith.mulf %add3A_726, %add3A_726 : vector<16xf32>
        %add3A_729 = arith.addf %add3A_719, %mul3A_728 : vector<16xf32>
        %swap3A_730 = arith.constant 832 : index
        %swap3A_731 = tpu.vector_load %arg13[%swap3A_730] {strides = array<i32>} : memref<1024xf32, #tpu.memory_space<vmem>>, vector<16xf32>,
        tpu.vector_store %arg13[%swap3A_730], %add3A_726 {strides = array<i32>} : memref<1024xf32, #tpu.memory_space<vmem>>, vector<16xf32>,
        %broadcast_in_dim3A_732 = arith.constant 53 : i32
        %broadcast_in_dim3A_733 = vector.broadcast %broadcast_in_dim3A_732 : i32 to vector<16xi32>
        %gather3A_734 = tpu.vector_load_idx %arg9[%add3A_197, %broadcast_in_dim3A_733] : memref<800x64xf32, #tpu.memory_space<vmem>>[vector<16xi32>, vector<16xi32>], vector<16xf32>,
        %gather3A_735 = tpu.vector_load_idx %arg10[%rem3A_200, %broadcast_in_dim3A_733] : memref<200x64xf32, #tpu.memory_space<vmem>>[vector<16xi32>, vector<16xi32>], vector<16xf32>,
        %add3A_736 = arith.addf %gather3A_734, %gather3A_735 : vector<16xf32>
        %add3A_737 = arith.addf %add3A_727, %add3A_736 : vector<16xf32>
        %mul3A_738 = arith.mulf %add3A_736, %add3A_736 : vector<16xf32>
        %add3A_739 = arith.addf %add3A_729, %mul3A_738 : vector<16xf32>
        %swap3A_740 = arith.constant 848 : index
        %swap3A_741 = tpu.vector_load %arg13[%swap3A_740] {strides = array<i32>} : memref<1024xf32, #tpu.memory_space<vmem>>, vector<16xf32>,
        tpu.vector_store %arg13[%swap3A_740], %add3A_736 {strides = array<i32>} : memref<1024xf32, #tpu.memory_space<vmem>>, vector<16xf32>,
        %broadcast_in_dim3A_742 = arith.constant 54 : i32
        %broadcast_in_dim3A_743 = vector.broadcast %broadcast_in_dim3A_742 : i32 to vector<16xi32>
        %gather3A_744 = tpu.vector_load_idx %arg9[%add3A_197, %broadcast_in_dim3A_743] : memref<800x64xf32, #tpu.memory_space<vmem>>[vector<16xi32>, vector<16xi32>], vector<16xf32>,
        %gather3A_745 = tpu.vector_load_idx %arg10[%rem3A_200, %broadcast_in_dim3A_743] : memref<200x64xf32, #tpu.memory_space<vmem>>[vector<16xi32>, vector<16xi32>], vector<16xf32>,
        %add3A_746 = arith.addf %gather3A_744, %gather3A_745 : vector<16xf32>
        %add3A_747 = arith.addf %add3A_737, %add3A_746 : vector<16xf32>
        %mul3A_748 = arith.mulf %add3A_746, %add3A_746 : vector<16xf32>
        %add3A_749 = arith.addf %add3A_739, %mul3A_748 : vector<16xf32>
        %swap3A_750 = arith.constant 864 : index
        %swap3A_751 = tpu.vector_load %arg13[%swap3A_750] {strides = array<i32>} : memref<1024xf32, #tpu.memory_space<vmem>>, vector<16xf32>,
        tpu.vector_store %arg13[%swap3A_750], %add3A_746 {strides = array<i32>} : memref<1024xf32, #tpu.memory_space<vmem>>, vector<16xf32>,
        %broadcast_in_dim3A_752 = arith.constant 55 : i32
        %broadcast_in_dim3A_753 = vector.broadcast %broadcast_in_dim3A_752 : i32 to vector<16xi32>
        %gather3A_754 = tpu.vector_load_idx %arg9[%add3A_197, %broadcast_in_dim3A_753] : memref<800x64xf32, #tpu.memory_space<vmem>>[vector<16xi32>, vector<16xi32>], vector<16xf32>,
        %gather3A_755 = tpu.vector_load_idx %arg10[%rem3A_200, %broadcast_in_dim3A_753] : memref<200x64xf32, #tpu.memory_space<vmem>>[vector<16xi32>, vector<16xi32>], vector<16xf32>,
        %add3A_756 = arith.addf %gather3A_754, %gather3A_755 : vector<16xf32>
        %add3A_757 = arith.addf %add3A_747, %add3A_756 : vector<16xf32>
        %mul3A_758 = arith.mulf %add3A_756, %add3A_756 : vector<16xf32>
        %add3A_759 = arith.addf %add3A_749, %mul3A_758 : vector<16xf32>
        %swap3A_760 = arith.constant 880 : index
        %swap3A_761 = tpu.vector_load %arg13[%swap3A_760] {strides = array<i32>} : memref<1024xf32, #tpu.memory_space<vmem>>, vector<16xf32>,
        tpu.vector_store %arg13[%swap3A_760], %add3A_756 {strides = array<i32>} : memref<1024xf32, #tpu.memory_space<vmem>>, vector<16xf32>,
        %broadcast_in_dim3A_762 = arith.constant 56 : i32
        %broadcast_in_dim3A_763 = vector.broadcast %broadcast_in_dim3A_762 : i32 to vector<16xi32>
        %gather3A_764 = tpu.vector_load_idx %arg9[%add3A_197, %broadcast_in_dim3A_763] : memref<800x64xf32, #tpu.memory_space<vmem>>[vector<16xi32>, vector<16xi32>], vector<16xf32>,
        %gather3A_765 = tpu.vector_load_idx %arg10[%rem3A_200, %broadcast_in_dim3A_763] : memref<200x64xf32, #tpu.memory_space<vmem>>[vector<16xi32>, vector<16xi32>], vector<16xf32>,
        %add3A_766 = arith.addf %gather3A_764, %gather3A_765 : vector<16xf32>
        %add3A_767 = arith.addf %add3A_757, %add3A_766 : vector<16xf32>
        %mul3A_768 = arith.mulf %add3A_766, %add3A_766 : vector<16xf32>
        %add3A_769 = arith.addf %add3A_759, %mul3A_768 : vector<16xf32>
        %swap3A_770 = arith.constant 896 : index
        %swap3A_771 = tpu.vector_load %arg13[%swap3A_770] {strides = array<i32>} : memref<1024xf32, #tpu.memory_space<vmem>>, vector<16xf32>,
        tpu.vector_store %arg13[%swap3A_770], %add3A_766 {strides = array<i32>} : memref<1024xf32, #tpu.memory_space<vmem>>, vector<16xf32>,
        %broadcast_in_dim3A_772 = arith.constant 57 : i32
        %broadcast_in_dim3A_773 = vector.broadcast %broadcast_in_dim3A_772 : i32 to vector<16xi32>
        %gather3A_774 = tpu.vector_load_idx %arg9[%add3A_197, %broadcast_in_dim3A_773] : memref<800x64xf32, #tpu.memory_space<vmem>>[vector<16xi32>, vector<16xi32>], vector<16xf32>,
        %gather3A_775 = tpu.vector_load_idx %arg10[%rem3A_200, %broadcast_in_dim3A_773] : memref<200x64xf32, #tpu.memory_space<vmem>>[vector<16xi32>, vector<16xi32>], vector<16xf32>,
        %add3A_776 = arith.addf %gather3A_774, %gather3A_775 : vector<16xf32>
        %add3A_777 = arith.addf %add3A_767, %add3A_776 : vector<16xf32>
        %mul3A_778 = arith.mulf %add3A_776, %add3A_776 : vector<16xf32>
        %add3A_779 = arith.addf %add3A_769, %mul3A_778 : vector<16xf32>
        %swap3A_780 = arith.constant 912 : index
        %swap3A_781 = tpu.vector_load %arg13[%swap3A_780] {strides = array<i32>} : memref<1024xf32, #tpu.memory_space<vmem>>, vector<16xf32>,
        tpu.vector_store %arg13[%swap3A_780], %add3A_776 {strides = array<i32>} : memref<1024xf32, #tpu.memory_space<vmem>>, vector<16xf32>,
        %broadcast_in_dim3A_782 = arith.constant 58 : i32
        %broadcast_in_dim3A_783 = vector.broadcast %broadcast_in_dim3A_782 : i32 to vector<16xi32>
        %gather3A_784 = tpu.vector_load_idx %arg9[%add3A_197, %broadcast_in_dim3A_783] : memref<800x64xf32, #tpu.memory_space<vmem>>[vector<16xi32>, vector<16xi32>], vector<16xf32>,
        %gather3A_785 = tpu.vector_load_idx %arg10[%rem3A_200, %broadcast_in_dim3A_783] : memref<200x64xf32, #tpu.memory_space<vmem>>[vector<16xi32>, vector<16xi32>], vector<16xf32>,
        %add3A_786 = arith.addf %gather3A_784, %gather3A_785 : vector<16xf32>
        %add3A_787 = arith.addf %add3A_777, %add3A_786 : vector<16xf32>
        %mul3A_788 = arith.mulf %add3A_786, %add3A_786 : vector<16xf32>
        %add3A_789 = arith.addf %add3A_779, %mul3A_788 : vector<16xf32>
        %swap3A_790 = arith.constant 928 : index
        %swap3A_791 = tpu.vector_load %arg13[%swap3A_790] {strides = array<i32>} : memref<1024xf32, #tpu.memory_space<vmem>>, vector<16xf32>,
        tpu.vector_store %arg13[%swap3A_790], %add3A_786 {strides = array<i32>} : memref<1024xf32, #tpu.memory_space<vmem>>, vector<16xf32>,
        %broadcast_in_dim3A_792 = arith.constant 59 : i32
        %broadcast_in_dim3A_793 = vector.broadcast %broadcast_in_dim3A_792 : i32 to vector<16xi32>
        %gather3A_794 = tpu.vector_load_idx %arg9[%add3A_197, %broadcast_in_dim3A_793] : memref<800x64xf32, #tpu.memory_space<vmem>>[vector<16xi32>, vector<16xi32>], vector<16xf32>,
        %gather3A_795 = tpu.vector_load_idx %arg10[%rem3A_200, %broadcast_in_dim3A_793] : memref<200x64xf32, #tpu.memory_space<vmem>>[vector<16xi32>, vector<16xi32>], vector<16xf32>,
        %add3A_796 = arith.addf %gather3A_794, %gather3A_795 : vector<16xf32>
        %add3A_797 = arith.addf %add3A_787, %add3A_796 : vector<16xf32>
        %mul3A_798 = arith.mulf %add3A_796, %add3A_796 : vector<16xf32>
        %add3A_799 = arith.addf %add3A_789, %mul3A_798 : vector<16xf32>
        %swap3A_800 = arith.constant 944 : index
        %swap3A_801 = tpu.vector_load %arg13[%swap3A_800] {strides = array<i32>} : memref<1024xf32, #tpu.memory_space<vmem>>, vector<16xf32>,
        tpu.vector_store %arg13[%swap3A_800], %add3A_796 {strides = array<i32>} : memref<1024xf32, #tpu.memory_space<vmem>>, vector<16xf32>,
        %broadcast_in_dim3A_802 = arith.constant 60 : i32
        %broadcast_in_dim3A_803 = vector.broadcast %broadcast_in_dim3A_802 : i32 to vector<16xi32>
        %gather3A_804 = tpu.vector_load_idx %arg9[%add3A_197, %broadcast_in_dim3A_803] : memref<800x64xf32, #tpu.memory_space<vmem>>[vector<16xi32>, vector<16xi32>], vector<16xf32>,
        %gather3A_805 = tpu.vector_load_idx %arg10[%rem3A_200, %broadcast_in_dim3A_803] : memref<200x64xf32, #tpu.memory_space<vmem>>[vector<16xi32>, vector<16xi32>], vector<16xf32>,
        %add3A_806 = arith.addf %gather3A_804, %gather3A_805 : vector<16xf32>
        %add3A_807 = arith.addf %add3A_797, %add3A_806 : vector<16xf32>
        %mul3A_808 = arith.mulf %add3A_806, %add3A_806 : vector<16xf32>
        %add3A_809 = arith.addf %add3A_799, %mul3A_808 : vector<16xf32>
        %swap3A_810 = arith.constant 960 : index
        %swap3A_811 = tpu.vector_load %arg13[%swap3A_810] {strides = array<i32>} : memref<1024xf32, #tpu.memory_space<vmem>>, vector<16xf32>,
        tpu.vector_store %arg13[%swap3A_810], %add3A_806 {strides = array<i32>} : memref<1024xf32, #tpu.memory_space<vmem>>, vector<16xf32>,
        %broadcast_in_dim3A_812 = arith.constant 61 : i32
        %broadcast_in_dim3A_813 = vector.broadcast %broadcast_in_dim3A_812 : i32 to vector<16xi32>
        %gather3A_814 = tpu.vector_load_idx %arg9[%add3A_197, %broadcast_in_dim3A_813] : memref<800x64xf32, #tpu.memory_space<vmem>>[vector<16xi32>, vector<16xi32>], vector<16xf32>,
        %gather3A_815 = tpu.vector_load_idx %arg10[%rem3A_200, %broadcast_in_dim3A_813] : memref<200x64xf32, #tpu.memory_space<vmem>>[vector<16xi32>, vector<16xi32>], vector<16xf32>,
        %add3A_816 = arith.addf %gather3A_814, %gather3A_815 : vector<16xf32>
        %add3A_817 = arith.addf %add3A_807, %add3A_816 : vector<16xf32>
        %mul3A_818 = arith.mulf %add3A_816, %add3A_816 : vector<16xf32>
        %add3A_819 = arith.addf %add3A_809, %mul3A_818 : vector<16xf32>
        %swap3A_820 = arith.constant 976 : index
        %swap3A_821 = tpu.vector_load %arg13[%swap3A_820] {strides = array<i32>} : memref<1024xf32, #tpu.memory_space<vmem>>, vector<16xf32>,
        tpu.vector_store %arg13[%swap3A_820], %add3A_816 {strides = array<i32>} : memref<1024xf32, #tpu.memory_space<vmem>>, vector<16xf32>,
        %broadcast_in_dim3A_822 = arith.constant 62 : i32
        %broadcast_in_dim3A_823 = vector.broadcast %broadcast_in_dim3A_822 : i32 to vector<16xi32>
        %gather3A_824 = tpu.vector_load_idx %arg9[%add3A_197, %broadcast_in_dim3A_823] : memref<800x64xf32, #tpu.memory_space<vmem>>[vector<16xi32>, vector<16xi32>], vector<16xf32>,
        %gather3A_825 = tpu.vector_load_idx %arg10[%rem3A_200, %broadcast_in_dim3A_823] : memref<200x64xf32, #tpu.memory_space<vmem>>[vector<16xi32>, vector<16xi32>], vector<16xf32>,
        %add3A_826 = arith.addf %gather3A_824, %gather3A_825 : vector<16xf32>
        %add3A_827 = arith.addf %add3A_817, %add3A_826 : vector<16xf32>
        %mul3A_828 = arith.mulf %add3A_826, %add3A_826 : vector<16xf32>
        %add3A_829 = arith.addf %add3A_819, %mul3A_828 : vector<16xf32>
        %swap3A_830 = arith.constant 992 : index
        %swap3A_831 = tpu.vector_load %arg13[%swap3A_830] {strides = array<i32>} : memref<1024xf32, #tpu.memory_space<vmem>>, vector<16xf32>,
        tpu.vector_store %arg13[%swap3A_830], %add3A_826 {strides = array<i32>} : memref<1024xf32, #tpu.memory_space<vmem>>, vector<16xf32>,
        %broadcast_in_dim3A_832 = arith.constant 63 : i32
        %broadcast_in_dim3A_833 = vector.broadcast %broadcast_in_dim3A_832 : i32 to vector<16xi32>
        %gather3A_834 = tpu.vector_load_idx %arg9[%add3A_197, %broadcast_in_dim3A_833] : memref<800x64xf32, #tpu.memory_space<vmem>>[vector<16xi32>, vector<16xi32>], vector<16xf32>,
        %gather3A_835 = tpu.vector_load_idx %arg10[%rem3A_200, %broadcast_in_dim3A_833] : memref<200x64xf32, #tpu.memory_space<vmem>>[vector<16xi32>, vector<16xi32>], vector<16xf32>,
        %add3A_836 = arith.addf %gather3A_834, %gather3A_835 : vector<16xf32>
        %add3A_837 = arith.addf %add3A_827, %add3A_836 : vector<16xf32>
        %mul3A_838 = arith.mulf %add3A_836, %add3A_836 : vector<16xf32>
        %add3A_839 = arith.addf %add3A_829, %mul3A_838 : vector<16xf32>
        %swap3A_840 = arith.constant 1008 : index
        %swap3A_841 = tpu.vector_load %arg13[%swap3A_840] {strides = array<i32>} : memref<1024xf32, #tpu.memory_space<vmem>>, vector<16xf32>,
        tpu.vector_store %arg13[%swap3A_840], %add3A_836 {strides = array<i32>} : memref<1024xf32, #tpu.memory_space<vmem>>, vector<16xf32>,
        %mul3A_842 = arith.constant 1.562500e-02 : f32
        %mul3A_843 = vector.broadcast %mul3A_842 : f32 to vector<16xf32>
        %mul3A_844 = arith.mulf %add3A_837, %mul3A_843 : vector<16xf32>
        %mul3A_845 = arith.constant 1.562500e-02 : f32
        %mul3A_846 = vector.broadcast %mul3A_845 : f32 to vector<16xf32>
        %mul3A_847 = arith.mulf %add3A_839, %mul3A_846 : vector<16xf32>
        %mul3A_848 = arith.mulf %mul3A_844, %mul3A_844 : vector<16xf32>
        %sub3A_849 = arith.subf %mul3A_847, %mul3A_848 : vector<16xf32>
        %add3A_850 = arith.constant 9.99999974E-6 : f32
        %add3A_851 = vector.broadcast %add3A_850 : f32 to vector<16xf32>
        %add3A_852 = arith.addf %sub3A_849, %add3A_851 : vector<16xf32>
        %bitcast3A = vector.bitcast %add3A_852 : vector<16xf32> to vector<16xi32>
        %shift_right_arithmetic3A = arith.constant 1 : i32
        %shift_right_arithmetic3A_853 = vector.broadcast %shift_right_arithmetic3A : i32 to vector<16xi32>
        %shift_right_arithmetic3A_854 = arith.shrsi %bitcast3A, %shift_right_arithmetic3A_853 : vector<16xi32>
        %sub3A_855 = arith.constant 1597463007 : i32
        %sub3A_856 = vector.broadcast %sub3A_855 : i32 to vector<16xi32>
        %sub3A_857 = arith.subi %sub3A_856, %shift_right_arithmetic3A_854 : vector<16xi32>
        %bitcast3A_858 = vector.bitcast %sub3A_857 : vector<16xi32> to vector<16xf32>
        %mul3A_859 = arith.constant 5.000000e-01 : f32
        %mul3A_860 = vector.broadcast %mul3A_859 : f32 to vector<16xf32>
        %mul3A_861 = arith.mulf %mul3A_860, %add3A_852 : vector<16xf32>
        %mul3A_862 = arith.mulf %mul3A_861, %bitcast3A_858 : vector<16xf32>
        %mul3A_863 = arith.mulf %mul3A_862, %bitcast3A_858 : vector<16xf32>
        %sub3A_864 = arith.constant 1.500000e+00 : f32
        %sub3A_865 = vector.broadcast %sub3A_864 : f32 to vector<16xf32>
        %sub3A_866 = arith.subf %sub3A_865, %mul3A_863 : vector<16xf32>
        %mul3A_867 = arith.mulf %bitcast3A_858, %sub3A_866 : vector<16xf32>
        %mul3A_868 = arith.constant 5.000000e-01 : f32
        %mul3A_869 = vector.broadcast %mul3A_868 : f32 to vector<16xf32>
        %mul3A_870 = arith.mulf %mul3A_869, %add3A_852 : vector<16xf32>
        %mul3A_871 = arith.mulf %mul3A_870, %mul3A_867 : vector<16xf32>
        %mul3A_872 = arith.mulf %mul3A_871, %mul3A_867 : vector<16xf32>
        %sub3A_873 = arith.constant 1.500000e+00 : f32
        %sub3A_874 = vector.broadcast %sub3A_873 : f32 to vector<16xf32>
        %sub3A_875 = arith.subf %sub3A_874, %mul3A_872 : vector<16xf32>
        %mul3A_876 = arith.mulf %mul3A_867, %sub3A_875 : vector<16xf32>
        %mul3A_877 = arith.constant 5.000000e-01 : f32
        %mul3A_878 = vector.broadcast %mul3A_877 : f32 to vector<16xf32>
        %mul3A_879 = arith.mulf %mul3A_878, %add3A_852 : vector<16xf32>
        %mul3A_880 = arith.mulf %mul3A_879, %mul3A_876 : vector<16xf32>
        %mul3A_881 = arith.mulf %mul3A_880, %mul3A_876 : vector<16xf32>
        %sub3A_882 = arith.constant 1.500000e+00 : f32
        %sub3A_883 = vector.broadcast %sub3A_882 : f32 to vector<16xf32>
        %sub3A_884 = arith.subf %sub3A_883, %mul3A_881 : vector<16xf32>
        %mul3A_885 = arith.mulf %mul3A_876, %sub3A_884 : vector<16xf32>
        %broadcast_in_dim3A_886 = arith.constant 0 : i32
        %broadcast_in_dim3A_887 = vector.broadcast %broadcast_in_dim3A_886 : i32 to vector<16xi32>
        %get3A = arith.constant 0 : index
        %get3A_888 = tpu.vector_load %arg13[%get3A] {strides = array<i32>} : memref<1024xf32, #tpu.memory_space<vmem>>, vector<16xf32>,
        %gather3A_889 = tpu.vector_load_idx %arg11[%broadcast_in_dim3A_887] : memref<64xf32, #tpu.memory_space<vmem>>[vector<16xi32>], vector<16xf32>,
        %gather3A_890 = tpu.vector_load_idx %arg12[%broadcast_in_dim3A_887] : memref<64xf32, #tpu.memory_space<vmem>>[vector<16xi32>], vector<16xf32>,
        %sub3A_891 = arith.subf %get3A_888, %mul3A_844 : vector<16xf32>
        %mul3A_892 = arith.mulf %sub3A_891, %mul3A_885 : vector<16xf32>
        %mul3A_893 = arith.mulf %mul3A_892, %gather3A_889 : vector<16xf32>
        %add3A_894 = arith.addf %mul3A_893, %gather3A_890 : vector<16xf32>
        tpu.vector_store_idx %arg9[%add3A_197, %broadcast_in_dim3A_887], %add3A_894 : memref<800x64xf32, #tpu.memory_space<vmem>>[vector<16xi32>, vector<16xi32>], vector<16xf32>,
        %broadcast_in_dim3A_895 = arith.constant 1 : i32
        %broadcast_in_dim3A_896 = vector.broadcast %broadcast_in_dim3A_895 : i32 to vector<16xi32>
        %get3A_897 = arith.constant 16 : index
        %get3A_898 = tpu.vector_load %arg13[%get3A_897] {strides = array<i32>} : memref<1024xf32, #tpu.memory_space<vmem>>, vector<16xf32>,
        %gather3A_899 = tpu.vector_load_idx %arg11[%broadcast_in_dim3A_896] : memref<64xf32, #tpu.memory_space<vmem>>[vector<16xi32>], vector<16xf32>,
        %gather3A_900 = tpu.vector_load_idx %arg12[%broadcast_in_dim3A_896] : memref<64xf32, #tpu.memory_space<vmem>>[vector<16xi32>], vector<16xf32>,
        %sub3A_901 = arith.subf %get3A_898, %mul3A_844 : vector<16xf32>
        %mul3A_902 = arith.mulf %sub3A_901, %mul3A_885 : vector<16xf32>
        %mul3A_903 = arith.mulf %mul3A_902, %gather3A_899 : vector<16xf32>
        %add3A_904 = arith.addf %mul3A_903, %gather3A_900 : vector<16xf32>
        tpu.vector_store_idx %arg9[%add3A_197, %broadcast_in_dim3A_896], %add3A_904 : memref<800x64xf32, #tpu.memory_space<vmem>>[vector<16xi32>, vector<16xi32>], vector<16xf32>,
        %broadcast_in_dim3A_905 = arith.constant 2 : i32
        %broadcast_in_dim3A_906 = vector.broadcast %broadcast_in_dim3A_905 : i32 to vector<16xi32>
        %get3A_907 = arith.constant 32 : index
        %get3A_908 = tpu.vector_load %arg13[%get3A_907] {strides = array<i32>} : memref<1024xf32, #tpu.memory_space<vmem>>, vector<16xf32>,
        %gather3A_909 = tpu.vector_load_idx %arg11[%broadcast_in_dim3A_906] : memref<64xf32, #tpu.memory_space<vmem>>[vector<16xi32>], vector<16xf32>,
        %gather3A_910 = tpu.vector_load_idx %arg12[%broadcast_in_dim3A_906] : memref<64xf32, #tpu.memory_space<vmem>>[vector<16xi32>], vector<16xf32>,
        %sub3A_911 = arith.subf %get3A_908, %mul3A_844 : vector<16xf32>
        %mul3A_912 = arith.mulf %sub3A_911, %mul3A_885 : vector<16xf32>
        %mul3A_913 = arith.mulf %mul3A_912, %gather3A_909 : vector<16xf32>
        %add3A_914 = arith.addf %mul3A_913, %gather3A_910 : vector<16xf32>
        tpu.vector_store_idx %arg9[%add3A_197, %broadcast_in_dim3A_906], %add3A_914 : memref<800x64xf32, #tpu.memory_space<vmem>>[vector<16xi32>, vector<16xi32>], vector<16xf32>,
        %broadcast_in_dim3A_915 = arith.constant 3 : i32
        %broadcast_in_dim3A_916 = vector.broadcast %broadcast_in_dim3A_915 : i32 to vector<16xi32>
        %get3A_917 = arith.constant 48 : index
        %get3A_918 = tpu.vector_load %arg13[%get3A_917] {strides = array<i32>} : memref<1024xf32, #tpu.memory_space<vmem>>, vector<16xf32>,
        %gather3A_919 = tpu.vector_load_idx %arg11[%broadcast_in_dim3A_916] : memref<64xf32, #tpu.memory_space<vmem>>[vector<16xi32>], vector<16xf32>,
        %gather3A_920 = tpu.vector_load_idx %arg12[%broadcast_in_dim3A_916] : memref<64xf32, #tpu.memory_space<vmem>>[vector<16xi32>], vector<16xf32>,
        %sub3A_921 = arith.subf %get3A_918, %mul3A_844 : vector<16xf32>
        %mul3A_922 = arith.mulf %sub3A_921, %mul3A_885 : vector<16xf32>
        %mul3A_923 = arith.mulf %mul3A_922, %gather3A_919 : vector<16xf32>
        %add3A_924 = arith.addf %mul3A_923, %gather3A_920 : vector<16xf32>
        tpu.vector_store_idx %arg9[%add3A_197, %broadcast_in_dim3A_916], %add3A_924 : memref<800x64xf32, #tpu.memory_space<vmem>>[vector<16xi32>, vector<16xi32>], vector<16xf32>,
        %broadcast_in_dim3A_925 = arith.constant 4 : i32
        %broadcast_in_dim3A_926 = vector.broadcast %broadcast_in_dim3A_925 : i32 to vector<16xi32>
        %get3A_927 = arith.constant 64 : index
        %get3A_928 = tpu.vector_load %arg13[%get3A_927] {strides = array<i32>} : memref<1024xf32, #tpu.memory_space<vmem>>, vector<16xf32>,
        %gather3A_929 = tpu.vector_load_idx %arg11[%broadcast_in_dim3A_926] : memref<64xf32, #tpu.memory_space<vmem>>[vector<16xi32>], vector<16xf32>,
        %gather3A_930 = tpu.vector_load_idx %arg12[%broadcast_in_dim3A_926] : memref<64xf32, #tpu.memory_space<vmem>>[vector<16xi32>], vector<16xf32>,
        %sub3A_931 = arith.subf %get3A_928, %mul3A_844 : vector<16xf32>
        %mul3A_932 = arith.mulf %sub3A_931, %mul3A_885 : vector<16xf32>
        %mul3A_933 = arith.mulf %mul3A_932, %gather3A_929 : vector<16xf32>
        %add3A_934 = arith.addf %mul3A_933, %gather3A_930 : vector<16xf32>
        tpu.vector_store_idx %arg9[%add3A_197, %broadcast_in_dim3A_926], %add3A_934 : memref<800x64xf32, #tpu.memory_space<vmem>>[vector<16xi32>, vector<16xi32>], vector<16xf32>,
        %broadcast_in_dim3A_935 = arith.constant 5 : i32
        %broadcast_in_dim3A_936 = vector.broadcast %broadcast_in_dim3A_935 : i32 to vector<16xi32>
        %get3A_937 = arith.constant 80 : index
        %get3A_938 = tpu.vector_load %arg13[%get3A_937] {strides = array<i32>} : memref<1024xf32, #tpu.memory_space<vmem>>, vector<16xf32>,
        %gather3A_939 = tpu.vector_load_idx %arg11[%broadcast_in_dim3A_936] : memref<64xf32, #tpu.memory_space<vmem>>[vector<16xi32>], vector<16xf32>,
        %gather3A_940 = tpu.vector_load_idx %arg12[%broadcast_in_dim3A_936] : memref<64xf32, #tpu.memory_space<vmem>>[vector<16xi32>], vector<16xf32>,
        %sub3A_941 = arith.subf %get3A_938, %mul3A_844 : vector<16xf32>
        %mul3A_942 = arith.mulf %sub3A_941, %mul3A_885 : vector<16xf32>
        %mul3A_943 = arith.mulf %mul3A_942, %gather3A_939 : vector<16xf32>
        %add3A_944 = arith.addf %mul3A_943, %gather3A_940 : vector<16xf32>
        tpu.vector_store_idx %arg9[%add3A_197, %broadcast_in_dim3A_936], %add3A_944 : memref<800x64xf32, #tpu.memory_space<vmem>>[vector<16xi32>, vector<16xi32>], vector<16xf32>,
        %broadcast_in_dim3A_945 = arith.constant 6 : i32
        %broadcast_in_dim3A_946 = vector.broadcast %broadcast_in_dim3A_945 : i32 to vector<16xi32>
        %get3A_947 = arith.constant 96 : index
        %get3A_948 = tpu.vector_load %arg13[%get3A_947] {strides = array<i32>} : memref<1024xf32, #tpu.memory_space<vmem>>, vector<16xf32>,
        %gather3A_949 = tpu.vector_load_idx %arg11[%broadcast_in_dim3A_946] : memref<64xf32, #tpu.memory_space<vmem>>[vector<16xi32>], vector<16xf32>,
        %gather3A_950 = tpu.vector_load_idx %arg12[%broadcast_in_dim3A_946] : memref<64xf32, #tpu.memory_space<vmem>>[vector<16xi32>], vector<16xf32>,
        %sub3A_951 = arith.subf %get3A_948, %mul3A_844 : vector<16xf32>
        %mul3A_952 = arith.mulf %sub3A_951, %mul3A_885 : vector<16xf32>
        %mul3A_953 = arith.mulf %mul3A_952, %gather3A_949 : vector<16xf32>
        %add3A_954 = arith.addf %mul3A_953, %gather3A_950 : vector<16xf32>
        tpu.vector_store_idx %arg9[%add3A_197, %broadcast_in_dim3A_946], %add3A_954 : memref<800x64xf32, #tpu.memory_space<vmem>>[vector<16xi32>, vector<16xi32>], vector<16xf32>,
        %broadcast_in_dim3A_955 = arith.constant 7 : i32
        %broadcast_in_dim3A_956 = vector.broadcast %broadcast_in_dim3A_955 : i32 to vector<16xi32>
        %get3A_957 = arith.constant 112 : index
        %get3A_958 = tpu.vector_load %arg13[%get3A_957] {strides = array<i32>} : memref<1024xf32, #tpu.memory_space<vmem>>, vector<16xf32>,
        %gather3A_959 = tpu.vector_load_idx %arg11[%broadcast_in_dim3A_956] : memref<64xf32, #tpu.memory_space<vmem>>[vector<16xi32>], vector<16xf32>,
        %gather3A_960 = tpu.vector_load_idx %arg12[%broadcast_in_dim3A_956] : memref<64xf32, #tpu.memory_space<vmem>>[vector<16xi32>], vector<16xf32>,
        %sub3A_961 = arith.subf %get3A_958, %mul3A_844 : vector<16xf32>
        %mul3A_962 = arith.mulf %sub3A_961, %mul3A_885 : vector<16xf32>
        %mul3A_963 = arith.mulf %mul3A_962, %gather3A_959 : vector<16xf32>
        %add3A_964 = arith.addf %mul3A_963, %gather3A_960 : vector<16xf32>
        tpu.vector_store_idx %arg9[%add3A_197, %broadcast_in_dim3A_956], %add3A_964 : memref<800x64xf32, #tpu.memory_space<vmem>>[vector<16xi32>, vector<16xi32>], vector<16xf32>,
        %broadcast_in_dim3A_965 = arith.constant 8 : i32
        %broadcast_in_dim3A_966 = vector.broadcast %broadcast_in_dim3A_965 : i32 to vector<16xi32>
        %get3A_967 = arith.constant 128 : index
        %get3A_968 = tpu.vector_load %arg13[%get3A_967] {strides = array<i32>} : memref<1024xf32, #tpu.memory_space<vmem>>, vector<16xf32>,
        %gather3A_969 = tpu.vector_load_idx %arg11[%broadcast_in_dim3A_966] : memref<64xf32, #tpu.memory_space<vmem>>[vector<16xi32>], vector<16xf32>,
        %gather3A_970 = tpu.vector_load_idx %arg12[%broadcast_in_dim3A_966] : memref<64xf32, #tpu.memory_space<vmem>>[vector<16xi32>], vector<16xf32>,
        %sub3A_971 = arith.subf %get3A_968, %mul3A_844 : vector<16xf32>
        %mul3A_972 = arith.mulf %sub3A_971, %mul3A_885 : vector<16xf32>
        %mul3A_973 = arith.mulf %mul3A_972, %gather3A_969 : vector<16xf32>
        %add3A_974 = arith.addf %mul3A_973, %gather3A_970 : vector<16xf32>
        tpu.vector_store_idx %arg9[%add3A_197, %broadcast_in_dim3A_966], %add3A_974 : memref<800x64xf32, #tpu.memory_space<vmem>>[vector<16xi32>, vector<16xi32>], vector<16xf32>,
        %broadcast_in_dim3A_975 = arith.constant 9 : i32
        %broadcast_in_dim3A_976 = vector.broadcast %broadcast_in_dim3A_975 : i32 to vector<16xi32>
        %get3A_977 = arith.constant 144 : index
        %get3A_978 = tpu.vector_load %arg13[%get3A_977] {strides = array<i32>} : memref<1024xf32, #tpu.memory_space<vmem>>, vector<16xf32>,
        %gather3A_979 = tpu.vector_load_idx %arg11[%broadcast_in_dim3A_976] : memref<64xf32, #tpu.memory_space<vmem>>[vector<16xi32>], vector<16xf32>,
        %gather3A_980 = tpu.vector_load_idx %arg12[%broadcast_in_dim3A_976] : memref<64xf32, #tpu.memory_space<vmem>>[vector<16xi32>], vector<16xf32>,
        %sub3A_981 = arith.subf %get3A_978, %mul3A_844 : vector<16xf32>
        %mul3A_982 = arith.mulf %sub3A_981, %mul3A_885 : vector<16xf32>
        %mul3A_983 = arith.mulf %mul3A_982, %gather3A_979 : vector<16xf32>
        %add3A_984 = arith.addf %mul3A_983, %gather3A_980 : vector<16xf32>
        tpu.vector_store_idx %arg9[%add3A_197, %broadcast_in_dim3A_976], %add3A_984 : memref<800x64xf32, #tpu.memory_space<vmem>>[vector<16xi32>, vector<16xi32>], vector<16xf32>,
        %broadcast_in_dim3A_985 = arith.constant 10 : i32
        %broadcast_in_dim3A_986 = vector.broadcast %broadcast_in_dim3A_985 : i32 to vector<16xi32>
        %get3A_987 = arith.constant 160 : index
        %get3A_988 = tpu.vector_load %arg13[%get3A_987] {strides = array<i32>} : memref<1024xf32, #tpu.memory_space<vmem>>, vector<16xf32>,
        %gather3A_989 = tpu.vector_load_idx %arg11[%broadcast_in_dim3A_986] : memref<64xf32, #tpu.memory_space<vmem>>[vector<16xi32>], vector<16xf32>,
        %gather3A_990 = tpu.vector_load_idx %arg12[%broadcast_in_dim3A_986] : memref<64xf32, #tpu.memory_space<vmem>>[vector<16xi32>], vector<16xf32>,
        %sub3A_991 = arith.subf %get3A_988, %mul3A_844 : vector<16xf32>
        %mul3A_992 = arith.mulf %sub3A_991, %mul3A_885 : vector<16xf32>
        %mul3A_993 = arith.mulf %mul3A_992, %gather3A_989 : vector<16xf32>
        %add3A_994 = arith.addf %mul3A_993, %gather3A_990 : vector<16xf32>
        tpu.vector_store_idx %arg9[%add3A_197, %broadcast_in_dim3A_986], %add3A_994 : memref<800x64xf32, #tpu.memory_space<vmem>>[vector<16xi32>, vector<16xi32>], vector<16xf32>,
        %broadcast_in_dim3A_995 = arith.constant 11 : i32
        %broadcast_in_dim3A_996 = vector.broadcast %broadcast_in_dim3A_995 : i32 to vector<16xi32>
        %get3A_997 = arith.constant 176 : index
        %get3A_998 = tpu.vector_load %arg13[%get3A_997] {strides = array<i32>} : memref<1024xf32, #tpu.memory_space<vmem>>, vector<16xf32>,
        %gather3A_999 = tpu.vector_load_idx %arg11[%broadcast_in_dim3A_996] : memref<64xf32, #tpu.memory_space<vmem>>[vector<16xi32>], vector<16xf32>,
        %gather3A_1000 = tpu.vector_load_idx %arg12[%broadcast_in_dim3A_996] : memref<64xf32, #tpu.memory_space<vmem>>[vector<16xi32>], vector<16xf32>,
        %sub3A_1001 = arith.subf %get3A_998, %mul3A_844 : vector<16xf32>
        %mul3A_1002 = arith.mulf %sub3A_1001, %mul3A_885 : vector<16xf32>
        %mul3A_1003 = arith.mulf %mul3A_1002, %gather3A_999 : vector<16xf32>
        %add3A_1004 = arith.addf %mul3A_1003, %gather3A_1000 : vector<16xf32>
        tpu.vector_store_idx %arg9[%add3A_197, %broadcast_in_dim3A_996], %add3A_1004 : memref<800x64xf32, #tpu.memory_space<vmem>>[vector<16xi32>, vector<16xi32>], vector<16xf32>,
        %broadcast_in_dim3A_1005 = arith.constant 12 : i32
        %broadcast_in_dim3A_1006 = vector.broadcast %broadcast_in_dim3A_1005 : i32 to vector<16xi32>
        %get3A_1007 = arith.constant 192 : index
        %get3A_1008 = tpu.vector_load %arg13[%get3A_1007] {strides = array<i32>} : memref<1024xf32, #tpu.memory_space<vmem>>, vector<16xf32>,
        %gather3A_1009 = tpu.vector_load_idx %arg11[%broadcast_in_dim3A_1006] : memref<64xf32, #tpu.memory_space<vmem>>[vector<16xi32>], vector<16xf32>,
        %gather3A_1010 = tpu.vector_load_idx %arg12[%broadcast_in_dim3A_1006] : memref<64xf32, #tpu.memory_space<vmem>>[vector<16xi32>], vector<16xf32>,
        %sub3A_1011 = arith.subf %get3A_1008, %mul3A_844 : vector<16xf32>
        %mul3A_1012 = arith.mulf %sub3A_1011, %mul3A_885 : vector<16xf32>
        %mul3A_1013 = arith.mulf %mul3A_1012, %gather3A_1009 : vector<16xf32>
        %add3A_1014 = arith.addf %mul3A_1013, %gather3A_1010 : vector<16xf32>
        tpu.vector_store_idx %arg9[%add3A_197, %broadcast_in_dim3A_1006], %add3A_1014 : memref<800x64xf32, #tpu.memory_space<vmem>>[vector<16xi32>, vector<16xi32>], vector<16xf32>,
        %broadcast_in_dim3A_1015 = arith.constant 13 : i32
        %broadcast_in_dim3A_1016 = vector.broadcast %broadcast_in_dim3A_1015 : i32 to vector<16xi32>
        %get3A_1017 = arith.constant 208 : index
        %get3A_1018 = tpu.vector_load %arg13[%get3A_1017] {strides = array<i32>} : memref<1024xf32, #tpu.memory_space<vmem>>, vector<16xf32>,
        %gather3A_1019 = tpu.vector_load_idx %arg11[%broadcast_in_dim3A_1016] : memref<64xf32, #tpu.memory_space<vmem>>[vector<16xi32>], vector<16xf32>,
        %gather3A_1020 = tpu.vector_load_idx %arg12[%broadcast_in_dim3A_1016] : memref<64xf32, #tpu.memory_space<vmem>>[vector<16xi32>], vector<16xf32>,
        %sub3A_1021 = arith.subf %get3A_1018, %mul3A_844 : vector<16xf32>
        %mul3A_1022 = arith.mulf %sub3A_1021, %mul3A_885 : vector<16xf32>
        %mul3A_1023 = arith.mulf %mul3A_1022, %gather3A_1019 : vector<16xf32>
        %add3A_1024 = arith.addf %mul3A_1023, %gather3A_1020 : vector<16xf32>
        tpu.vector_store_idx %arg9[%add3A_197, %broadcast_in_dim3A_1016], %add3A_1024 : memref<800x64xf32, #tpu.memory_space<vmem>>[vector<16xi32>, vector<16xi32>], vector<16xf32>,
        %broadcast_in_dim3A_1025 = arith.constant 14 : i32
        %broadcast_in_dim3A_1026 = vector.broadcast %broadcast_in_dim3A_1025 : i32 to vector<16xi32>
        %get3A_1027 = arith.constant 224 : index
        %get3A_1028 = tpu.vector_load %arg13[%get3A_1027] {strides = array<i32>} : memref<1024xf32, #tpu.memory_space<vmem>>, vector<16xf32>,
        %gather3A_1029 = tpu.vector_load_idx %arg11[%broadcast_in_dim3A_1026] : memref<64xf32, #tpu.memory_space<vmem>>[vector<16xi32>], vector<16xf32>,
        %gather3A_1030 = tpu.vector_load_idx %arg12[%broadcast_in_dim3A_1026] : memref<64xf32, #tpu.memory_space<vmem>>[vector<16xi32>], vector<16xf32>,
        %sub3A_1031 = arith.subf %get3A_1028, %mul3A_844 : vector<16xf32>
        %mul3A_1032 = arith.mulf %sub3A_1031, %mul3A_885 : vector<16xf32>
        %mul3A_1033 = arith.mulf %mul3A_1032, %gather3A_1029 : vector<16xf32>
        %add3A_1034 = arith.addf %mul3A_1033, %gather3A_1030 : vector<16xf32>
        tpu.vector_store_idx %arg9[%add3A_197, %broadcast_in_dim3A_1026], %add3A_1034 : memref<800x64xf32, #tpu.memory_space<vmem>>[vector<16xi32>, vector<16xi32>], vector<16xf32>,
        %broadcast_in_dim3A_1035 = arith.constant 15 : i32
        %broadcast_in_dim3A_1036 = vector.broadcast %broadcast_in_dim3A_1035 : i32 to vector<16xi32>
        %get3A_1037 = arith.constant 240 : index
        %get3A_1038 = tpu.vector_load %arg13[%get3A_1037] {strides = array<i32>} : memref<1024xf32, #tpu.memory_space<vmem>>, vector<16xf32>,
        %gather3A_1039 = tpu.vector_load_idx %arg11[%broadcast_in_dim3A_1036] : memref<64xf32, #tpu.memory_space<vmem>>[vector<16xi32>], vector<16xf32>,
        %gather3A_1040 = tpu.vector_load_idx %arg12[%broadcast_in_dim3A_1036] : memref<64xf32, #tpu.memory_space<vmem>>[vector<16xi32>], vector<16xf32>,
        %sub3A_1041 = arith.subf %get3A_1038, %mul3A_844 : vector<16xf32>
        %mul3A_1042 = arith.mulf %sub3A_1041, %mul3A_885 : vector<16xf32>
        %mul3A_1043 = arith.mulf %mul3A_1042, %gather3A_1039 : vector<16xf32>
        %add3A_1044 = arith.addf %mul3A_1043, %gather3A_1040 : vector<16xf32>
        tpu.vector_store_idx %arg9[%add3A_197, %broadcast_in_dim3A_1036], %add3A_1044 : memref<800x64xf32, #tpu.memory_space<vmem>>[vector<16xi32>, vector<16xi32>], vector<16xf32>,
        %broadcast_in_dim3A_1045 = arith.constant 16 : i32
        %broadcast_in_dim3A_1046 = vector.broadcast %broadcast_in_dim3A_1045 : i32 to vector<16xi32>
        %get3A_1047 = arith.constant 256 : index
        %get3A_1048 = tpu.vector_load %arg13[%get3A_1047] {strides = array<i32>} : memref<1024xf32, #tpu.memory_space<vmem>>, vector<16xf32>,
        %gather3A_1049 = tpu.vector_load_idx %arg11[%broadcast_in_dim3A_1046] : memref<64xf32, #tpu.memory_space<vmem>>[vector<16xi32>], vector<16xf32>,
        %gather3A_1050 = tpu.vector_load_idx %arg12[%broadcast_in_dim3A_1046] : memref<64xf32, #tpu.memory_space<vmem>>[vector<16xi32>], vector<16xf32>,
        %sub3A_1051 = arith.subf %get3A_1048, %mul3A_844 : vector<16xf32>
        %mul3A_1052 = arith.mulf %sub3A_1051, %mul3A_885 : vector<16xf32>
        %mul3A_1053 = arith.mulf %mul3A_1052, %gather3A_1049 : vector<16xf32>
        %add3A_1054 = arith.addf %mul3A_1053, %gather3A_1050 : vector<16xf32>
        tpu.vector_store_idx %arg9[%add3A_197, %broadcast_in_dim3A_1046], %add3A_1054 : memref<800x64xf32, #tpu.memory_space<vmem>>[vector<16xi32>, vector<16xi32>], vector<16xf32>,
        %broadcast_in_dim3A_1055 = arith.constant 17 : i32
        %broadcast_in_dim3A_1056 = vector.broadcast %broadcast_in_dim3A_1055 : i32 to vector<16xi32>
        %get3A_1057 = arith.constant 272 : index
        %get3A_1058 = tpu.vector_load %arg13[%get3A_1057] {strides = array<i32>} : memref<1024xf32, #tpu.memory_space<vmem>>, vector<16xf32>,
        %gather3A_1059 = tpu.vector_load_idx %arg11[%broadcast_in_dim3A_1056] : memref<64xf32, #tpu.memory_space<vmem>>[vector<16xi32>], vector<16xf32>,
        %gather3A_1060 = tpu.vector_load_idx %arg12[%broadcast_in_dim3A_1056] : memref<64xf32, #tpu.memory_space<vmem>>[vector<16xi32>], vector<16xf32>,
        %sub3A_1061 = arith.subf %get3A_1058, %mul3A_844 : vector<16xf32>
        %mul3A_1062 = arith.mulf %sub3A_1061, %mul3A_885 : vector<16xf32>
        %mul3A_1063 = arith.mulf %mul3A_1062, %gather3A_1059 : vector<16xf32>
        %add3A_1064 = arith.addf %mul3A_1063, %gather3A_1060 : vector<16xf32>
        tpu.vector_store_idx %arg9[%add3A_197, %broadcast_in_dim3A_1056], %add3A_1064 : memref<800x64xf32, #tpu.memory_space<vmem>>[vector<16xi32>, vector<16xi32>], vector<16xf32>,
        %broadcast_in_dim3A_1065 = arith.constant 18 : i32
        %broadcast_in_dim3A_1066 = vector.broadcast %broadcast_in_dim3A_1065 : i32 to vector<16xi32>
        %get3A_1067 = arith.constant 288 : index
        %get3A_1068 = tpu.vector_load %arg13[%get3A_1067] {strides = array<i32>} : memref<1024xf32, #tpu.memory_space<vmem>>, vector<16xf32>,
        %gather3A_1069 = tpu.vector_load_idx %arg11[%broadcast_in_dim3A_1066] : memref<64xf32, #tpu.memory_space<vmem>>[vector<16xi32>], vector<16xf32>,
        %gather3A_1070 = tpu.vector_load_idx %arg12[%broadcast_in_dim3A_1066] : memref<64xf32, #tpu.memory_space<vmem>>[vector<16xi32>], vector<16xf32>,
        %sub3A_1071 = arith.subf %get3A_1068, %mul3A_844 : vector<16xf32>
        %mul3A_1072 = arith.mulf %sub3A_1071, %mul3A_885 : vector<16xf32>
        %mul3A_1073 = arith.mulf %mul3A_1072, %gather3A_1069 : vector<16xf32>
        %add3A_1074 = arith.addf %mul3A_1073, %gather3A_1070 : vector<16xf32>
        tpu.vector_store_idx %arg9[%add3A_197, %broadcast_in_dim3A_1066], %add3A_1074 : memref<800x64xf32, #tpu.memory_space<vmem>>[vector<16xi32>, vector<16xi32>], vector<16xf32>,
        %broadcast_in_dim3A_1075 = arith.constant 19 : i32
        %broadcast_in_dim3A_1076 = vector.broadcast %broadcast_in_dim3A_1075 : i32 to vector<16xi32>
        %get3A_1077 = arith.constant 304 : index
        %get3A_1078 = tpu.vector_load %arg13[%get3A_1077] {strides = array<i32>} : memref<1024xf32, #tpu.memory_space<vmem>>, vector<16xf32>,
        %gather3A_1079 = tpu.vector_load_idx %arg11[%broadcast_in_dim3A_1076] : memref<64xf32, #tpu.memory_space<vmem>>[vector<16xi32>], vector<16xf32>,
        %gather3A_1080 = tpu.vector_load_idx %arg12[%broadcast_in_dim3A_1076] : memref<64xf32, #tpu.memory_space<vmem>>[vector<16xi32>], vector<16xf32>,
        %sub3A_1081 = arith.subf %get3A_1078, %mul3A_844 : vector<16xf32>
        %mul3A_1082 = arith.mulf %sub3A_1081, %mul3A_885 : vector<16xf32>
        %mul3A_1083 = arith.mulf %mul3A_1082, %gather3A_1079 : vector<16xf32>
        %add3A_1084 = arith.addf %mul3A_1083, %gather3A_1080 : vector<16xf32>
        tpu.vector_store_idx %arg9[%add3A_197, %broadcast_in_dim3A_1076], %add3A_1084 : memref<800x64xf32, #tpu.memory_space<vmem>>[vector<16xi32>, vector<16xi32>], vector<16xf32>,
        %broadcast_in_dim3A_1085 = arith.constant 20 : i32
        %broadcast_in_dim3A_1086 = vector.broadcast %broadcast_in_dim3A_1085 : i32 to vector<16xi32>
        %get3A_1087 = arith.constant 320 : index
        %get3A_1088 = tpu.vector_load %arg13[%get3A_1087] {strides = array<i32>} : memref<1024xf32, #tpu.memory_space<vmem>>, vector<16xf32>,
        %gather3A_1089 = tpu.vector_load_idx %arg11[%broadcast_in_dim3A_1086] : memref<64xf32, #tpu.memory_space<vmem>>[vector<16xi32>], vector<16xf32>,
        %gather3A_1090 = tpu.vector_load_idx %arg12[%broadcast_in_dim3A_1086] : memref<64xf32, #tpu.memory_space<vmem>>[vector<16xi32>], vector<16xf32>,
        %sub3A_1091 = arith.subf %get3A_1088, %mul3A_844 : vector<16xf32>
        %mul3A_1092 = arith.mulf %sub3A_1091, %mul3A_885 : vector<16xf32>
        %mul3A_1093 = arith.mulf %mul3A_1092, %gather3A_1089 : vector<16xf32>
        %add3A_1094 = arith.addf %mul3A_1093, %gather3A_1090 : vector<16xf32>
        tpu.vector_store_idx %arg9[%add3A_197, %broadcast_in_dim3A_1086], %add3A_1094 : memref<800x64xf32, #tpu.memory_space<vmem>>[vector<16xi32>, vector<16xi32>], vector<16xf32>,
        %broadcast_in_dim3A_1095 = arith.constant 21 : i32
        %broadcast_in_dim3A_1096 = vector.broadcast %broadcast_in_dim3A_1095 : i32 to vector<16xi32>
        %get3A_1097 = arith.constant 336 : index
        %get3A_1098 = tpu.vector_load %arg13[%get3A_1097] {strides = array<i32>} : memref<1024xf32, #tpu.memory_space<vmem>>, vector<16xf32>,
        %gather3A_1099 = tpu.vector_load_idx %arg11[%broadcast_in_dim3A_1096] : memref<64xf32, #tpu.memory_space<vmem>>[vector<16xi32>], vector<16xf32>,
        %gather3A_1100 = tpu.vector_load_idx %arg12[%broadcast_in_dim3A_1096] : memref<64xf32, #tpu.memory_space<vmem>>[vector<16xi32>], vector<16xf32>,
        %sub3A_1101 = arith.subf %get3A_1098, %mul3A_844 : vector<16xf32>
        %mul3A_1102 = arith.mulf %sub3A_1101, %mul3A_885 : vector<16xf32>
        %mul3A_1103 = arith.mulf %mul3A_1102, %gather3A_1099 : vector<16xf32>
        %add3A_1104 = arith.addf %mul3A_1103, %gather3A_1100 : vector<16xf32>
        tpu.vector_store_idx %arg9[%add3A_197, %broadcast_in_dim3A_1096], %add3A_1104 : memref<800x64xf32, #tpu.memory_space<vmem>>[vector<16xi32>, vector<16xi32>], vector<16xf32>,
        %broadcast_in_dim3A_1105 = arith.constant 22 : i32
        %broadcast_in_dim3A_1106 = vector.broadcast %broadcast_in_dim3A_1105 : i32 to vector<16xi32>
        %get3A_1107 = arith.constant 352 : index
        %get3A_1108 = tpu.vector_load %arg13[%get3A_1107] {strides = array<i32>} : memref<1024xf32, #tpu.memory_space<vmem>>, vector<16xf32>,
        %gather3A_1109 = tpu.vector_load_idx %arg11[%broadcast_in_dim3A_1106] : memref<64xf32, #tpu.memory_space<vmem>>[vector<16xi32>], vector<16xf32>,
        %gather3A_1110 = tpu.vector_load_idx %arg12[%broadcast_in_dim3A_1106] : memref<64xf32, #tpu.memory_space<vmem>>[vector<16xi32>], vector<16xf32>,
        %sub3A_1111 = arith.subf %get3A_1108, %mul3A_844 : vector<16xf32>
        %mul3A_1112 = arith.mulf %sub3A_1111, %mul3A_885 : vector<16xf32>
        %mul3A_1113 = arith.mulf %mul3A_1112, %gather3A_1109 : vector<16xf32>
        %add3A_1114 = arith.addf %mul3A_1113, %gather3A_1110 : vector<16xf32>
        tpu.vector_store_idx %arg9[%add3A_197, %broadcast_in_dim3A_1106], %add3A_1114 : memref<800x64xf32, #tpu.memory_space<vmem>>[vector<16xi32>, vector<16xi32>], vector<16xf32>,
        %broadcast_in_dim3A_1115 = arith.constant 23 : i32
        %broadcast_in_dim3A_1116 = vector.broadcast %broadcast_in_dim3A_1115 : i32 to vector<16xi32>
        %get3A_1117 = arith.constant 368 : index
        %get3A_1118 = tpu.vector_load %arg13[%get3A_1117] {strides = array<i32>} : memref<1024xf32, #tpu.memory_space<vmem>>, vector<16xf32>,
        %gather3A_1119 = tpu.vector_load_idx %arg11[%broadcast_in_dim3A_1116] : memref<64xf32, #tpu.memory_space<vmem>>[vector<16xi32>], vector<16xf32>,
        %gather3A_1120 = tpu.vector_load_idx %arg12[%broadcast_in_dim3A_1116] : memref<64xf32, #tpu.memory_space<vmem>>[vector<16xi32>], vector<16xf32>,
        %sub3A_1121 = arith.subf %get3A_1118, %mul3A_844 : vector<16xf32>
        %mul3A_1122 = arith.mulf %sub3A_1121, %mul3A_885 : vector<16xf32>
        %mul3A_1123 = arith.mulf %mul3A_1122, %gather3A_1119 : vector<16xf32>
        %add3A_1124 = arith.addf %mul3A_1123, %gather3A_1120 : vector<16xf32>
        tpu.vector_store_idx %arg9[%add3A_197, %broadcast_in_dim3A_1116], %add3A_1124 : memref<800x64xf32, #tpu.memory_space<vmem>>[vector<16xi32>, vector<16xi32>], vector<16xf32>,
        %broadcast_in_dim3A_1125 = arith.constant 24 : i32
        %broadcast_in_dim3A_1126 = vector.broadcast %broadcast_in_dim3A_1125 : i32 to vector<16xi32>
        %get3A_1127 = arith.constant 384 : index
        %get3A_1128 = tpu.vector_load %arg13[%get3A_1127] {strides = array<i32>} : memref<1024xf32, #tpu.memory_space<vmem>>, vector<16xf32>,
        %gather3A_1129 = tpu.vector_load_idx %arg11[%broadcast_in_dim3A_1126] : memref<64xf32, #tpu.memory_space<vmem>>[vector<16xi32>], vector<16xf32>,
        %gather3A_1130 = tpu.vector_load_idx %arg12[%broadcast_in_dim3A_1126] : memref<64xf32, #tpu.memory_space<vmem>>[vector<16xi32>], vector<16xf32>,
        %sub3A_1131 = arith.subf %get3A_1128, %mul3A_844 : vector<16xf32>
        %mul3A_1132 = arith.mulf %sub3A_1131, %mul3A_885 : vector<16xf32>
        %mul3A_1133 = arith.mulf %mul3A_1132, %gather3A_1129 : vector<16xf32>
        %add3A_1134 = arith.addf %mul3A_1133, %gather3A_1130 : vector<16xf32>
        tpu.vector_store_idx %arg9[%add3A_197, %broadcast_in_dim3A_1126], %add3A_1134 : memref<800x64xf32, #tpu.memory_space<vmem>>[vector<16xi32>, vector<16xi32>], vector<16xf32>,
        %broadcast_in_dim3A_1135 = arith.constant 25 : i32
        %broadcast_in_dim3A_1136 = vector.broadcast %broadcast_in_dim3A_1135 : i32 to vector<16xi32>
        %get3A_1137 = arith.constant 400 : index
        %get3A_1138 = tpu.vector_load %arg13[%get3A_1137] {strides = array<i32>} : memref<1024xf32, #tpu.memory_space<vmem>>, vector<16xf32>,
        %gather3A_1139 = tpu.vector_load_idx %arg11[%broadcast_in_dim3A_1136] : memref<64xf32, #tpu.memory_space<vmem>>[vector<16xi32>], vector<16xf32>,
        %gather3A_1140 = tpu.vector_load_idx %arg12[%broadcast_in_dim3A_1136] : memref<64xf32, #tpu.memory_space<vmem>>[vector<16xi32>], vector<16xf32>,
        %sub3A_1141 = arith.subf %get3A_1138, %mul3A_844 : vector<16xf32>
        %mul3A_1142 = arith.mulf %sub3A_1141, %mul3A_885 : vector<16xf32>
        %mul3A_1143 = arith.mulf %mul3A_1142, %gather3A_1139 : vector<16xf32>
        %add3A_1144 = arith.addf %mul3A_1143, %gather3A_1140 : vector<16xf32>
        tpu.vector_store_idx %arg9[%add3A_197, %broadcast_in_dim3A_1136], %add3A_1144 : memref<800x64xf32, #tpu.memory_space<vmem>>[vector<16xi32>, vector<16xi32>], vector<16xf32>,
        %broadcast_in_dim3A_1145 = arith.constant 26 : i32
        %broadcast_in_dim3A_1146 = vector.broadcast %broadcast_in_dim3A_1145 : i32 to vector<16xi32>
        %get3A_1147 = arith.constant 416 : index
        %get3A_1148 = tpu.vector_load %arg13[%get3A_1147] {strides = array<i32>} : memref<1024xf32, #tpu.memory_space<vmem>>, vector<16xf32>,
        %gather3A_1149 = tpu.vector_load_idx %arg11[%broadcast_in_dim3A_1146] : memref<64xf32, #tpu.memory_space<vmem>>[vector<16xi32>], vector<16xf32>,
        %gather3A_1150 = tpu.vector_load_idx %arg12[%broadcast_in_dim3A_1146] : memref<64xf32, #tpu.memory_space<vmem>>[vector<16xi32>], vector<16xf32>,
        %sub3A_1151 = arith.subf %get3A_1148, %mul3A_844 : vector<16xf32>
        %mul3A_1152 = arith.mulf %sub3A_1151, %mul3A_885 : vector<16xf32>
        %mul3A_1153 = arith.mulf %mul3A_1152, %gather3A_1149 : vector<16xf32>
        %add3A_1154 = arith.addf %mul3A_1153, %gather3A_1150 : vector<16xf32>
        tpu.vector_store_idx %arg9[%add3A_197, %broadcast_in_dim3A_1146], %add3A_1154 : memref<800x64xf32, #tpu.memory_space<vmem>>[vector<16xi32>, vector<16xi32>], vector<16xf32>,
        %broadcast_in_dim3A_1155 = arith.constant 27 : i32
        %broadcast_in_dim3A_1156 = vector.broadcast %broadcast_in_dim3A_1155 : i32 to vector<16xi32>
        %get3A_1157 = arith.constant 432 : index
        %get3A_1158 = tpu.vector_load %arg13[%get3A_1157] {strides = array<i32>} : memref<1024xf32, #tpu.memory_space<vmem>>, vector<16xf32>,
        %gather3A_1159 = tpu.vector_load_idx %arg11[%broadcast_in_dim3A_1156] : memref<64xf32, #tpu.memory_space<vmem>>[vector<16xi32>], vector<16xf32>,
        %gather3A_1160 = tpu.vector_load_idx %arg12[%broadcast_in_dim3A_1156] : memref<64xf32, #tpu.memory_space<vmem>>[vector<16xi32>], vector<16xf32>,
        %sub3A_1161 = arith.subf %get3A_1158, %mul3A_844 : vector<16xf32>
        %mul3A_1162 = arith.mulf %sub3A_1161, %mul3A_885 : vector<16xf32>
        %mul3A_1163 = arith.mulf %mul3A_1162, %gather3A_1159 : vector<16xf32>
        %add3A_1164 = arith.addf %mul3A_1163, %gather3A_1160 : vector<16xf32>
        tpu.vector_store_idx %arg9[%add3A_197, %broadcast_in_dim3A_1156], %add3A_1164 : memref<800x64xf32, #tpu.memory_space<vmem>>[vector<16xi32>, vector<16xi32>], vector<16xf32>,
        %broadcast_in_dim3A_1165 = arith.constant 28 : i32
        %broadcast_in_dim3A_1166 = vector.broadcast %broadcast_in_dim3A_1165 : i32 to vector<16xi32>
        %get3A_1167 = arith.constant 448 : index
        %get3A_1168 = tpu.vector_load %arg13[%get3A_1167] {strides = array<i32>} : memref<1024xf32, #tpu.memory_space<vmem>>, vector<16xf32>,
        %gather3A_1169 = tpu.vector_load_idx %arg11[%broadcast_in_dim3A_1166] : memref<64xf32, #tpu.memory_space<vmem>>[vector<16xi32>], vector<16xf32>,
        %gather3A_1170 = tpu.vector_load_idx %arg12[%broadcast_in_dim3A_1166] : memref<64xf32, #tpu.memory_space<vmem>>[vector<16xi32>], vector<16xf32>,
        %sub3A_1171 = arith.subf %get3A_1168, %mul3A_844 : vector<16xf32>
        %mul3A_1172 = arith.mulf %sub3A_1171, %mul3A_885 : vector<16xf32>
        %mul3A_1173 = arith.mulf %mul3A_1172, %gather3A_1169 : vector<16xf32>
        %add3A_1174 = arith.addf %mul3A_1173, %gather3A_1170 : vector<16xf32>
        tpu.vector_store_idx %arg9[%add3A_197, %broadcast_in_dim3A_1166], %add3A_1174 : memref<800x64xf32, #tpu.memory_space<vmem>>[vector<16xi32>, vector<16xi32>], vector<16xf32>,
        %broadcast_in_dim3A_1175 = arith.constant 29 : i32
        %broadcast_in_dim3A_1176 = vector.broadcast %broadcast_in_dim3A_1175 : i32 to vector<16xi32>
        %get3A_1177 = arith.constant 464 : index
        %get3A_1178 = tpu.vector_load %arg13[%get3A_1177] {strides = array<i32>} : memref<1024xf32, #tpu.memory_space<vmem>>, vector<16xf32>,
        %gather3A_1179 = tpu.vector_load_idx %arg11[%broadcast_in_dim3A_1176] : memref<64xf32, #tpu.memory_space<vmem>>[vector<16xi32>], vector<16xf32>,
        %gather3A_1180 = tpu.vector_load_idx %arg12[%broadcast_in_dim3A_1176] : memref<64xf32, #tpu.memory_space<vmem>>[vector<16xi32>], vector<16xf32>,
        %sub3A_1181 = arith.subf %get3A_1178, %mul3A_844 : vector<16xf32>
        %mul3A_1182 = arith.mulf %sub3A_1181, %mul3A_885 : vector<16xf32>
        %mul3A_1183 = arith.mulf %mul3A_1182, %gather3A_1179 : vector<16xf32>
        %add3A_1184 = arith.addf %mul3A_1183, %gather3A_1180 : vector<16xf32>
        tpu.vector_store_idx %arg9[%add3A_197, %broadcast_in_dim3A_1176], %add3A_1184 : memref<800x64xf32, #tpu.memory_space<vmem>>[vector<16xi32>, vector<16xi32>], vector<16xf32>,
        %broadcast_in_dim3A_1185 = arith.constant 30 : i32
        %broadcast_in_dim3A_1186 = vector.broadcast %broadcast_in_dim3A_1185 : i32 to vector<16xi32>
        %get3A_1187 = arith.constant 480 : index
        %get3A_1188 = tpu.vector_load %arg13[%get3A_1187] {strides = array<i32>} : memref<1024xf32, #tpu.memory_space<vmem>>, vector<16xf32>,
        %gather3A_1189 = tpu.vector_load_idx %arg11[%broadcast_in_dim3A_1186] : memref<64xf32, #tpu.memory_space<vmem>>[vector<16xi32>], vector<16xf32>,
        %gather3A_1190 = tpu.vector_load_idx %arg12[%broadcast_in_dim3A_1186] : memref<64xf32, #tpu.memory_space<vmem>>[vector<16xi32>], vector<16xf32>,
        %sub3A_1191 = arith.subf %get3A_1188, %mul3A_844 : vector<16xf32>
        %mul3A_1192 = arith.mulf %sub3A_1191, %mul3A_885 : vector<16xf32>
        %mul3A_1193 = arith.mulf %mul3A_1192, %gather3A_1189 : vector<16xf32>
        %add3A_1194 = arith.addf %mul3A_1193, %gather3A_1190 : vector<16xf32>
        tpu.vector_store_idx %arg9[%add3A_197, %broadcast_in_dim3A_1186], %add3A_1194 : memref<800x64xf32, #tpu.memory_space<vmem>>[vector<16xi32>, vector<16xi32>], vector<16xf32>,
        %broadcast_in_dim3A_1195 = arith.constant 31 : i32
        %broadcast_in_dim3A_1196 = vector.broadcast %broadcast_in_dim3A_1195 : i32 to vector<16xi32>
        %get3A_1197 = arith.constant 496 : index
        %get3A_1198 = tpu.vector_load %arg13[%get3A_1197] {strides = array<i32>} : memref<1024xf32, #tpu.memory_space<vmem>>, vector<16xf32>,
        %gather3A_1199 = tpu.vector_load_idx %arg11[%broadcast_in_dim3A_1196] : memref<64xf32, #tpu.memory_space<vmem>>[vector<16xi32>], vector<16xf32>,
        %gather3A_1200 = tpu.vector_load_idx %arg12[%broadcast_in_dim3A_1196] : memref<64xf32, #tpu.memory_space<vmem>>[vector<16xi32>], vector<16xf32>,
        %sub3A_1201 = arith.subf %get3A_1198, %mul3A_844 : vector<16xf32>
        %mul3A_1202 = arith.mulf %sub3A_1201, %mul3A_885 : vector<16xf32>
        %mul3A_1203 = arith.mulf %mul3A_1202, %gather3A_1199 : vector<16xf32>
        %add3A_1204 = arith.addf %mul3A_1203, %gather3A_1200 : vector<16xf32>
        tpu.vector_store_idx %arg9[%add3A_197, %broadcast_in_dim3A_1196], %add3A_1204 : memref<800x64xf32, #tpu.memory_space<vmem>>[vector<16xi32>, vector<16xi32>], vector<16xf32>,
        %broadcast_in_dim3A_1205 = arith.constant 32 : i32
        %broadcast_in_dim3A_1206 = vector.broadcast %broadcast_in_dim3A_1205 : i32 to vector<16xi32>
        %get3A_1207 = arith.constant 512 : index
        %get3A_1208 = tpu.vector_load %arg13[%get3A_1207] {strides = array<i32>} : memref<1024xf32, #tpu.memory_space<vmem>>, vector<16xf32>,
        %gather3A_1209 = tpu.vector_load_idx %arg11[%broadcast_in_dim3A_1206] : memref<64xf32, #tpu.memory_space<vmem>>[vector<16xi32>], vector<16xf32>,
        %gather3A_1210 = tpu.vector_load_idx %arg12[%broadcast_in_dim3A_1206] : memref<64xf32, #tpu.memory_space<vmem>>[vector<16xi32>], vector<16xf32>,
        %sub3A_1211 = arith.subf %get3A_1208, %mul3A_844 : vector<16xf32>
        %mul3A_1212 = arith.mulf %sub3A_1211, %mul3A_885 : vector<16xf32>
        %mul3A_1213 = arith.mulf %mul3A_1212, %gather3A_1209 : vector<16xf32>
        %add3A_1214 = arith.addf %mul3A_1213, %gather3A_1210 : vector<16xf32>
        tpu.vector_store_idx %arg9[%add3A_197, %broadcast_in_dim3A_1206], %add3A_1214 : memref<800x64xf32, #tpu.memory_space<vmem>>[vector<16xi32>, vector<16xi32>], vector<16xf32>,
        %broadcast_in_dim3A_1215 = arith.constant 33 : i32
        %broadcast_in_dim3A_1216 = vector.broadcast %broadcast_in_dim3A_1215 : i32 to vector<16xi32>
        %get3A_1217 = arith.constant 528 : index
        %get3A_1218 = tpu.vector_load %arg13[%get3A_1217] {strides = array<i32>} : memref<1024xf32, #tpu.memory_space<vmem>>, vector<16xf32>,
        %gather3A_1219 = tpu.vector_load_idx %arg11[%broadcast_in_dim3A_1216] : memref<64xf32, #tpu.memory_space<vmem>>[vector<16xi32>], vector<16xf32>,
        %gather3A_1220 = tpu.vector_load_idx %arg12[%broadcast_in_dim3A_1216] : memref<64xf32, #tpu.memory_space<vmem>>[vector<16xi32>], vector<16xf32>,
        %sub3A_1221 = arith.subf %get3A_1218, %mul3A_844 : vector<16xf32>
        %mul3A_1222 = arith.mulf %sub3A_1221, %mul3A_885 : vector<16xf32>
        %mul3A_1223 = arith.mulf %mul3A_1222, %gather3A_1219 : vector<16xf32>
        %add3A_1224 = arith.addf %mul3A_1223, %gather3A_1220 : vector<16xf32>
        tpu.vector_store_idx %arg9[%add3A_197, %broadcast_in_dim3A_1216], %add3A_1224 : memref<800x64xf32, #tpu.memory_space<vmem>>[vector<16xi32>, vector<16xi32>], vector<16xf32>,
        %broadcast_in_dim3A_1225 = arith.constant 34 : i32
        %broadcast_in_dim3A_1226 = vector.broadcast %broadcast_in_dim3A_1225 : i32 to vector<16xi32>
        %get3A_1227 = arith.constant 544 : index
        %get3A_1228 = tpu.vector_load %arg13[%get3A_1227] {strides = array<i32>} : memref<1024xf32, #tpu.memory_space<vmem>>, vector<16xf32>,
        %gather3A_1229 = tpu.vector_load_idx %arg11[%broadcast_in_dim3A_1226] : memref<64xf32, #tpu.memory_space<vmem>>[vector<16xi32>], vector<16xf32>,
        %gather3A_1230 = tpu.vector_load_idx %arg12[%broadcast_in_dim3A_1226] : memref<64xf32, #tpu.memory_space<vmem>>[vector<16xi32>], vector<16xf32>,
        %sub3A_1231 = arith.subf %get3A_1228, %mul3A_844 : vector<16xf32>
        %mul3A_1232 = arith.mulf %sub3A_1231, %mul3A_885 : vector<16xf32>
        %mul3A_1233 = arith.mulf %mul3A_1232, %gather3A_1229 : vector<16xf32>
        %add3A_1234 = arith.addf %mul3A_1233, %gather3A_1230 : vector<16xf32>
        tpu.vector_store_idx %arg9[%add3A_197, %broadcast_in_dim3A_1226], %add3A_1234 : memref<800x64xf32, #tpu.memory_space<vmem>>[vector<16xi32>, vector<16xi32>], vector<16xf32>,
        %broadcast_in_dim3A_1235 = arith.constant 35 : i32
        %broadcast_in_dim3A_1236 = vector.broadcast %broadcast_in_dim3A_1235 : i32 to vector<16xi32>
        %get3A_1237 = arith.constant 560 : index
        %get3A_1238 = tpu.vector_load %arg13[%get3A_1237] {strides = array<i32>} : memref<1024xf32, #tpu.memory_space<vmem>>, vector<16xf32>,
        %gather3A_1239 = tpu.vector_load_idx %arg11[%broadcast_in_dim3A_1236] : memref<64xf32, #tpu.memory_space<vmem>>[vector<16xi32>], vector<16xf32>,
        %gather3A_1240 = tpu.vector_load_idx %arg12[%broadcast_in_dim3A_1236] : memref<64xf32, #tpu.memory_space<vmem>>[vector<16xi32>], vector<16xf32>,
        %sub3A_1241 = arith.subf %get3A_1238, %mul3A_844 : vector<16xf32>
        %mul3A_1242 = arith.mulf %sub3A_1241, %mul3A_885 : vector<16xf32>
        %mul3A_1243 = arith.mulf %mul3A_1242, %gather3A_1239 : vector<16xf32>
        %add3A_1244 = arith.addf %mul3A_1243, %gather3A_1240 : vector<16xf32>
        tpu.vector_store_idx %arg9[%add3A_197, %broadcast_in_dim3A_1236], %add3A_1244 : memref<800x64xf32, #tpu.memory_space<vmem>>[vector<16xi32>, vector<16xi32>], vector<16xf32>,
        %broadcast_in_dim3A_1245 = arith.constant 36 : i32
        %broadcast_in_dim3A_1246 = vector.broadcast %broadcast_in_dim3A_1245 : i32 to vector<16xi32>
        %get3A_1247 = arith.constant 576 : index
        %get3A_1248 = tpu.vector_load %arg13[%get3A_1247] {strides = array<i32>} : memref<1024xf32, #tpu.memory_space<vmem>>, vector<16xf32>,
        %gather3A_1249 = tpu.vector_load_idx %arg11[%broadcast_in_dim3A_1246] : memref<64xf32, #tpu.memory_space<vmem>>[vector<16xi32>], vector<16xf32>,
        %gather3A_1250 = tpu.vector_load_idx %arg12[%broadcast_in_dim3A_1246] : memref<64xf32, #tpu.memory_space<vmem>>[vector<16xi32>], vector<16xf32>,
        %sub3A_1251 = arith.subf %get3A_1248, %mul3A_844 : vector<16xf32>
        %mul3A_1252 = arith.mulf %sub3A_1251, %mul3A_885 : vector<16xf32>
        %mul3A_1253 = arith.mulf %mul3A_1252, %gather3A_1249 : vector<16xf32>
        %add3A_1254 = arith.addf %mul3A_1253, %gather3A_1250 : vector<16xf32>
        tpu.vector_store_idx %arg9[%add3A_197, %broadcast_in_dim3A_1246], %add3A_1254 : memref<800x64xf32, #tpu.memory_space<vmem>>[vector<16xi32>, vector<16xi32>], vector<16xf32>,
        %broadcast_in_dim3A_1255 = arith.constant 37 : i32
        %broadcast_in_dim3A_1256 = vector.broadcast %broadcast_in_dim3A_1255 : i32 to vector<16xi32>
        %get3A_1257 = arith.constant 592 : index
        %get3A_1258 = tpu.vector_load %arg13[%get3A_1257] {strides = array<i32>} : memref<1024xf32, #tpu.memory_space<vmem>>, vector<16xf32>,
        %gather3A_1259 = tpu.vector_load_idx %arg11[%broadcast_in_dim3A_1256] : memref<64xf32, #tpu.memory_space<vmem>>[vector<16xi32>], vector<16xf32>,
        %gather3A_1260 = tpu.vector_load_idx %arg12[%broadcast_in_dim3A_1256] : memref<64xf32, #tpu.memory_space<vmem>>[vector<16xi32>], vector<16xf32>,
        %sub3A_1261 = arith.subf %get3A_1258, %mul3A_844 : vector<16xf32>
        %mul3A_1262 = arith.mulf %sub3A_1261, %mul3A_885 : vector<16xf32>
        %mul3A_1263 = arith.mulf %mul3A_1262, %gather3A_1259 : vector<16xf32>
        %add3A_1264 = arith.addf %mul3A_1263, %gather3A_1260 : vector<16xf32>
        tpu.vector_store_idx %arg9[%add3A_197, %broadcast_in_dim3A_1256], %add3A_1264 : memref<800x64xf32, #tpu.memory_space<vmem>>[vector<16xi32>, vector<16xi32>], vector<16xf32>,
        %broadcast_in_dim3A_1265 = arith.constant 38 : i32
        %broadcast_in_dim3A_1266 = vector.broadcast %broadcast_in_dim3A_1265 : i32 to vector<16xi32>
        %get3A_1267 = arith.constant 608 : index
        %get3A_1268 = tpu.vector_load %arg13[%get3A_1267] {strides = array<i32>} : memref<1024xf32, #tpu.memory_space<vmem>>, vector<16xf32>,
        %gather3A_1269 = tpu.vector_load_idx %arg11[%broadcast_in_dim3A_1266] : memref<64xf32, #tpu.memory_space<vmem>>[vector<16xi32>], vector<16xf32>,
        %gather3A_1270 = tpu.vector_load_idx %arg12[%broadcast_in_dim3A_1266] : memref<64xf32, #tpu.memory_space<vmem>>[vector<16xi32>], vector<16xf32>,
        %sub3A_1271 = arith.subf %get3A_1268, %mul3A_844 : vector<16xf32>
        %mul3A_1272 = arith.mulf %sub3A_1271, %mul3A_885 : vector<16xf32>
        %mul3A_1273 = arith.mulf %mul3A_1272, %gather3A_1269 : vector<16xf32>
        %add3A_1274 = arith.addf %mul3A_1273, %gather3A_1270 : vector<16xf32>
        tpu.vector_store_idx %arg9[%add3A_197, %broadcast_in_dim3A_1266], %add3A_1274 : memref<800x64xf32, #tpu.memory_space<vmem>>[vector<16xi32>, vector<16xi32>], vector<16xf32>,
        %broadcast_in_dim3A_1275 = arith.constant 39 : i32
        %broadcast_in_dim3A_1276 = vector.broadcast %broadcast_in_dim3A_1275 : i32 to vector<16xi32>
        %get3A_1277 = arith.constant 624 : index
        %get3A_1278 = tpu.vector_load %arg13[%get3A_1277] {strides = array<i32>} : memref<1024xf32, #tpu.memory_space<vmem>>, vector<16xf32>,
        %gather3A_1279 = tpu.vector_load_idx %arg11[%broadcast_in_dim3A_1276] : memref<64xf32, #tpu.memory_space<vmem>>[vector<16xi32>], vector<16xf32>,
        %gather3A_1280 = tpu.vector_load_idx %arg12[%broadcast_in_dim3A_1276] : memref<64xf32, #tpu.memory_space<vmem>>[vector<16xi32>], vector<16xf32>,
        %sub3A_1281 = arith.subf %get3A_1278, %mul3A_844 : vector<16xf32>
        %mul3A_1282 = arith.mulf %sub3A_1281, %mul3A_885 : vector<16xf32>
        %mul3A_1283 = arith.mulf %mul3A_1282, %gather3A_1279 : vector<16xf32>
        %add3A_1284 = arith.addf %mul3A_1283, %gather3A_1280 : vector<16xf32>
        tpu.vector_store_idx %arg9[%add3A_197, %broadcast_in_dim3A_1276], %add3A_1284 : memref<800x64xf32, #tpu.memory_space<vmem>>[vector<16xi32>, vector<16xi32>], vector<16xf32>,
        %broadcast_in_dim3A_1285 = arith.constant 40 : i32
        %broadcast_in_dim3A_1286 = vector.broadcast %broadcast_in_dim3A_1285 : i32 to vector<16xi32>
        %get3A_1287 = arith.constant 640 : index
        %get3A_1288 = tpu.vector_load %arg13[%get3A_1287] {strides = array<i32>} : memref<1024xf32, #tpu.memory_space<vmem>>, vector<16xf32>,
        %gather3A_1289 = tpu.vector_load_idx %arg11[%broadcast_in_dim3A_1286] : memref<64xf32, #tpu.memory_space<vmem>>[vector<16xi32>], vector<16xf32>,
        %gather3A_1290 = tpu.vector_load_idx %arg12[%broadcast_in_dim3A_1286] : memref<64xf32, #tpu.memory_space<vmem>>[vector<16xi32>], vector<16xf32>,
        %sub3A_1291 = arith.subf %get3A_1288, %mul3A_844 : vector<16xf32>
        %mul3A_1292 = arith.mulf %sub3A_1291, %mul3A_885 : vector<16xf32>
        %mul3A_1293 = arith.mulf %mul3A_1292, %gather3A_1289 : vector<16xf32>
        %add3A_1294 = arith.addf %mul3A_1293, %gather3A_1290 : vector<16xf32>
        tpu.vector_store_idx %arg9[%add3A_197, %broadcast_in_dim3A_1286], %add3A_1294 : memref<800x64xf32, #tpu.memory_space<vmem>>[vector<16xi32>, vector<16xi32>], vector<16xf32>,
        %broadcast_in_dim3A_1295 = arith.constant 41 : i32
        %broadcast_in_dim3A_1296 = vector.broadcast %broadcast_in_dim3A_1295 : i32 to vector<16xi32>
        %get3A_1297 = arith.constant 656 : index
        %get3A_1298 = tpu.vector_load %arg13[%get3A_1297] {strides = array<i32>} : memref<1024xf32, #tpu.memory_space<vmem>>, vector<16xf32>,
        %gather3A_1299 = tpu.vector_load_idx %arg11[%broadcast_in_dim3A_1296] : memref<64xf32, #tpu.memory_space<vmem>>[vector<16xi32>], vector<16xf32>,
        %gather3A_1300 = tpu.vector_load_idx %arg12[%broadcast_in_dim3A_1296] : memref<64xf32, #tpu.memory_space<vmem>>[vector<16xi32>], vector<16xf32>,
        %sub3A_1301 = arith.subf %get3A_1298, %mul3A_844 : vector<16xf32>
        %mul3A_1302 = arith.mulf %sub3A_1301, %mul3A_885 : vector<16xf32>
        %mul3A_1303 = arith.mulf %mul3A_1302, %gather3A_1299 : vector<16xf32>
        %add3A_1304 = arith.addf %mul3A_1303, %gather3A_1300 : vector<16xf32>
        tpu.vector_store_idx %arg9[%add3A_197, %broadcast_in_dim3A_1296], %add3A_1304 : memref<800x64xf32, #tpu.memory_space<vmem>>[vector<16xi32>, vector<16xi32>], vector<16xf32>,
        %broadcast_in_dim3A_1305 = arith.constant 42 : i32
        %broadcast_in_dim3A_1306 = vector.broadcast %broadcast_in_dim3A_1305 : i32 to vector<16xi32>
        %get3A_1307 = arith.constant 672 : index
        %get3A_1308 = tpu.vector_load %arg13[%get3A_1307] {strides = array<i32>} : memref<1024xf32, #tpu.memory_space<vmem>>, vector<16xf32>,
        %gather3A_1309 = tpu.vector_load_idx %arg11[%broadcast_in_dim3A_1306] : memref<64xf32, #tpu.memory_space<vmem>>[vector<16xi32>], vector<16xf32>,
        %gather3A_1310 = tpu.vector_load_idx %arg12[%broadcast_in_dim3A_1306] : memref<64xf32, #tpu.memory_space<vmem>>[vector<16xi32>], vector<16xf32>,
        %sub3A_1311 = arith.subf %get3A_1308, %mul3A_844 : vector<16xf32>
        %mul3A_1312 = arith.mulf %sub3A_1311, %mul3A_885 : vector<16xf32>
        %mul3A_1313 = arith.mulf %mul3A_1312, %gather3A_1309 : vector<16xf32>
        %add3A_1314 = arith.addf %mul3A_1313, %gather3A_1310 : vector<16xf32>
        tpu.vector_store_idx %arg9[%add3A_197, %broadcast_in_dim3A_1306], %add3A_1314 : memref<800x64xf32, #tpu.memory_space<vmem>>[vector<16xi32>, vector<16xi32>], vector<16xf32>,
        %broadcast_in_dim3A_1315 = arith.constant 43 : i32
        %broadcast_in_dim3A_1316 = vector.broadcast %broadcast_in_dim3A_1315 : i32 to vector<16xi32>
        %get3A_1317 = arith.constant 688 : index
        %get3A_1318 = tpu.vector_load %arg13[%get3A_1317] {strides = array<i32>} : memref<1024xf32, #tpu.memory_space<vmem>>, vector<16xf32>,
        %gather3A_1319 = tpu.vector_load_idx %arg11[%broadcast_in_dim3A_1316] : memref<64xf32, #tpu.memory_space<vmem>>[vector<16xi32>], vector<16xf32>,
        %gather3A_1320 = tpu.vector_load_idx %arg12[%broadcast_in_dim3A_1316] : memref<64xf32, #tpu.memory_space<vmem>>[vector<16xi32>], vector<16xf32>,
        %sub3A_1321 = arith.subf %get3A_1318, %mul3A_844 : vector<16xf32>
        %mul3A_1322 = arith.mulf %sub3A_1321, %mul3A_885 : vector<16xf32>
        %mul3A_1323 = arith.mulf %mul3A_1322, %gather3A_1319 : vector<16xf32>
        %add3A_1324 = arith.addf %mul3A_1323, %gather3A_1320 : vector<16xf32>
        tpu.vector_store_idx %arg9[%add3A_197, %broadcast_in_dim3A_1316], %add3A_1324 : memref<800x64xf32, #tpu.memory_space<vmem>>[vector<16xi32>, vector<16xi32>], vector<16xf32>,
        %broadcast_in_dim3A_1325 = arith.constant 44 : i32
        %broadcast_in_dim3A_1326 = vector.broadcast %broadcast_in_dim3A_1325 : i32 to vector<16xi32>
        %get3A_1327 = arith.constant 704 : index
        %get3A_1328 = tpu.vector_load %arg13[%get3A_1327] {strides = array<i32>} : memref<1024xf32, #tpu.memory_space<vmem>>, vector<16xf32>,
        %gather3A_1329 = tpu.vector_load_idx %arg11[%broadcast_in_dim3A_1326] : memref<64xf32, #tpu.memory_space<vmem>>[vector<16xi32>], vector<16xf32>,
        %gather3A_1330 = tpu.vector_load_idx %arg12[%broadcast_in_dim3A_1326] : memref<64xf32, #tpu.memory_space<vmem>>[vector<16xi32>], vector<16xf32>,
        %sub3A_1331 = arith.subf %get3A_1328, %mul3A_844 : vector<16xf32>
        %mul3A_1332 = arith.mulf %sub3A_1331, %mul3A_885 : vector<16xf32>
        %mul3A_1333 = arith.mulf %mul3A_1332, %gather3A_1329 : vector<16xf32>
        %add3A_1334 = arith.addf %mul3A_1333, %gather3A_1330 : vector<16xf32>
        tpu.vector_store_idx %arg9[%add3A_197, %broadcast_in_dim3A_1326], %add3A_1334 : memref<800x64xf32, #tpu.memory_space<vmem>>[vector<16xi32>, vector<16xi32>], vector<16xf32>,
        %broadcast_in_dim3A_1335 = arith.constant 45 : i32
        %broadcast_in_dim3A_1336 = vector.broadcast %broadcast_in_dim3A_1335 : i32 to vector<16xi32>
        %get3A_1337 = arith.constant 720 : index
        %get3A_1338 = tpu.vector_load %arg13[%get3A_1337] {strides = array<i32>} : memref<1024xf32, #tpu.memory_space<vmem>>, vector<16xf32>,
        %gather3A_1339 = tpu.vector_load_idx %arg11[%broadcast_in_dim3A_1336] : memref<64xf32, #tpu.memory_space<vmem>>[vector<16xi32>], vector<16xf32>,
        %gather3A_1340 = tpu.vector_load_idx %arg12[%broadcast_in_dim3A_1336] : memref<64xf32, #tpu.memory_space<vmem>>[vector<16xi32>], vector<16xf32>,
        %sub3A_1341 = arith.subf %get3A_1338, %mul3A_844 : vector<16xf32>
        %mul3A_1342 = arith.mulf %sub3A_1341, %mul3A_885 : vector<16xf32>
        %mul3A_1343 = arith.mulf %mul3A_1342, %gather3A_1339 : vector<16xf32>
        %add3A_1344 = arith.addf %mul3A_1343, %gather3A_1340 : vector<16xf32>
        tpu.vector_store_idx %arg9[%add3A_197, %broadcast_in_dim3A_1336], %add3A_1344 : memref<800x64xf32, #tpu.memory_space<vmem>>[vector<16xi32>, vector<16xi32>], vector<16xf32>,
        %broadcast_in_dim3A_1345 = arith.constant 46 : i32
        %broadcast_in_dim3A_1346 = vector.broadcast %broadcast_in_dim3A_1345 : i32 to vector<16xi32>
        %get3A_1347 = arith.constant 736 : index
        %get3A_1348 = tpu.vector_load %arg13[%get3A_1347] {strides = array<i32>} : memref<1024xf32, #tpu.memory_space<vmem>>, vector<16xf32>,
        %gather3A_1349 = tpu.vector_load_idx %arg11[%broadcast_in_dim3A_1346] : memref<64xf32, #tpu.memory_space<vmem>>[vector<16xi32>], vector<16xf32>,
        %gather3A_1350 = tpu.vector_load_idx %arg12[%broadcast_in_dim3A_1346] : memref<64xf32, #tpu.memory_space<vmem>>[vector<16xi32>], vector<16xf32>,
        %sub3A_1351 = arith.subf %get3A_1348, %mul3A_844 : vector<16xf32>
        %mul3A_1352 = arith.mulf %sub3A_1351, %mul3A_885 : vector<16xf32>
        %mul3A_1353 = arith.mulf %mul3A_1352, %gather3A_1349 : vector<16xf32>
        %add3A_1354 = arith.addf %mul3A_1353, %gather3A_1350 : vector<16xf32>
        tpu.vector_store_idx %arg9[%add3A_197, %broadcast_in_dim3A_1346], %add3A_1354 : memref<800x64xf32, #tpu.memory_space<vmem>>[vector<16xi32>, vector<16xi32>], vector<16xf32>,
        %broadcast_in_dim3A_1355 = arith.constant 47 : i32
        %broadcast_in_dim3A_1356 = vector.broadcast %broadcast_in_dim3A_1355 : i32 to vector<16xi32>
        %get3A_1357 = arith.constant 752 : index
        %get3A_1358 = tpu.vector_load %arg13[%get3A_1357] {strides = array<i32>} : memref<1024xf32, #tpu.memory_space<vmem>>, vector<16xf32>,
        %gather3A_1359 = tpu.vector_load_idx %arg11[%broadcast_in_dim3A_1356] : memref<64xf32, #tpu.memory_space<vmem>>[vector<16xi32>], vector<16xf32>,
        %gather3A_1360 = tpu.vector_load_idx %arg12[%broadcast_in_dim3A_1356] : memref<64xf32, #tpu.memory_space<vmem>>[vector<16xi32>], vector<16xf32>,
        %sub3A_1361 = arith.subf %get3A_1358, %mul3A_844 : vector<16xf32>
        %mul3A_1362 = arith.mulf %sub3A_1361, %mul3A_885 : vector<16xf32>
        %mul3A_1363 = arith.mulf %mul3A_1362, %gather3A_1359 : vector<16xf32>
        %add3A_1364 = arith.addf %mul3A_1363, %gather3A_1360 : vector<16xf32>
        tpu.vector_store_idx %arg9[%add3A_197, %broadcast_in_dim3A_1356], %add3A_1364 : memref<800x64xf32, #tpu.memory_space<vmem>>[vector<16xi32>, vector<16xi32>], vector<16xf32>,
        %broadcast_in_dim3A_1365 = arith.constant 48 : i32
        %broadcast_in_dim3A_1366 = vector.broadcast %broadcast_in_dim3A_1365 : i32 to vector<16xi32>
        %get3A_1367 = arith.constant 768 : index
        %get3A_1368 = tpu.vector_load %arg13[%get3A_1367] {strides = array<i32>} : memref<1024xf32, #tpu.memory_space<vmem>>, vector<16xf32>,
        %gather3A_1369 = tpu.vector_load_idx %arg11[%broadcast_in_dim3A_1366] : memref<64xf32, #tpu.memory_space<vmem>>[vector<16xi32>], vector<16xf32>,
        %gather3A_1370 = tpu.vector_load_idx %arg12[%broadcast_in_dim3A_1366] : memref<64xf32, #tpu.memory_space<vmem>>[vector<16xi32>], vector<16xf32>,
        %sub3A_1371 = arith.subf %get3A_1368, %mul3A_844 : vector<16xf32>
        %mul3A_1372 = arith.mulf %sub3A_1371, %mul3A_885 : vector<16xf32>
        %mul3A_1373 = arith.mulf %mul3A_1372, %gather3A_1369 : vector<16xf32>
        %add3A_1374 = arith.addf %mul3A_1373, %gather3A_1370 : vector<16xf32>
        tpu.vector_store_idx %arg9[%add3A_197, %broadcast_in_dim3A_1366], %add3A_1374 : memref<800x64xf32, #tpu.memory_space<vmem>>[vector<16xi32>, vector<16xi32>], vector<16xf32>,
        %broadcast_in_dim3A_1375 = arith.constant 49 : i32
        %broadcast_in_dim3A_1376 = vector.broadcast %broadcast_in_dim3A_1375 : i32 to vector<16xi32>
        %get3A_1377 = arith.constant 784 : index
        %get3A_1378 = tpu.vector_load %arg13[%get3A_1377] {strides = array<i32>} : memref<1024xf32, #tpu.memory_space<vmem>>, vector<16xf32>,
        %gather3A_1379 = tpu.vector_load_idx %arg11[%broadcast_in_dim3A_1376] : memref<64xf32, #tpu.memory_space<vmem>>[vector<16xi32>], vector<16xf32>,
        %gather3A_1380 = tpu.vector_load_idx %arg12[%broadcast_in_dim3A_1376] : memref<64xf32, #tpu.memory_space<vmem>>[vector<16xi32>], vector<16xf32>,
        %sub3A_1381 = arith.subf %get3A_1378, %mul3A_844 : vector<16xf32>
        %mul3A_1382 = arith.mulf %sub3A_1381, %mul3A_885 : vector<16xf32>
        %mul3A_1383 = arith.mulf %mul3A_1382, %gather3A_1379 : vector<16xf32>
        %add3A_1384 = arith.addf %mul3A_1383, %gather3A_1380 : vector<16xf32>
        tpu.vector_store_idx %arg9[%add3A_197, %broadcast_in_dim3A_1376], %add3A_1384 : memref<800x64xf32, #tpu.memory_space<vmem>>[vector<16xi32>, vector<16xi32>], vector<16xf32>,
        %broadcast_in_dim3A_1385 = arith.constant 50 : i32
        %broadcast_in_dim3A_1386 = vector.broadcast %broadcast_in_dim3A_1385 : i32 to vector<16xi32>
        %get3A_1387 = arith.constant 800 : index
        %get3A_1388 = tpu.vector_load %arg13[%get3A_1387] {strides = array<i32>} : memref<1024xf32, #tpu.memory_space<vmem>>, vector<16xf32>,
        %gather3A_1389 = tpu.vector_load_idx %arg11[%broadcast_in_dim3A_1386] : memref<64xf32, #tpu.memory_space<vmem>>[vector<16xi32>], vector<16xf32>,
        %gather3A_1390 = tpu.vector_load_idx %arg12[%broadcast_in_dim3A_1386] : memref<64xf32, #tpu.memory_space<vmem>>[vector<16xi32>], vector<16xf32>,
        %sub3A_1391 = arith.subf %get3A_1388, %mul3A_844 : vector<16xf32>
        %mul3A_1392 = arith.mulf %sub3A_1391, %mul3A_885 : vector<16xf32>
        %mul3A_1393 = arith.mulf %mul3A_1392, %gather3A_1389 : vector<16xf32>
        %add3A_1394 = arith.addf %mul3A_1393, %gather3A_1390 : vector<16xf32>
        tpu.vector_store_idx %arg9[%add3A_197, %broadcast_in_dim3A_1386], %add3A_1394 : memref<800x64xf32, #tpu.memory_space<vmem>>[vector<16xi32>, vector<16xi32>], vector<16xf32>,
        %broadcast_in_dim3A_1395 = arith.constant 51 : i32
        %broadcast_in_dim3A_1396 = vector.broadcast %broadcast_in_dim3A_1395 : i32 to vector<16xi32>
        %get3A_1397 = arith.constant 816 : index
        %get3A_1398 = tpu.vector_load %arg13[%get3A_1397] {strides = array<i32>} : memref<1024xf32, #tpu.memory_space<vmem>>, vector<16xf32>,
        %gather3A_1399 = tpu.vector_load_idx %arg11[%broadcast_in_dim3A_1396] : memref<64xf32, #tpu.memory_space<vmem>>[vector<16xi32>], vector<16xf32>,
        %gather3A_1400 = tpu.vector_load_idx %arg12[%broadcast_in_dim3A_1396] : memref<64xf32, #tpu.memory_space<vmem>>[vector<16xi32>], vector<16xf32>,
        %sub3A_1401 = arith.subf %get3A_1398, %mul3A_844 : vector<16xf32>
        %mul3A_1402 = arith.mulf %sub3A_1401, %mul3A_885 : vector<16xf32>
        %mul3A_1403 = arith.mulf %mul3A_1402, %gather3A_1399 : vector<16xf32>
        %add3A_1404 = arith.addf %mul3A_1403, %gather3A_1400 : vector<16xf32>
        tpu.vector_store_idx %arg9[%add3A_197, %broadcast_in_dim3A_1396], %add3A_1404 : memref<800x64xf32, #tpu.memory_space<vmem>>[vector<16xi32>, vector<16xi32>], vector<16xf32>,
        %broadcast_in_dim3A_1405 = arith.constant 52 : i32
        %broadcast_in_dim3A_1406 = vector.broadcast %broadcast_in_dim3A_1405 : i32 to vector<16xi32>
        %get3A_1407 = arith.constant 832 : index
        %get3A_1408 = tpu.vector_load %arg13[%get3A_1407] {strides = array<i32>} : memref<1024xf32, #tpu.memory_space<vmem>>, vector<16xf32>,
        %gather3A_1409 = tpu.vector_load_idx %arg11[%broadcast_in_dim3A_1406] : memref<64xf32, #tpu.memory_space<vmem>>[vector<16xi32>], vector<16xf32>,
        %gather3A_1410 = tpu.vector_load_idx %arg12[%broadcast_in_dim3A_1406] : memref<64xf32, #tpu.memory_space<vmem>>[vector<16xi32>], vector<16xf32>,
        %sub3A_1411 = arith.subf %get3A_1408, %mul3A_844 : vector<16xf32>
        %mul3A_1412 = arith.mulf %sub3A_1411, %mul3A_885 : vector<16xf32>
        %mul3A_1413 = arith.mulf %mul3A_1412, %gather3A_1409 : vector<16xf32>
        %add3A_1414 = arith.addf %mul3A_1413, %gather3A_1410 : vector<16xf32>
        tpu.vector_store_idx %arg9[%add3A_197, %broadcast_in_dim3A_1406], %add3A_1414 : memref<800x64xf32, #tpu.memory_space<vmem>>[vector<16xi32>, vector<16xi32>], vector<16xf32>,
        %broadcast_in_dim3A_1415 = arith.constant 53 : i32
        %broadcast_in_dim3A_1416 = vector.broadcast %broadcast_in_dim3A_1415 : i32 to vector<16xi32>
        %get3A_1417 = arith.constant 848 : index
        %get3A_1418 = tpu.vector_load %arg13[%get3A_1417] {strides = array<i32>} : memref<1024xf32, #tpu.memory_space<vmem>>, vector<16xf32>,
        %gather3A_1419 = tpu.vector_load_idx %arg11[%broadcast_in_dim3A_1416] : memref<64xf32, #tpu.memory_space<vmem>>[vector<16xi32>], vector<16xf32>,
        %gather3A_1420 = tpu.vector_load_idx %arg12[%broadcast_in_dim3A_1416] : memref<64xf32, #tpu.memory_space<vmem>>[vector<16xi32>], vector<16xf32>,
        %sub3A_1421 = arith.subf %get3A_1418, %mul3A_844 : vector<16xf32>
        %mul3A_1422 = arith.mulf %sub3A_1421, %mul3A_885 : vector<16xf32>
        %mul3A_1423 = arith.mulf %mul3A_1422, %gather3A_1419 : vector<16xf32>
        %add3A_1424 = arith.addf %mul3A_1423, %gather3A_1420 : vector<16xf32>
        tpu.vector_store_idx %arg9[%add3A_197, %broadcast_in_dim3A_1416], %add3A_1424 : memref<800x64xf32, #tpu.memory_space<vmem>>[vector<16xi32>, vector<16xi32>], vector<16xf32>,
        %broadcast_in_dim3A_1425 = arith.constant 54 : i32
        %broadcast_in_dim3A_1426 = vector.broadcast %broadcast_in_dim3A_1425 : i32 to vector<16xi32>
        %get3A_1427 = arith.constant 864 : index
        %get3A_1428 = tpu.vector_load %arg13[%get3A_1427] {strides = array<i32>} : memref<1024xf32, #tpu.memory_space<vmem>>, vector<16xf32>,
        %gather3A_1429 = tpu.vector_load_idx %arg11[%broadcast_in_dim3A_1426] : memref<64xf32, #tpu.memory_space<vmem>>[vector<16xi32>], vector<16xf32>,
        %gather3A_1430 = tpu.vector_load_idx %arg12[%broadcast_in_dim3A_1426] : memref<64xf32, #tpu.memory_space<vmem>>[vector<16xi32>], vector<16xf32>,
        %sub3A_1431 = arith.subf %get3A_1428, %mul3A_844 : vector<16xf32>
        %mul3A_1432 = arith.mulf %sub3A_1431, %mul3A_885 : vector<16xf32>
        %mul3A_1433 = arith.mulf %mul3A_1432, %gather3A_1429 : vector<16xf32>
        %add3A_1434 = arith.addf %mul3A_1433, %gather3A_1430 : vector<16xf32>
        tpu.vector_store_idx %arg9[%add3A_197, %broadcast_in_dim3A_1426], %add3A_1434 : memref<800x64xf32, #tpu.memory_space<vmem>>[vector<16xi32>, vector<16xi32>], vector<16xf32>,
        %broadcast_in_dim3A_1435 = arith.constant 55 : i32
        %broadcast_in_dim3A_1436 = vector.broadcast %broadcast_in_dim3A_1435 : i32 to vector<16xi32>
        %get3A_1437 = arith.constant 880 : index
        %get3A_1438 = tpu.vector_load %arg13[%get3A_1437] {strides = array<i32>} : memref<1024xf32, #tpu.memory_space<vmem>>, vector<16xf32>,
        %gather3A_1439 = tpu.vector_load_idx %arg11[%broadcast_in_dim3A_1436] : memref<64xf32, #tpu.memory_space<vmem>>[vector<16xi32>], vector<16xf32>,
        %gather3A_1440 = tpu.vector_load_idx %arg12[%broadcast_in_dim3A_1436] : memref<64xf32, #tpu.memory_space<vmem>>[vector<16xi32>], vector<16xf32>,
        %sub3A_1441 = arith.subf %get3A_1438, %mul3A_844 : vector<16xf32>
        %mul3A_1442 = arith.mulf %sub3A_1441, %mul3A_885 : vector<16xf32>
        %mul3A_1443 = arith.mulf %mul3A_1442, %gather3A_1439 : vector<16xf32>
        %add3A_1444 = arith.addf %mul3A_1443, %gather3A_1440 : vector<16xf32>
        tpu.vector_store_idx %arg9[%add3A_197, %broadcast_in_dim3A_1436], %add3A_1444 : memref<800x64xf32, #tpu.memory_space<vmem>>[vector<16xi32>, vector<16xi32>], vector<16xf32>,
        %broadcast_in_dim3A_1445 = arith.constant 56 : i32
        %broadcast_in_dim3A_1446 = vector.broadcast %broadcast_in_dim3A_1445 : i32 to vector<16xi32>
        %get3A_1447 = arith.constant 896 : index
        %get3A_1448 = tpu.vector_load %arg13[%get3A_1447] {strides = array<i32>} : memref<1024xf32, #tpu.memory_space<vmem>>, vector<16xf32>,
        %gather3A_1449 = tpu.vector_load_idx %arg11[%broadcast_in_dim3A_1446] : memref<64xf32, #tpu.memory_space<vmem>>[vector<16xi32>], vector<16xf32>,
        %gather3A_1450 = tpu.vector_load_idx %arg12[%broadcast_in_dim3A_1446] : memref<64xf32, #tpu.memory_space<vmem>>[vector<16xi32>], vector<16xf32>,
        %sub3A_1451 = arith.subf %get3A_1448, %mul3A_844 : vector<16xf32>
        %mul3A_1452 = arith.mulf %sub3A_1451, %mul3A_885 : vector<16xf32>
        %mul3A_1453 = arith.mulf %mul3A_1452, %gather3A_1449 : vector<16xf32>
        %add3A_1454 = arith.addf %mul3A_1453, %gather3A_1450 : vector<16xf32>
        tpu.vector_store_idx %arg9[%add3A_197, %broadcast_in_dim3A_1446], %add3A_1454 : memref<800x64xf32, #tpu.memory_space<vmem>>[vector<16xi32>, vector<16xi32>], vector<16xf32>,
        %broadcast_in_dim3A_1455 = arith.constant 57 : i32
        %broadcast_in_dim3A_1456 = vector.broadcast %broadcast_in_dim3A_1455 : i32 to vector<16xi32>
        %get3A_1457 = arith.constant 912 : index
        %get3A_1458 = tpu.vector_load %arg13[%get3A_1457] {strides = array<i32>} : memref<1024xf32, #tpu.memory_space<vmem>>, vector<16xf32>,
        %gather3A_1459 = tpu.vector_load_idx %arg11[%broadcast_in_dim3A_1456] : memref<64xf32, #tpu.memory_space<vmem>>[vector<16xi32>], vector<16xf32>,
        %gather3A_1460 = tpu.vector_load_idx %arg12[%broadcast_in_dim3A_1456] : memref<64xf32, #tpu.memory_space<vmem>>[vector<16xi32>], vector<16xf32>,
        %sub3A_1461 = arith.subf %get3A_1458, %mul3A_844 : vector<16xf32>
        %mul3A_1462 = arith.mulf %sub3A_1461, %mul3A_885 : vector<16xf32>
        %mul3A_1463 = arith.mulf %mul3A_1462, %gather3A_1459 : vector<16xf32>
        %add3A_1464 = arith.addf %mul3A_1463, %gather3A_1460 : vector<16xf32>
        tpu.vector_store_idx %arg9[%add3A_197, %broadcast_in_dim3A_1456], %add3A_1464 : memref<800x64xf32, #tpu.memory_space<vmem>>[vector<16xi32>, vector<16xi32>], vector<16xf32>,
        %broadcast_in_dim3A_1465 = arith.constant 58 : i32
        %broadcast_in_dim3A_1466 = vector.broadcast %broadcast_in_dim3A_1465 : i32 to vector<16xi32>
        %get3A_1467 = arith.constant 928 : index
        %get3A_1468 = tpu.vector_load %arg13[%get3A_1467] {strides = array<i32>} : memref<1024xf32, #tpu.memory_space<vmem>>, vector<16xf32>,
        %gather3A_1469 = tpu.vector_load_idx %arg11[%broadcast_in_dim3A_1466] : memref<64xf32, #tpu.memory_space<vmem>>[vector<16xi32>], vector<16xf32>,
        %gather3A_1470 = tpu.vector_load_idx %arg12[%broadcast_in_dim3A_1466] : memref<64xf32, #tpu.memory_space<vmem>>[vector<16xi32>], vector<16xf32>,
        %sub3A_1471 = arith.subf %get3A_1468, %mul3A_844 : vector<16xf32>
        %mul3A_1472 = arith.mulf %sub3A_1471, %mul3A_885 : vector<16xf32>
        %mul3A_1473 = arith.mulf %mul3A_1472, %gather3A_1469 : vector<16xf32>
        %add3A_1474 = arith.addf %mul3A_1473, %gather3A_1470 : vector<16xf32>
        tpu.vector_store_idx %arg9[%add3A_197, %broadcast_in_dim3A_1466], %add3A_1474 : memref<800x64xf32, #tpu.memory_space<vmem>>[vector<16xi32>, vector<16xi32>], vector<16xf32>,
        %broadcast_in_dim3A_1475 = arith.constant 59 : i32
        %broadcast_in_dim3A_1476 = vector.broadcast %broadcast_in_dim3A_1475 : i32 to vector<16xi32>
        %get3A_1477 = arith.constant 944 : index
        %get3A_1478 = tpu.vector_load %arg13[%get3A_1477] {strides = array<i32>} : memref<1024xf32, #tpu.memory_space<vmem>>, vector<16xf32>,
        %gather3A_1479 = tpu.vector_load_idx %arg11[%broadcast_in_dim3A_1476] : memref<64xf32, #tpu.memory_space<vmem>>[vector<16xi32>], vector<16xf32>,
        %gather3A_1480 = tpu.vector_load_idx %arg12[%broadcast_in_dim3A_1476] : memref<64xf32, #tpu.memory_space<vmem>>[vector<16xi32>], vector<16xf32>,
        %sub3A_1481 = arith.subf %get3A_1478, %mul3A_844 : vector<16xf32>
        %mul3A_1482 = arith.mulf %sub3A_1481, %mul3A_885 : vector<16xf32>
        %mul3A_1483 = arith.mulf %mul3A_1482, %gather3A_1479 : vector<16xf32>
        %add3A_1484 = arith.addf %mul3A_1483, %gather3A_1480 : vector<16xf32>
        tpu.vector_store_idx %arg9[%add3A_197, %broadcast_in_dim3A_1476], %add3A_1484 : memref<800x64xf32, #tpu.memory_space<vmem>>[vector<16xi32>, vector<16xi32>], vector<16xf32>,
        %broadcast_in_dim3A_1485 = arith.constant 60 : i32
        %broadcast_in_dim3A_1486 = vector.broadcast %broadcast_in_dim3A_1485 : i32 to vector<16xi32>
        %get3A_1487 = arith.constant 960 : index
        %get3A_1488 = tpu.vector_load %arg13[%get3A_1487] {strides = array<i32>} : memref<1024xf32, #tpu.memory_space<vmem>>, vector<16xf32>,
        %gather3A_1489 = tpu.vector_load_idx %arg11[%broadcast_in_dim3A_1486] : memref<64xf32, #tpu.memory_space<vmem>>[vector<16xi32>], vector<16xf32>,
        %gather3A_1490 = tpu.vector_load_idx %arg12[%broadcast_in_dim3A_1486] : memref<64xf32, #tpu.memory_space<vmem>>[vector<16xi32>], vector<16xf32>,
        %sub3A_1491 = arith.subf %get3A_1488, %mul3A_844 : vector<16xf32>
        %mul3A_1492 = arith.mulf %sub3A_1491, %mul3A_885 : vector<16xf32>
        %mul3A_1493 = arith.mulf %mul3A_1492, %gather3A_1489 : vector<16xf32>
        %add3A_1494 = arith.addf %mul3A_1493, %gather3A_1490 : vector<16xf32>
        tpu.vector_store_idx %arg9[%add3A_197, %broadcast_in_dim3A_1486], %add3A_1494 : memref<800x64xf32, #tpu.memory_space<vmem>>[vector<16xi32>, vector<16xi32>], vector<16xf32>,
        %broadcast_in_dim3A_1495 = arith.constant 61 : i32
        %broadcast_in_dim3A_1496 = vector.broadcast %broadcast_in_dim3A_1495 : i32 to vector<16xi32>
        %get3A_1497 = arith.constant 976 : index
        %get3A_1498 = tpu.vector_load %arg13[%get3A_1497] {strides = array<i32>} : memref<1024xf32, #tpu.memory_space<vmem>>, vector<16xf32>,
        %gather3A_1499 = tpu.vector_load_idx %arg11[%broadcast_in_dim3A_1496] : memref<64xf32, #tpu.memory_space<vmem>>[vector<16xi32>], vector<16xf32>,
        %gather3A_1500 = tpu.vector_load_idx %arg12[%broadcast_in_dim3A_1496] : memref<64xf32, #tpu.memory_space<vmem>>[vector<16xi32>], vector<16xf32>,
        %sub3A_1501 = arith.subf %get3A_1498, %mul3A_844 : vector<16xf32>
        %mul3A_1502 = arith.mulf %sub3A_1501, %mul3A_885 : vector<16xf32>
        %mul3A_1503 = arith.mulf %mul3A_1502, %gather3A_1499 : vector<16xf32>
        %add3A_1504 = arith.addf %mul3A_1503, %gather3A_1500 : vector<16xf32>
        tpu.vector_store_idx %arg9[%add3A_197, %broadcast_in_dim3A_1496], %add3A_1504 : memref<800x64xf32, #tpu.memory_space<vmem>>[vector<16xi32>, vector<16xi32>], vector<16xf32>,
        %broadcast_in_dim3A_1505 = arith.constant 62 : i32
        %broadcast_in_dim3A_1506 = vector.broadcast %broadcast_in_dim3A_1505 : i32 to vector<16xi32>
        %get3A_1507 = arith.constant 992 : index
        %get3A_1508 = tpu.vector_load %arg13[%get3A_1507] {strides = array<i32>} : memref<1024xf32, #tpu.memory_space<vmem>>, vector<16xf32>,
        %gather3A_1509 = tpu.vector_load_idx %arg11[%broadcast_in_dim3A_1506] : memref<64xf32, #tpu.memory_space<vmem>>[vector<16xi32>], vector<16xf32>,
        %gather3A_1510 = tpu.vector_load_idx %arg12[%broadcast_in_dim3A_1506] : memref<64xf32, #tpu.memory_space<vmem>>[vector<16xi32>], vector<16xf32>,
        %sub3A_1511 = arith.subf %get3A_1508, %mul3A_844 : vector<16xf32>
        %mul3A_1512 = arith.mulf %sub3A_1511, %mul3A_885 : vector<16xf32>
        %mul3A_1513 = arith.mulf %mul3A_1512, %gather3A_1509 : vector<16xf32>
        %add3A_1514 = arith.addf %mul3A_1513, %gather3A_1510 : vector<16xf32>
        tpu.vector_store_idx %arg9[%add3A_197, %broadcast_in_dim3A_1506], %add3A_1514 : memref<800x64xf32, #tpu.memory_space<vmem>>[vector<16xi32>, vector<16xi32>], vector<16xf32>,
        %broadcast_in_dim3A_1515 = arith.constant 63 : i32
        %broadcast_in_dim3A_1516 = vector.broadcast %broadcast_in_dim3A_1515 : i32 to vector<16xi32>
        %get3A_1517 = arith.constant 1008 : index
        %get3A_1518 = tpu.vector_load %arg13[%get3A_1517] {strides = array<i32>} : memref<1024xf32, #tpu.memory_space<vmem>>, vector<16xf32>,
        %gather3A_1519 = tpu.vector_load_idx %arg11[%broadcast_in_dim3A_1516] : memref<64xf32, #tpu.memory_space<vmem>>[vector<16xi32>], vector<16xf32>,
        %gather3A_1520 = tpu.vector_load_idx %arg12[%broadcast_in_dim3A_1516] : memref<64xf32, #tpu.memory_space<vmem>>[vector<16xi32>], vector<16xf32>,
        %sub3A_1521 = arith.subf %get3A_1518, %mul3A_844 : vector<16xf32>
        %mul3A_1522 = arith.mulf %sub3A_1521, %mul3A_885 : vector<16xf32>
        %mul3A_1523 = arith.mulf %mul3A_1522, %gather3A_1519 : vector<16xf32>
        %add3A_1524 = arith.addf %mul3A_1523, %gather3A_1520 : vector<16xf32>
        tpu.vector_store_idx %arg9[%add3A_197, %broadcast_in_dim3A_1516], %add3A_1524 : memref<800x64xf32, #tpu.memory_space<vmem>>[vector<16xi32>, vector<16xi32>], vector<16xf32>,
      }
      %scan3A_192 = arith.constant 50 : i32
      "tpu.region"() ({
        %run_scoped3A = tpu.sem_alloc : memref<!tpu.dma_semaphore, #tpu.memory_space<semaphore_mem>>
        %dma_start3A_193 = arith.constant 0 : i32
        %dma_start3A_194 = tpu.memref_slice %arg7[%multiple_of3A, %dma_start3A_193] : memref<819200x64xf32, #tpu.memory_space<hbm>> -> memref<800x64xf32, #tpu.memory_space<hbm>>
        %dma_start3A_195 = arith.constant 0 : i32
        %dma_start3A_196 = tpu.memref_slice %arg7[%multiple_of3A, %dma_start3A_195] : memref<819200x64xf32, #tpu.memory_space<hbm>> -> memref<800x64xf32, #tpu.memory_space<hbm>>
        tpu.enqueue_dma source(%arg9 : memref<800x64xf32, #tpu.memory_space<vmem>>) target(%dma_start3A_196 : memref<800x64xf32, #tpu.memory_space<hbm>>) target_semaphore(%run_scoped3A : memref<!tpu.dma_semaphore, #tpu.memory_space<semaphore_mem>>)
        %dma_wait3A_197 = arith.constant 0 : i32
        %dma_wait3A_198 = tpu.memref_slice %arg7[%multiple_of3A, %dma_wait3A_197] : memref<819200x64xf32, #tpu.memory_space<hbm>> -> memref<800x64xf32, #tpu.memory_space<hbm>>
        %dma_wait3A_199 = arith.constant 0 : i32
        %dma_wait3A_200 = tpu.memref_slice %arg7[%multiple_of3A, %dma_wait3A_199] : memref<819200x64xf32, #tpu.memory_space<hbm>> -> memref<800x64xf32, #tpu.memory_space<hbm>>
        tpu.wait_dma2 semaphore(%run_scoped3A : memref<!tpu.dma_semaphore, #tpu.memory_space<semaphore_mem>>) src(%arg9 : memref<800x64xf32, #tpu.memory_space<vmem>>) dst(%dma_wait3A_200 : memref<800x64xf32, #tpu.memory_space<hbm>>)
        tpu.yield
      }) : () -> ()
    }
    %scan3A_5 = arith.constant 32 : i32
    return
  }
}

</mosaic_0001>

<sc_bundles>
// kernel: kernel.3.cloned.1.call-start
scs
__scs_entry_jumppad:
0x0: {  	(pc) =	sbr.rel $0x88, $3  }
0x1: {  	(tag) =	ssettag $0x0;
	lr =	simm.s32 $0x1  }
0x2: {  	[smem:$0x3F9C] =	sst lr;
	_ =	strace $0xD0000000  }
0x3: {  	_ = 	snop  }
0x4: {  	_ = 	snop  }
0x5: {  	_ = 	snop  }
0x6: {  	_ = 	snop  }
0x7: {  	_ = 	snop  }
__scs_overlays_trampoline_lowered:
0x8: {  	[smem:$0x3FAB] =	sst s0  }
0x9: {  	[smem:$0x3FAC] =	sst s1  }
0xa: {  	[smem:$0x3FAD] =	sst s2  }
0xb: {  	[smem:$0x3FAE] =	sst s3  }
0xc: {  	[smem:$0x3FAF] =	sst s4  }
0xd: {  	[smem:$0x3FB0] =	sst s5  }
0xe: {  	[smem:$0x3FB1] =	sst s6  }
0xf: {  	[smem:$0x3FB2] =	sst s7  }
0x10: {  	[smem:$0x3FB3] =	sst s8  }
0x11: {  	[smem:$0x3FB4] =	sst s9;
	s0 =	simm.s32 @!p0 $0x0  }
0x12: {  	s1 =	sld [smem:$0x3F9A];
	s0 =	simm.s32 @p0 $0x1  }
0x13: {  	[smem:$0x3FB5] =	sst s0;
	s0 =	simm.s32 @!p1 $0x0  }
0x14: {  	s2 =	sld [smem:$0x3F99];
	s0 =	simm.s32 @p1 $0x1  }
0x15: {  	[smem:$0x3FB6] =	sst s0;
	s0 =	simm.s32 @!p2 $0x0  }
0x16: {  	s3 =	sld [smem:$0x3FDB];
	s0 =	simm.s32 @p2 $0x1  }
0x17: {  	s4 =	simm.s32 $0x1BF5;
	[smem:$0x3FB8] =	sst s0  }
0x18: {  	s0 =	sld [smem:$0x3F9B];
	_ =	swait.ge [sflag:s4], $0x0  }
0x19: {  	s7 =	sld [smem:$0x3F9C]  }
0x1a: {  	s8 =	sadd.s32 $0xFFFFE003, lr  }
0x1b: {  	s9 =	sadd.s32 $0xFFFFFEF7, lr;
	s5 =	simm.s32 $0xFFFFFFFF;
	p2 =	slt.u32 s8, $0xFFFFF086  }
0x1c: {  	p1 =	slt.u32 s9, $0xF7A;
	s5 =	simm.s32 @!p2 $0x0  }
0x1d: {  	s5 =	simm.s32 @p1 $0x1;
	p0 =	seq.s32 s7, s2  }
0x1e: {  	s7 =	smul.u32 @!p0 $0xF7A, s2;
	p2 =	seq.s32 @!p0 s5, $0x0  }
0x1f: {  	s9 =	smul.u32 $0xF7A, s1;
	s8 =	simm.s32 @!p0 $0x1BF5;
	p2 =	por !p2, p0  }
0x20: {  	[sflag:s8] =	ssyncset.s32 @!p0 $0xFFFFF086;
	s6 =	sadd.s32 @!p0 s3, s7;
	s7 =	simm.s32 @!p0 $0x108  }
0x21: {  	s3 =	sadd.s32 s3, s9;
	s6 =	sadd.s32 @!p0 $0x88, s6;
	s7 =	simm.s32 @p2 $0x1082  }
0x22: {  	[simem:s7], [sflag:s8] =	dma.local @!p0 [hbm:s6], $0xF7A  }
0x23: {  	s9 =	sor.u32 $0xD0000000, s2;
	s6 =	simm.s32 $0x108;
	_ =	swait.ge @!p0 [sflag:s8], $0x0  }
0x24: {  	s3 =	sadd.s32 $0x88, s3;
	s6 =	simm.s32 @!p1 $0x1082;
	[sflag:s4] =	ssyncset.s32 $0xFFFFF086  }
0x25: {  	[simem:s6], [sflag:s4] =	dma.local [hbm:s3], $0xF7A  }
0x26: {  	[smem:$0x3F9C] =	sst s1;
	(tag) =	ssettag s2;
	_ =	strace s9  }
0x27: {  	s1 =	sld [smem:$0x3FAC]  }
0x28: {  	s2 =	sld [smem:$0x3FAD]  }
0x29: {  	s4 =	sld [smem:$0x3FAF]  }
0x2a: {  	p0 =	seq.s32 s5, $0x0;
	s5 =	sld [smem:$0x3FB0]  }
0x2b: {  	s6 =	sld [smem:$0x3FB1]  }
0x2c: {  	s7 =	sld [smem:$0x3FB2]  }
0x2d: {  	s3 =	simm.s32 $0x108;
	s8 =	sld [smem:$0x3FB3]  }
0x2e: {  	s3 =	simm.s32 @!p0 $0x1082;
	s9 =	sld [smem:$0x3FB4]  }
0x2f: {  	lr =	sadd.s32 s0, s3;
	s0 =	sld [smem:$0x3FAB]  }
0x30: {  	s3 =	sld [smem:$0x3FAE]  }
0x31: {  	[smem:$0x3FB7] =	sst s10  }
0x32: {  	s10 =	sld [smem:$0x3FB5];
	_ =	sdelay $0x3  }
0x33: {  	p0 =	seq.s32 s10, $0x1;
	s10 =	sld [smem:$0x3FB7];
	_ =	sdelay $0x3  }
0x34: {  	[smem:$0x3FB7] =	sst s10  }
0x35: {  	s10 =	sld [smem:$0x3FB6];
	_ =	sdelay $0x3  }
0x36: {  	p1 =	seq.s32 s10, $0x1;
	s10 =	sld [smem:$0x3FB7];
	_ =	sdelay $0x3  }
0x37: {  	[smem:$0x3FB7] =	sst s10  }
0x38: {  	s10 =	sld [smem:$0x3FB8]  }
0x39: {  	_ = 	snop;
	(pc) =	sbr.ind lr, $3  }
0x3a: {  	_ = 	snop  }
0x3b: {  	_ = 	snop  }
0x3c: {  	p2 =	seq.s32 s10, $0x1;
	s10 =	sld [smem:$0x3FB7]  }
0x3d: {  	_ =	shalt  }
0x3e: {  	_ =	shalt  }
0x3f: {  	_ =	shalt  }
0x40: {  	_ =	shalt  }
0x41: {  	_ =	shalt  }
0x42: {  	_ =	shalt  }
0x43: {  	_ =	shalt  }
0x44: {  	_ =	shalt  }
0x45: {  	_ =	shalt  }
0x46: {  	_ =	shalt  }
0x47: {  	_ =	shalt  }
0x48: {  	_ =	shalt  }
0x49: {  	_ =	shalt  }
0x4a: {  	_ =	shalt  }
0x4b: {  	_ =	shalt  }
0x4c: {  	_ =	shalt  }
0x4d: {  	_ =	shalt  }
0x4e: {  	_ =	shalt  }
0x4f: {  	_ =	shalt  }
0x50: {  	_ =	shalt  }
0x51: {  	_ =	shalt  }
0x52: {  	_ =	shalt  }
0x53: {  	_ =	shalt  }
0x54: {  	_ =	shalt  }
0x55: {  	_ =	shalt  }
0x56: {  	_ =	shalt  }
0x57: {  	_ =	shalt  }
0x58: {  	_ =	shalt  }
0x59: {  	_ =	shalt  }
0x5a: {  	_ =	shalt  }
0x5b: {  	_ =	shalt  }
0x5c: {  	_ =	shalt  }
0x5d: {  	_ =	shalt  }
0x5e: {  	_ =	shalt  }
0x5f: {  	_ =	shalt  }
0x60: {  	_ =	shalt  }
0x61: {  	_ =	shalt  }
0x62: {  	_ =	shalt  }
0x63: {  	_ =	shalt  }
0x64: {  	_ =	shalt  }
0x65: {  	_ =	shalt  }
0x66: {  	_ =	shalt  }
0x67: {  	_ =	shalt  }
0x68: {  	_ =	shalt  }
0x69: {  	_ =	shalt  }
0x6a: {  	_ =	shalt  }
0x6b: {  	_ =	shalt  }
0x6c: {  	_ =	shalt  }
0x6d: {  	_ =	shalt  }
0x6e: {  	_ =	shalt  }
0x6f: {  	_ =	shalt  }
0x70: {  	_ =	shalt  }
0x71: {  	_ =	shalt  }
0x72: {  	_ =	shalt  }
0x73: {  	_ =	shalt  }
0x74: {  	_ =	shalt  }
0x75: {  	_ =	shalt  }
0x76: {  	_ =	shalt  }
0x77: {  	_ =	shalt  }
0x78: {  	_ =	shalt  }
0x79: {  	_ =	shalt  }
0x7a: {  	_ =	shalt  }
0x7b: {  	_ =	shalt  }
0x7c: {  	_ =	shalt  }
0x7d: {  	_ =	shalt  }
0x7e: {  	_ =	shalt  }
0x7f: {  	_ =	shalt  }
0x80: {  	_ =	shalt  }
0x81: {  	_ =	shalt  }
0x82: {  	_ =	shalt  }
0x83: {  	_ =	shalt  }
0x84: {  	_ =	shalt  }
0x85: {  	_ =	shalt  }
0x86: {  	_ =	shalt  }
0x87: {  	_ =	shalt  }
.Lfunc_end0:
.L_simem_size_0:
called_computation.1_lowered:
.L_overlay_start_0:
0x88: {  	s2 =	sld [smem:$0x3FD9]  }
0x89: {  	s3 =	sld [smem:$0x3FFE];
	_ =	sdelay $0x1  }
0x8a: {  	s1 =	srdreg.scid  }
0x8b: {  	s0 =	sand.u32 $0x1, s1  }
0x8c: {  	s17 =	sshll.u32 s0, $0xA;
	s2 =	sadd.s32 s3, s2  }
0x8d: {  	s2 =	sadd.s32 s2, s17  }
0x8e: {  	[smem:$0x3FC3] =	sst s2  }
0x8f: {  	_ = 	snop  }
0x90: {  	s2 =	sld [smem:$0x3FC6]  }
0x91: {  	s18 =	sld [smem:$0x3FC5]  }
0x92: {  	s4 =	sld [smem:$0x3FD0];
	(tm) =	ssettm $0x1  }
0x93: {  	s5 =	sld [smem:$0x3FFB];
	_ =	sdelay $0x3  }
0x94: {  	_ =	strace s5  }
0x95: {  	s5 =	sld [smem:$0x3FFC];
	_ =	sdelay $0x3  }
0x96: {  	_ =	strace s5  }
0x97: {  	s5 =	sld [smem:$0x3FFD];
	_ =	sdelay $0x3  }
0x98: {  	_ =	strace s5  }
0x99: {  	_ =	strace $0x8FFFFFFF  }
0x9a: {  	s19 =	sld [smem:$0x3FDB];
	_ =	sdelay $0x1  }
0x9b: {  	s6 =	simm.s32 $_scs_section_size  }
0x9c: {  	s7 =	simm.s32 $_size__tile_overlayer_lowered;
	s8 =	simm.s32 $_tile_overlayer_lowered  }
0x9d: {  	s22 =	simm.s32 $0x1BFF;
	s21 =	sshll.u32 s8, $0x1;
	s5 =	sadd.s32 s6, s19  }
0x9e: {  	s9 =	simm.s32 $0x0;
	s20 =	sshll.u32 s7, $0x1;
	s7 =	sadd.s32 s21, s5  }
0x9f: {  	[timem:s9], [sflag:s22] =	dma.local [hbm:s7], s20  }
0xa0: {  	_ =	swait.ge [sflag:s22], s20  }
0xa1: {  	s6 =	ssub.s32 $0x0, s20;
	[sflag:s22] =	ssyncset.done $0x0  }
0xa2: {  	[sflag:s22] =	ssyncadd.s32 s6;
	_ =	sdelay $0x1  }
0xa3: {  	s23 =	simm.s32 $0x1B8B  }
0xa4: {  	_ =	swait.ge [sflag:s23], $0x1  }
0xa5: {  	[sflag:s23] =	ssyncset.done $0x0  }
0xa6: {  	s25 =	simm.s32 $0x1B8E;
	s24 =	sld [smem:$0x3FFE];
	[sflag:s23] =	ssyncadd.s32 $0xFFFFFFFF  }
0xa7: {  	s26 =	simm.s32 $execute0_lowered;
	[smem:$0x3FD2] =	sst s25  }
0xa8: {  	s7 =	sshll.u32 s26, $0x1;
	_ =	strace $0x80000046;
	[dreg:$0x1] =	wrdreg $0xFFFFFFFF  }
0xa9: {  	s28 =	simm.s32 $_size_execute0_lowered;
	s5 =	sadd.s32 s5, s7;
	[dreg:$0x0] =	wrdreg $0x0  }
0xaa: {  	s7 =	sshll.u32 s28, $0x1;
	[dreg:$0x2] =	wrdreg s5  }
0xab: {  	[dreg:$0x3] =	wrdreg s7  }
0xac: {  	[dreg:$0x4] =	wrdreg $0xC0  }
0xad: {  	_ =	task [dreg:s9], $0x5FFFF  }
0xae: {  	[dreg:$0x1] =	wrdreg $0xFFFFFFFF  }
0xaf: {  	[dreg:$0x0] =	wrdreg $0x60  }
0xb0: {  	[dreg:$0x2] =	wrdreg s24  }
0xb1: {  	[dreg:$0x3] =	wrdreg s2  }
0xb2: {  	[dreg:$0x4] =	wrdreg s18  }
0xb3: {  	[dreg:$0x5] =	wrdreg s4  }
0xb4: {  	[dreg:$0x6] =	wrdreg $0x9  }
0xb5: {  	_ =	task.clear_ibuf [dreg:s9], $0x7FFFF;
	_ =	strace $0x90000046  }
0xb6: {  	s29 =	simm.s32 $0x9;
	_ =	strace $0x80000048  }
0xb7: {  	_ =	swait.ge [sflag:s29], $0x1  }
0xb8: {  	[sflag:s29] =	ssyncadd.s32 $0xFFFFFFFF  }
0xb9: {  	_ =	strace $0x90000048  }
0xba: {  	_ =	sfence  }
0xbb: {  	s30 =	sld [smem:$0x0];
	_ =	sdelay $0x2  }
0xbc: {  	s31 =	sshll.u32 s1, $0xD;
	s1 =	sshrl.u32 s1, $0x2  }
0xbd: {  	s3 =	sand.u32 $0x4000, s31;
	s1 =	sadd.s32 s1, s30  }
0xbe: {  	s0 =	sor.u32 s3, s0;
	s1 =	sshll.u32 s1, $0x11  }
0xbf: {  	s0 =	sor.u32 s1, s0  }
0xc0: {  	s0 =	sadd.s32 $0x8F2B, s0  }
0xc1: {  	[sflag:s0] =	ssyncadd.remote.s32 $0x1  }
0xc2: {  	_ =	sfence.sel $0xFFFF  }
0xc3: {  	[dreg:$0x0] =	wrdreg $0xFFFFFFFF;
	(pc) =	sbr.abs _section_cstart, $3  }
0xc4: {  	[dreg:$0x1] =	wrdreg $0xFFFFFFFF  }
0xc5: {  	_ =	task.clear_ibuf [dreg:s9], $0x2FFFF;
	_ =	strace $0x9FFFFFFF  }
0xc6: {  	(tm) =	ssettm $0x7FFFFFFF  }
0xc7: {  	_ =	shalt  }
tec
execute0_lowered:
.L_overlay_start_1:
0x0: {  	(tag) =	ssettag $0x1  }
0x1: {  	s0 =	rddreg [dreg:$0x0]  }
0x2: {  	s3 =	rddreg [dreg:$0x3];
	s4 =	simm.s32 $0x0  }
0x3: {  	s1 =	srdreg.scid;
	s8 =	stileid.u32;
	s11 =	simm.s32 $0xCB40  }
0x4: {  	s12 =	simm.s32 $0x2;
	s13 =	simm.s32 $0xFD40;
	s14 =	simm.s32 $0xFD80  }
0x5: {  	s15 =	simm.s32 $0x64;
	s16 =	simm.s32 $0x340;
	s17 =	simm.s32 $0x68  }
0x6: {  	s18 =	simm.s32 $0x1C40;
	s19 =	simm.s32 $0xD0;
	s20 =	simm.s32 $0x3540  }
0x7: {  	s21 =	simm.s32 $0x138;
	s22 =	simm.s32 $0x4E40;
	s23 =	simm.s32 $0x1A0  }
0x8: {  	s24 =	simm.s32 $0x6740;
	s25 =	simm.s32 $0x208;
	s28 =	simm.s32 $0x270  }
0x9: {  	s29 =	simm.s32 $0x9940;
	s30 =	simm.s32 $0x2D8;
	s31 =	simm.s32 $0xB240  }
0xa: {  	[smem:$0x7FF] =	sst s4;
	s1 =	sand.u32 $0x1, s1;
	s6 =	sadd.s32 $0x1A00, s0  }
0xb: {  	s7 =	sadd.s32 $0x1BA00, s0;
	s8 =	sshll.u32 s8, $0x1;
	s2 =	ssub.s32 $0x2, s1  }
0xc: {  	s0 =	sadd.s32 $0xA00, s0;
	_ =	strace $0x80000047;
	s5 =	sshrl.u32 s2, $0x1  }
0xd: {  	[dreg:$0x5] =	wrdreg s0;
	s1 =	sor.u32 s1, s8;
	s26 =	ssub.s32 s2, s5  }
0xe: {  	s9 =	smul.u32 $0x6400, s1;
	s2 =	simm.s32 $0x1;
	s0 =	smax.u32 s26, $0x1  }
0xf: {  	s5 =	simm.s32 $0x0;
	s26 =	simm.s32 $0x8040;
	[dreg:$0x6] =	wrdreg s0  }
.LBB2_1:
0x10: {  	s0 =	rddreg [dreg:$0x5]  }
0x11: {  	[tilespmem:s11], [sflag:$0x2] =	stream.linear.gather [hbm4b:s0+s4], $0x3200, $0x38;
	[tilespmem:$0x101C0] =	vst v63  }
0x12: {  	_ =	swait.ge [sflag:s12], $0x3200  }
0x13: {  	[sflag:s12] =	ssyncset.done $0x0  }
0x14: {  	[sflag:s12] =	ssyncadd.s32 $0xFFFFCE00  }
0x15: {  	s8 =	rddreg [dreg:$0x1]  }
0x16: {  	[tilespmem:s13], [sflag:$0x2] =	stream.linear.gather [hbm4b:s8+s4], $0x40, $0x38;
	[tilespmem:$0x101C0] =	vst v63  }
0x17: {  	_ =	swait.ge [sflag:s12], $0x40  }
0x18: {  	[sflag:s12] =	ssyncset.done $0x0  }
0x19: {  	[sflag:s12] =	ssyncadd.s32 $0xFFFFFFC0  }
0x1a: {  	s10 =	rddreg [dreg:$0x2]  }
0x1b: {  	[tilespmem:s14], [sflag:$0x2] =	stream.linear.gather [hbm4b:s10+s4], $0x40, $0x38;
	[tilespmem:$0x101C0] =	vst v63  }
0x1c: {  	_ =	swait.ge [sflag:s12], $0x40  }
0x1d: {  	[sflag:s12] =	ssyncset.done $0x0  }
0x1e: {  	s0 =	simm.s32 $0x0;
	[sflag:s12] =	ssyncadd.s32 $0xFFFFFFC0  }
.LBB2_2:
0x1f: {  	s1 =	smul.u32 $0x320, s0;
	_ =	sdelay $0x1  }
0x20: {  	s1 =	sadd.s32 s9, s1  }
0x21: {  	s8 =	smulhi.u32 $0x51EB851F, s1;
	_ =	sdelay $0x1  }
0x22: {  	s8 =	sshrl.u32 s8, $0x5  }
0x23: {  	s8 =	smul.u32 $0xD, s8;
	_ =	sdelay $0x1  }
0x24: {  	s10 =	sadd.s32 s6, s8;
	s8 =	simm.s32 $0x0  }
0x25: {  	[tilespmem:s8], [sflag:$0x2] =	stream.linear.gather [hbm4b:s10+s8], $0x340, $0x38;
	[tilespmem:$0x101C0] =	vst v63  }
0x26: {  	_ =	swait.ge [sflag:s12], $0x340  }
0x27: {  	[sflag:s12] =	ssyncset.done $0x0  }
0x28: {  	[sflag:s12] =	ssyncadd.s32 $0xFFFFFCC0  }
0x29: {  	[tilespmem:s16], [sflag:$0x1] =	stream.indirect.gather [hbm4b:s7+s15], $0x40, s8, s15, $0xb8;
	[tilespmem:$0x101C0] =	vst v63  }
0x2a: {  	_ = 	snop  }
0x2b: {  	[tilespmem:s18], [sflag:$0x1] =	stream.indirect.gather [hbm4b:s7+s15], $0x40, s17, s15, $0xb8;
	[tilespmem:$0x101C0] =	vst v63  }
0x2c: {  	_ = 	snop  }
0x2d: {  	[tilespmem:s20], [sflag:$0x1] =	stream.indirect.gather [hbm4b:s7+s15], $0x40, s19, s15, $0xb8;
	[tilespmem:$0x101C0] =	vst v63  }
0x2e: {  	_ = 	snop  }
0x2f: {  	[tilespmem:s22], [sflag:$0x1] =	stream.indirect.gather [hbm4b:s7+s15], $0x40, s21, s15, $0xb8;
	[tilespmem:$0x101C0] =	vst v63  }
0x30: {  	_ = 	snop  }
0x31: {  	[tilespmem:s24], [sflag:$0x1] =	stream.indirect.gather [hbm4b:s7+s15], $0x40, s23, s15, $0xb8;
	[tilespmem:$0x101C0] =	vst v63  }
0x32: {  	_ = 	snop  }
0x33: {  	[tilespmem:s26], [sflag:$0x1] =	stream.indirect.gather [hbm4b:s7+s15], $0x40, s25, s15, $0xb8;
	[tilespmem:$0x101C0] =	vst v63  }
0x34: {  	_ = 	snop  }
0x35: {  	[tilespmem:s29], [sflag:$0x1] =	stream.indirect.gather [hbm4b:s7+s15], $0x40, s28, s15, $0xb8;
	[tilespmem:$0x101C0] =	vst v63  }
0x36: {  	_ = 	snop  }
0x37: {  	[tilespmem:s31], [sflag:$0x1] =	stream.indirect.gather [hbm4b:s7+s15], $0x40, s30, s15, $0xb8;
	[tilespmem:$0x101C0] =	vst v63  }
0x38: {  	_ =	swait.ge [sflag:s2], $0x1900  }
0x39: {  	[sflag:s2] =	ssyncset.done $0x0  }
0x3a: {  	[sflag:s2] =	ssyncadd.s32 $0xFFFFE700  }
0x3b: {  	_ =	swait.ge [sflag:s2], $0x1900  }
0x3c: {  	[sflag:s2] =	ssyncset.done $0x0  }
0x3d: {  	[sflag:s2] =	ssyncadd.s32 $0xFFFFE700  }
0x3e: {  	_ =	swait.ge [sflag:s2], $0x1900  }
0x3f: {  	[sflag:s2] =	ssyncset.done $0x0  }
0x40: {  	[sflag:s2] =	ssyncadd.s32 $0xFFFFE700  }
0x41: {  	_ =	swait.ge [sflag:s2], $0x1900  }
0x42: {  	[sflag:s2] =	ssyncset.done $0x0  }
0x43: {  	[sflag:s2] =	ssyncadd.s32 $0xFFFFE700  }
0x44: {  	_ =	swait.ge [sflag:s2], $0x1900  }
0x45: {  	[sflag:s2] =	ssyncset.done $0x0  }
0x46: {  	[sflag:s2] =	ssyncadd.s32 $0xFFFFE700  }
0x47: {  	_ =	swait.ge [sflag:s2], $0x1900  }
0x48: {  	[sflag:s2] =	ssyncset.done $0x0  }
0x49: {  	[sflag:s2] =	ssyncadd.s32 $0xFFFFE700  }
0x4a: {  	_ =	swait.ge [sflag:s2], $0x1900  }
0x4b: {  	[sflag:s2] =	ssyncset.done $0x0  }
0x4c: {  	[sflag:s2] =	ssyncadd.s32 $0xFFFFE700  }
0x4d: {  	_ =	swait.ge [sflag:s2], $0x1900  }
0x4e: {  	[sflag:s2] =	ssyncset.done $0x0  }
0x4f: {  	[sflag:s2] =	ssyncadd.s32 $0xFFFFE700  }
.LBB2_3:
0x50: {  	v0 =	vlaneseq.u32  }
0x51: {  	v0 =	vor.u32 s8, v0  }
0x52: {  	v1 =	vmulhi.u32 $0x51EB851F, v0;
	_ =	sdelay $0x1  }
0x53: {  	v1 =	vshrl.u32 v1, $0x6  }
0x54: {  	v1 =	vmul.u32 $0xC8, v1;
	_ =	sdelay $0x1  }
0x55: {  	v59 =	vshll.u32 v0, $0x6;
	v1 =	vsub.s32 v0, v1  }
0x56: {  	v0 =	vshll.u32 v1, $0x6;
	_ =	sdelay $0x3  }
0x57: {  	v44 =	vld.idx.msk [tilespmem:v59+s16+$0x0], $0xffff  }
0x58: {  	v2 =	vld.idx.msk [tilespmem:v0+s11+$0x0], $0xffff;
	_ =	sdelay $0x2  }
0x59: {  	v57 =	vor.u32 $0x1, v59  }
0x5a: {  	v3 =	vor.u32 $0x1, v0  }
0x5b: {  	v60 =	vadd.f32 v2, v44;
	_ =	sdelay $0x1  }
0x5c: {  	[tilespmem:$0xFDC0] =	vst v60  }
0x5d: {  	v45 =	vld.idx.msk [tilespmem:v57+s16+$0x0], $0xffff  }
0x5e: {  	v46 =	vld.idx.msk [tilespmem:v3+s11+$0x0], $0xffff;
	_ =	sdelay $0x2  }
0x5f: {  	v56 =	vor.u32 $0x2, v59  }
0x60: {  	v47 =	vor.u32 $0x2, v0  }
0x61: {  	v48 =	vadd.f32 v46, v45;
	_ =	sdelay $0x1  }
0x62: {  	[tilespmem:$0xFDD0] =	vst v48  }
0x63: {  	v50 =	vld.idx.msk [tilespmem:v56+s16+$0x0], $0xffff  }
0x64: {  	v51 =	vld.idx.msk [tilespmem:v47+s11+$0x0], $0xffff;
	_ =	sdelay $0x2  }
0x65: {  	v55 =	vor.u32 $0x3, v59  }
0x66: {  	v58 =	vor.u32 $0x3, v0  }
0x67: {  	v49 =	vadd.f32 v51, v50;
	_ =	sdelay $0x1  }
0x68: {  	[tilespmem:$0xFDE0] =	vst v49  }
0x69: {  	v61 =	vld.idx.msk [tilespmem:v55+s16+$0x0], $0xffff  }
0x6a: {  	v62 =	vld.idx.msk [tilespmem:v58+s11+$0x0], $0xffff;
	_ =	sdelay $0x2  }
0x6b: {  	v54 =	vor.u32 $0x4, v59  }
0x6c: {  	v63 =	vor.u32 $0x4, v0  }
0x6d: {  	v42 =	vadd.f32 v62, v61;
	_ =	sdelay $0x1  }
0x6e: {  	[tilespmem:$0xFDF0] =	vst v42  }
0x6f: {  	v6 =	vld.idx.msk [tilespmem:v54+s16+$0x0], $0xffff  }
0x70: {  	v7 =	vld.idx.msk [tilespmem:v63+s11+$0x0], $0xffff;
	_ =	sdelay $0x2  }
0x71: {  	v52 =	vor.u32 $0x5, v59  }
0x72: {  	v8 =	vor.u32 $0x5, v0  }
0x73: {  	v47 =	vadd.f32 v7, v6;
	_ =	sdelay $0x1  }
0x74: {  	[tilespmem:$0xFE00] =	vst v47  }
0x75: {  	v9 =	vld.idx.msk [tilespmem:v52+s16+$0x0], $0xffff  }
0x76: {  	v10 =	vld.idx.msk [tilespmem:v8+s11+$0x0], $0xffff;
	_ =	sdelay $0x2  }
0x77: {  	v51 =	vor.u32 $0x6, v59  }
0x78: {  	v11 =	vor.u32 $0x6, v0  }
0x79: {  	v45 =	vadd.f32 v10, v9;
	_ =	sdelay $0x1  }
0x7a: {  	[tilespmem:$0xFE10] =	vst v45  }
0x7b: {  	v12 =	vld.idx.msk [tilespmem:v51+s16+$0x0], $0xffff  }
0x7c: {  	v13 =	vld.idx.msk [tilespmem:v11+s11+$0x0], $0xffff;
	_ =	sdelay $0x2  }
0x7d: {  	v50 =	vor.u32 $0x7, v59  }
0x7e: {  	v14 =	vor.u32 $0x7, v0  }
0x7f: {  	v44 =	vadd.f32 v13, v12;
	_ =	sdelay $0x1  }
0x80: {  	[tilespmem:$0xFE20] =	vst v44  }
0x81: {  	v15 =	vld.idx.msk [tilespmem:v50+s16+$0x0], $0xffff  }
0x82: {  	v16 =	vld.idx.msk [tilespmem:v14+s11+$0x0], $0xffff;
	_ =	sdelay $0x2  }
0x83: {  	v4 =	vor.u32 $0x8, v59  }
0x84: {  	v17 =	vor.u32 $0x8, v0  }
0x85: {  	v40 =	vadd.f32 v16, v15;
	_ =	sdelay $0x1  }
0x86: {  	[tilespmem:$0xFE30] =	vst v40  }
0x87: {  	v18 =	vld.idx.msk [tilespmem:v4+s16+$0x0], $0xffff  }
0x88: {  	v19 =	vld.idx.msk [tilespmem:v17+s11+$0x0], $0xffff;
	_ =	sdelay $0x2  }
0x89: {  	v20 =	vor.u32 $0x9, v59  }
0x8a: {  	v21 =	vor.u32 $0x9, v0  }
0x8b: {  	v38 =	vadd.f32 v19, v18;
	_ =	sdelay $0x1  }
0x8c: {  	[tilespmem:$0xFE40] =	vst v38  }
0x8d: {  	v22 =	vld.idx.msk [tilespmem:v20+s16+$0x0], $0xffff  }
0x8e: {  	v23 =	vld.idx.msk [tilespmem:v21+s11+$0x0], $0xffff;
	_ =	sdelay $0x2  }
0x8f: {  	v24 =	vor.u32 $0xA, v59  }
0x90: {  	[tilespmem:$0x1FD50] =	vst v4;
	v25 =	vor.u32 $0xA, v0  }
0x91: {  	[tilespmem:$0x1FD60] =	vst v20;
	v46 =	vadd.f32 v23, v22  }
0x92: {  	[tilespmem:$0x1FD70] =	vst v24  }
0x93: {  	[tilespmem:$0xFE50] =	vst v46  }
0x94: {  	v26 =	vld.idx.msk [tilespmem:v24+s16+$0x0], $0xffff  }
0x95: {  	v27 =	vld.idx.msk [tilespmem:v25+s11+$0x0], $0xffff;
	_ =	sdelay $0x2  }
0x96: {  	v28 =	vor.u32 $0xB, v59  }
0x97: {  	v29 =	vor.u32 $0xB, v0  }
0x98: {  	v53 =	vadd.f32 v27, v26;
	_ =	sdelay $0x1  }
0x99: {  	[tilespmem:$0xFE60] =	vst v53  }
0x9a: {  	v30 =	vld.idx.msk [tilespmem:v28+s16+$0x0], $0xffff  }
0x9b: {  	v31 =	vld.idx.msk [tilespmem:v29+s11+$0x0], $0xffff;
	_ =	sdelay $0x2  }
0x9c: {  	v32 =	vor.u32 $0xC, v59  }
0x9d: {  	v33 =	vor.u32 $0xC, v0  }
0x9e: {  	v58 =	vadd.f32 v31, v30;
	_ =	sdelay $0x1  }
0x9f: {  	[tilespmem:$0xFE70] =	vst v58  }
0xa0: {  	v34 =	vld.idx.msk [tilespmem:v32+s16+$0x0], $0xffff  }
0xa1: {  	v35 =	vld.idx.msk [tilespmem:v33+s11+$0x0], $0xffff;
	_ =	sdelay $0x2  }
0xa2: {  	v36 =	vor.u32 $0xD, v59  }
0xa3: {  	v37 =	vor.u32 $0xD, v0  }
0xa4: {  	v61 =	vadd.f32 v35, v34;
	_ =	sdelay $0x1  }
0xa5: {  	[tilespmem:$0xFE80] =	vst v61  }
0xa6: {  	v39 =	vld.idx.msk [tilespmem:v36+s16+$0x0], $0xffff  }
0xa7: {  	v41 =	vld.idx.msk [tilespmem:v37+s11+$0x0], $0xffff;
	_ =	sdelay $0x2  }
0xa8: {  	v43 =	vor.u32 $0xE, v59  }
0xa9: {  	v7 =	vor.u32 $0xE, v0  }
0xaa: {  	v62 =	vadd.f32 v41, v39;
	_ =	sdelay $0x1  }
0xab: {  	[tilespmem:$0xFE90] =	vst v62  }
0xac: {  	v8 =	vld.idx.msk [tilespmem:v43+s16+$0x0], $0xffff  }
0xad: {  	v9 =	vld.idx.msk [tilespmem:v7+s11+$0x0], $0xffff;
	_ =	sdelay $0x2  }
0xae: {  	v10 =	vor.u32 $0xF, v59  }
0xaf: {  	v11 =	vor.u32 $0xF, v0  }
0xb0: {  	v63 =	vadd.f32 v9, v8;
	_ =	sdelay $0x1  }
0xb1: {  	[tilespmem:$0xFEA0] =	vst v63  }
0xb2: {  	v12 =	vld.idx.msk [tilespmem:v10+s16+$0x0], $0xffff  }
0xb3: {  	v13 =	vld.idx.msk [tilespmem:v11+s11+$0x0], $0xffff;
	_ =	sdelay $0x2  }
0xb4: {  	v14 =	vor.u32 $0x10, v59  }
0xb5: {  	v15 =	vor.u32 $0x10, v0  }
0xb6: {  	[tilespmem:$0x1FDB0] =	vst v43;
	v43 =	vadd.f32 v13, v12;
	_ =	sdelay $0x1  }
0xb7: {  	[tilespmem:$0xFEB0] =	vst v43  }
0xb8: {  	v16 =	vld.idx.msk [tilespmem:v14+s16+$0x0], $0xffff  }
0xb9: {  	v17 =	vld.idx.msk [tilespmem:v15+s11+$0x0], $0xffff;
	_ =	sdelay $0x2  }
0xba: {  	v18 =	vor.u32 $0x11, v59  }
0xbb: {  	v19 =	vor.u32 $0x11, v0  }
0xbc: {  	v41 =	vadd.f32 v17, v16;
	_ =	sdelay $0x1  }
0xbd: {  	[tilespmem:$0xFEC0] =	vst v41  }
0xbe: {  	v20 =	vld.idx.msk [tilespmem:v18+s16+$0x0], $0xffff  }
0xbf: {  	v21 =	vld.idx.msk [tilespmem:v19+s11+$0x0], $0xffff;
	_ =	sdelay $0x2  }
0xc0: {  	v22 =	vor.u32 $0x12, v59  }
0xc1: {  	v23 =	vor.u32 $0x12, v0  }
0xc2: {  	v33 =	vadd.f32 v21, v20;
	_ =	sdelay $0x1  }
0xc3: {  	[tilespmem:$0xFED0] =	vst v33  }
0xc4: {  	v24 =	vld.idx.msk [tilespmem:v22+s16+$0x0], $0xffff  }
0xc5: {  	v25 =	vld.idx.msk [tilespmem:v23+s11+$0x0], $0xffff;
	_ =	sdelay $0x2  }
0xc6: {  	v26 =	vor.u32 $0x13, v59  }
0xc7: {  	v27 =	vor.u32 $0x13, v0  }
0xc8: {  	v39 =	vadd.f32 v25, v24;
	_ =	sdelay $0x1  }
0xc9: {  	[tilespmem:$0xFEE0] =	vst v39  }
0xca: {  	[tilespmem:$0x1FD80] =	vst v28;
	v28 =	vld.idx.msk [tilespmem:v26+s16+$0x0], $0xffff  }
0xcb: {  	v29 =	vld.idx.msk [tilespmem:v27+s11+$0x0], $0xffff;
	_ =	sdelay $0x2  }
0xcc: {  	v30 =	vor.u32 $0x14, v59  }
0xcd: {  	v31 =	vor.u32 $0x14, v0  }
0xce: {  	v37 =	vadd.f32 v29, v28;
	_ =	sdelay $0x1  }
0xcf: {  	[tilespmem:$0xFEF0] =	vst v37  }
0xd0: {  	[tilespmem:$0x1FD90] =	vst v32;
	v32 =	vld.idx.msk [tilespmem:v30+s16+$0x0], $0xffff  }
0xd1: {  	v34 =	vld.idx.msk [tilespmem:v31+s11+$0x0], $0xffff;
	_ =	sdelay $0x2  }
0xd2: {  	v35 =	vor.u32 $0x15, v59  }
0xd3: {  	v8 =	vor.u32 $0x15, v0  }
0xd4: {  	[tilespmem:$0x1FDA0] =	vst v36;
	v36 =	vadd.f32 v34, v32;
	_ =	sdelay $0x1  }
0xd5: {  	[tilespmem:$0xFF00] =	vst v36  }
0xd6: {  	v9 =	vld.idx.msk [tilespmem:v35+s16+$0x0], $0xffff  }
0xd7: {  	[tilespmem:$0x1FDC0] =	vst v10;
	v10 =	vld.idx.msk [tilespmem:v8+s11+$0x0], $0xffff;
	_ =	sdelay $0x2  }
0xd8: {  	v11 =	vor.u32 $0x16, v59  }
0xd9: {  	v12 =	vor.u32 $0x16, v0  }
0xda: {  	v29 =	vadd.f32 v10, v9;
	_ =	sdelay $0x1  }
0xdb: {  	[tilespmem:$0xFF10] =	vst v29  }
0xdc: {  	v13 =	vld.idx.msk [tilespmem:v11+s16+$0x0], $0xffff  }
0xdd: {  	[tilespmem:$0x1FDD0] =	vst v14;
	v14 =	vld.idx.msk [tilespmem:v12+s11+$0x0], $0xffff;
	_ =	sdelay $0x2  }
0xde: {  	v15 =	vor.u32 $0x17, v59  }
0xdf: {  	v16 =	vor.u32 $0x17, v0  }
0xe0: {  	[tilespmem:$0x1FE20] =	vst v35;
	v35 =	vadd.f32 v14, v13;
	_ =	sdelay $0x1  }
0xe1: {  	[tilespmem:$0xFF20] =	vst v35  }
0xe2: {  	v17 =	vld.idx.msk [tilespmem:v15+s16+$0x0], $0xffff  }
0xe3: {  	[tilespmem:$0x1FDE0] =	vst v18;
	v18 =	vld.idx.msk [tilespmem:v16+s11+$0x0], $0xffff;
	_ =	sdelay $0x2  }
0xe4: {  	v19 =	vor.u32 $0x18, v59  }
0xe5: {  	v20 =	vor.u32 $0x18, v0  }
0xe6: {  	v34 =	vadd.f32 v18, v17;
	_ =	sdelay $0x1  }
0xe7: {  	[tilespmem:$0xFF30] =	vst v34  }
0xe8: {  	v21 =	vld.idx.msk [tilespmem:v19+s16+$0x0], $0xffff  }
0xe9: {  	[tilespmem:$0x1FDF0] =	vst v22;
	v22 =	vld.idx.msk [tilespmem:v20+s11+$0x0], $0xffff;
	_ =	sdelay $0x2  }
0xea: {  	v23 =	vor.u32 $0x19, v59  }
0xeb: {  	v24 =	vor.u32 $0x19, v0  }
0xec: {  	v32 =	vadd.f32 v22, v21;
	_ =	sdelay $0x1  }
0xed: {  	[tilespmem:$0xFF40] =	vst v32  }
0xee: {  	v25 =	vld.idx.msk [tilespmem:v23+s16+$0x0], $0xffff  }
0xef: {  	[tilespmem:$0x1FE00] =	vst v26;
	v26 =	vld.idx.msk [tilespmem:v24+s11+$0x0], $0xffff;
	_ =	sdelay $0x2  }
0xf0: {  	v27 =	vor.u32 $0x1A, v59  }
0xf1: {  	v8 =	vor.u32 $0x1A, v0  }
0xf2: {  	v31 =	vadd.f32 v26, v25;
	_ =	sdelay $0x1  }
0xf3: {  	[tilespmem:$0xFF50] =	vst v31  }
0xf4: {  	v9 =	vld.idx.msk [tilespmem:v27+s16+$0x0], $0xffff  }
0xf5: {  	v10 =	vld.idx.msk [tilespmem:v8+s11+$0x0], $0xffff;
	_ =	sdelay $0x2  }
0xf6: {  	[tilespmem:$0x1FE30] =	vst v11;
	v11 =	vor.u32 $0x1B, v59  }
0xf7: {  	v12 =	vor.u32 $0x1B, v0  }
0xf8: {  	[tilespmem:$0x1FE10] =	vst v30;
	v30 =	vadd.f32 v10, v9;
	_ =	sdelay $0x1  }
0xf9: {  	[tilespmem:$0xFF60] =	vst v30  }
0xfa: {  	v13 =	vld.idx.msk [tilespmem:v11+s16+$0x0], $0xffff  }
0xfb: {  	v14 =	vld.idx.msk [tilespmem:v12+s11+$0x0], $0xffff;
	_ =	sdelay $0x2  }
0xfc: {  	[tilespmem:$0x1FE40] =	vst v15;
	v15 =	vor.u32 $0x1C, v59  }
0xfd: {  	v16 =	vor.u32 $0x1C, v0  }
0xfe: {  	v28 =	vadd.f32 v14, v13;
	_ =	sdelay $0x1  }
0xff: {  	[tilespmem:$0xFF70] =	vst v28  }
0x100: {  	v17 =	vld.idx.msk [tilespmem:v15+s16+$0x0], $0xffff  }
0x101: {  	v18 =	vld.idx.msk [tilespmem:v16+s11+$0x0], $0xffff;
	_ =	sdelay $0x2  }
0x102: {  	[tilespmem:$0x1FE50] =	vst v19;
	v19 =	vor.u32 $0x1D, v59  }
0x103: {  	v20 =	vor.u32 $0x1D, v0  }
0x104: {  	[tilespmem:$0x1FE70] =	vst v27;
	v27 =	vadd.f32 v18, v17;
	_ =	sdelay $0x1  }
0x105: {  	[tilespmem:$0xFF80] =	vst v27  }
0x106: {  	v21 =	vld.idx.msk [tilespmem:v19+s16+$0x0], $0xffff  }
0x107: {  	v22 =	vld.idx.msk [tilespmem:v20+s11+$0x0], $0xffff;
	_ =	sdelay $0x2  }
0x108: {  	[tilespmem:$0x1FE60] =	vst v23;
	v23 =	vor.u32 $0x1E, v59  }
0x109: {  	v7 =	vor.u32 $0x1E, v0  }
0x10a: {  	v26 =	vadd.f32 v22, v21;
	_ =	sdelay $0x1  }
0x10b: {  	[tilespmem:$0xFF90] =	vst v26  }
0x10c: {  	v8 =	vld.idx.msk [tilespmem:v23+s16+$0x0], $0xffff  }
0x10d: {  	v9 =	vld.idx.msk [tilespmem:v7+s11+$0x0], $0xffff;
	_ =	sdelay $0x2  }
0x10e: {  	v10 =	vor.u32 $0x1F, v0  }
0x10f: {  	[tilespmem:$0x1FE80] =	vst v11;
	v11 =	vor.u32 $0x1F, v59  }
0x110: {  	v25 =	vadd.f32 v9, v8;
	_ =	sdelay $0x1  }
0x111: {  	[tilespmem:$0xFFA0] =	vst v25  }
0x112: {  	v12 =	vld.idx.msk [tilespmem:v10+s11+$0x0], $0xffff  }
0x113: {  	v13 =	vld.idx.msk [tilespmem:v11+s16+$0x0], $0xffff;
	_ =	sdelay $0x2  }
0x114: {  	v14 =	vor.u32 $0x20, v0  }
0x115: {  	[tilespmem:$0x1FE90] =	vst v15;
	v15 =	vor.u32 $0x20, v59  }
0x116: {  	v24 =	vadd.f32 v12, v13;
	_ =	sdelay $0x1  }
0x117: {  	[tilespmem:$0xFFB0] =	vst v24  }
0x118: {  	v16 =	vld.idx.msk [tilespmem:v14+s11+$0x0], $0xffff  }
0x119: {  	v17 =	vld.idx.msk [tilespmem:v15+s16+$0x0], $0xffff;
	_ =	sdelay $0x2  }
0x11a: {  	v18 =	vor.u32 $0x21, v0  }
0x11b: {  	[tilespmem:$0x1FEA0] =	vst v19;
	v19 =	vor.u32 $0x21, v59  }
0x11c: {  	[tilespmem:$0x1FEB0] =	vst v23;
	v23 =	vadd.f32 v16, v17;
	_ =	sdelay $0x1  }
0x11d: {  	[tilespmem:$0xFFC0] =	vst v23  }
0x11e: {  	v21 =	vld.idx.msk [tilespmem:v18+s11+$0x0], $0xffff  }
0x11f: {  	v22 =	vld.idx.msk [tilespmem:v19+s16+$0x0], $0xffff;
	_ =	sdelay $0x2  }
0x120: {  	v8 =	vor.u32 $0x22, v0  }
0x121: {  	v9 =	vor.u32 $0x22, v59  }
0x122: {  	v22 =	vadd.f32 v21, v22;
	_ =	sdelay $0x1  }
0x123: {  	[tilespmem:$0xFFD0] =	vst v22  }
0x124: {  	v10 =	vld.idx.msk [tilespmem:v8+s11+$0x0], $0xffff  }
0x125: {  	[tilespmem:$0x1FEC0] =	vst v11;
	v11 =	vld.idx.msk [tilespmem:v9+s16+$0x0], $0xffff;
	_ =	sdelay $0x2  }
0x126: {  	v12 =	vor.u32 $0x23, v0  }
0x127: {  	v13 =	vor.u32 $0x23, v59  }
0x128: {  	v21 =	vadd.f32 v10, v11;
	_ =	sdelay $0x1  }
0x129: {  	[tilespmem:$0xFFE0] =	vst v21  }
0x12a: {  	v14 =	vld.idx.msk [tilespmem:v12+s11+$0x0], $0xffff  }
0x12b: {  	[tilespmem:$0x1FED0] =	vst v15;
	v15 =	vld.idx.msk [tilespmem:v13+s16+$0x0], $0xffff;
	_ =	sdelay $0x2  }
0x12c: {  	v16 =	vor.u32 $0x24, v0  }
0x12d: {  	v17 =	vor.u32 $0x24, v59  }
0x12e: {  	v20 =	vadd.f32 v14, v15;
	_ =	sdelay $0x1  }
0x12f: {  	[tilespmem:$0xFFF0] =	vst v20  }
0x130: {  	v8 =	vld.idx.msk [tilespmem:v16+s11+$0x0], $0xffff  }
0x131: {  	[tilespmem:$0x1FEF0] =	vst v9;
	v9 =	vld.idx.msk [tilespmem:v17+s16+$0x0], $0xffff;
	_ =	sdelay $0x2  }
0x132: {  	v10 =	vor.u32 $0x25, v0  }
0x133: {  	v11 =	vor.u32 $0x25, v59  }
0x134: {  	[tilespmem:$0x1FEE0] =	vst v19;
	v19 =	vadd.f32 v8, v9;
	_ =	sdelay $0x1  }
0x135: {  	[tilespmem:$0x10000] =	vst v19  }
0x136: {  	v12 =	vld.idx.msk [tilespmem:v10+s11+$0x0], $0xffff  }
0x137: {  	[tilespmem:$0x1FF00] =	vst v13;
	v13 =	vld.idx.msk [tilespmem:v11+s16+$0x0], $0xffff;
	_ =	sdelay $0x2  }
0x138: {  	v14 =	vor.u32 $0x26, v0  }
0x139: {  	v15 =	vor.u32 $0x26, v59  }
0x13a: {  	v18 =	vadd.f32 v12, v13;
	_ =	sdelay $0x1  }
0x13b: {  	[tilespmem:$0x10010] =	vst v18  }
0x13c: {  	[tilespmem:$0x1FF10] =	vst v17;
	v17 =	vld.idx.msk [tilespmem:v14+s11+$0x0], $0xffff  }
0x13d: {  	v8 =	vld.idx.msk [tilespmem:v15+s16+$0x0], $0xffff;
	_ =	sdelay $0x2  }
0x13e: {  	v9 =	vor.u32 $0x27, v0  }
0x13f: {  	v10 =	vor.u32 $0x27, v59  }
0x140: {  	v17 =	vadd.f32 v17, v8;
	_ =	sdelay $0x1  }
0x141: {  	[tilespmem:$0x10020] =	vst v17  }
0x142: {  	[tilespmem:$0x1FF20] =	vst v11;
	v11 =	vld.idx.msk [tilespmem:v9+s11+$0x0], $0xffff  }
0x143: {  	v12 =	vld.idx.msk [tilespmem:v10+s16+$0x0], $0xffff;
	_ =	sdelay $0x2  }
0x144: {  	v13 =	vor.u32 $0x28, v0  }
0x145: {  	v14 =	vor.u32 $0x28, v59  }
0x146: {  	v16 =	vadd.f32 v11, v12;
	_ =	sdelay $0x1  }
0x147: {  	[tilespmem:$0x10030] =	vst v16  }
0x148: {  	v8 =	vld.idx.msk [tilespmem:v13+s11+$0x0], $0xffff  }
0x149: {  	v9 =	vld.idx.msk [tilespmem:v14+s16+$0x0], $0xffff;
	_ =	sdelay $0x2  }
0x14a: {  	[tilespmem:$0x1FF40] =	vst v10;
	v10 =	vor.u32 $0x29, v0  }
0x14b: {  	v11 =	vor.u32 $0x29, v59  }
0x14c: {  	[tilespmem:$0x1FF30] =	vst v15;
	v15 =	vadd.f32 v8, v9;
	_ =	sdelay $0x1  }
0x14d: {  	[tilespmem:$0x10040] =	vst v15  }
0x14e: {  	v8 =	vld.idx.msk [tilespmem:v10+s11+$0x0], $0xffff  }
0x14f: {  	v9 =	vld.idx.msk [tilespmem:v11+s16+$0x0], $0xffff;
	_ =	sdelay $0x2  }
0x150: {  	v10 =	vor.u32 $0x2A, v0  }
0x151: {  	[tilespmem:$0x1FF60] =	vst v11;
	v11 =	vor.u32 $0x2A, v59  }
0x152: {  	[tilespmem:$0x1FF50] =	vst v14;
	v14 =	vadd.f32 v8, v9;
	_ =	sdelay $0x1  }
0x153: {  	[tilespmem:$0x10050] =	vst v14  }
0x154: {  	v8 =	vld.idx.msk [tilespmem:v10+s11+$0x0], $0xffff  }
0x155: {  	v9 =	vld.idx.msk [tilespmem:v11+s16+$0x0], $0xffff;
	_ =	sdelay $0x2  }
0x156: {  	v10 =	vor.u32 $0x2B, v0  }
0x157: {  	[tilespmem:$0x1FF70] =	vst v11;
	v11 =	vor.u32 $0x2B, v59  }
0x158: {  	v13 =	vadd.f32 v8, v9;
	_ =	sdelay $0x1  }
0x159: {  	[tilespmem:$0x10060] =	vst v13  }
0x15a: {  	v12 =	vld.idx.msk [tilespmem:v10+s11+$0x0], $0xffff  }
0x15b: {  	v8 =	vld.idx.msk [tilespmem:v11+s16+$0x0], $0xffff;
	_ =	sdelay $0x2  }
0x15c: {  	v9 =	vor.u32 $0x2C, v0  }
0x15d: {  	v10 =	vor.u32 $0x2C, v59  }
0x15e: {  	v12 =	vadd.f32 v12, v8;
	_ =	sdelay $0x1  }
0x15f: {  	[tilespmem:$0x10070] =	vst v12  }
0x160: {  	[tilespmem:$0x1FF80] =	vst v11;
	v11 =	vld.idx.msk [tilespmem:v9+s11+$0x0], $0xffff  }
0x161: {  	v8 =	vld.idx.msk [tilespmem:v10+s16+$0x0], $0xffff;
	_ =	sdelay $0x2  }
0x162: {  	v3 =	vor.u32 $0x2D, v0  }
0x163: {  	v4 =	vor.u32 $0x2D, v59  }
0x164: {  	v11 =	vadd.f32 v11, v8;
	_ =	sdelay $0x1  }
0x165: {  	[tilespmem:$0x10080] =	vst v11  }
0x166: {  	v9 =	vld.idx.msk [tilespmem:v3+s11+$0x0], $0xffff  }
0x167: {  	[tilespmem:$0x1FF90] =	vst v10;
	v10 =	vld.idx.msk [tilespmem:v4+s16+$0x0], $0xffff;
	_ =	sdelay $0x2  }
0x168: {  	v3 =	vor.u32 $0x2E, v0  }
0x169: {  	[tilespmem:$0x1FFA0] =	vst v4;
	v4 =	vor.u32 $0x2E, v59  }
0x16a: {  	v10 =	vadd.f32 v9, v10;
	_ =	sdelay $0x1  }
0x16b: {  	[tilespmem:$0x10090] =	vst v10  }
0x16c: {  	v8 =	vld.idx.msk [tilespmem:v3+s11+$0x0], $0xffff  }
0x16d: {  	v9 =	vld.idx.msk [tilespmem:v4+s16+$0x0], $0xffff;
	_ =	sdelay $0x2  }
0x16e: {  	v3 =	vor.u32 $0x2F, v0  }
0x16f: {  	[tilespmem:$0x1FFB0] =	vst v4;
	v4 =	vor.u32 $0x2F, v59  }
0x170: {  	v9 =	vadd.f32 v8, v9;
	_ =	sdelay $0x1  }
0x171: {  	[tilespmem:$0x100A0] =	vst v9  }
0x172: {  	v1 =	vld.idx.msk [tilespmem:v3+s11+$0x0], $0xffff  }
0x173: {  	v8 =	vld.idx.msk [tilespmem:v4+s16+$0x0], $0xffff;
	_ =	sdelay $0x2  }
0x174: {  	v3 =	vor.u32 $0x30, v0  }
0x175: {  	[tilespmem:$0x1FFC0] =	vst v4;
	v4 =	vor.u32 $0x30, v59  }
0x176: {  	v8 =	vadd.f32 v1, v8;
	_ =	sdelay $0x1  }
0x177: {  	[tilespmem:$0x100B0] =	vst v8  }
0x178: {  	v1 =	vld.idx.msk [tilespmem:v3+s11+$0x0], $0xffff  }
0x179: {  	v2 =	vld.idx.msk [tilespmem:v4+s16+$0x0], $0xffff;
	_ =	sdelay $0x2  }
0x17a: {  	v3 =	vor.u32 $0x31, v0  }
0x17b: {  	[tilespmem:$0x1FFD0] =	vst v4;
	v4 =	vor.u32 $0x31, v59  }
0x17c: {  	v7 =	vadd.f32 v1, v2;
	_ =	sdelay $0x1  }
0x17d: {  	[tilespmem:$0x100C0] =	vst v7  }
0x17e: {  	v5 =	vld.idx.msk [tilespmem:v3+s11+$0x0], $0xffff  }
0x17f: {  	v6 =	vld.idx.msk [tilespmem:v4+s16+$0x0], $0xffff;
	_ =	sdelay $0x2  }
0x180: {  	v2 =	vor.u32 $0x32, v0  }
0x181: {  	v1 =	vor.u32 $0x32, v59  }
0x182: {  	v6 =	vadd.f32 v5, v6  }
0x183: {  	v3 =	vadd.f32 $0.0e+00, v60  }
0x184: {  	[tilespmem:$0x100D0] =	vst v6  }
0x185: {  	v3 =	vadd.f32 v48, v3;
	v5 =	vld.idx.msk [tilespmem:v2+s11+$0x0], $0xffff  }
0x186: {  	[tilespmem:$0x1FFE0] =	vst v4;
	v4 =	vmul.f32 v60, v60;
	v2 =	vmul.f32 v48, v48;
	v48 =	vld.idx.msk [tilespmem:v1+s16+$0x0], $0xffff  }
0x187: {  	v3 =	vadd.f32 v49, v3  }
0x188: {  	[tilespmem:$0x1FFF0] =	vst v1;
	v1 =	vadd.f32 v2, v4;
	v2 =	vmul.f32 v49, v49  }
0x189: {  	v3 =	vadd.f32 v42, v3;
	v4 =	vor.u32 $0x33, v0  }
0x18a: {  	v49 =	vor.u32 $0x33, v59;
	v1 =	vadd.f32 v2, v1;
	v2 =	vmul.f32 v42, v42  }
0x18b: {  	v3 =	vadd.f32 v47, v3;
	v42 =	vadd.f32 v5, v48  }
0x18c: {  	v48 =	vmul.f32 v47, v47;
	v1 =	vadd.f32 v2, v1  }
0x18d: {  	v3 =	vadd.f32 v45, v3;
	[tilespmem:$0x100E0] =	vst v42  }
0x18e: {  	v1 =	vadd.f32 v48, v1;
	v48 =	vmul.f32 v45, v45;
	v4 =	vld.idx.msk [tilespmem:v4+s11+$0x0], $0xffff  }
0x18f: {  	v3 =	vadd.f32 v44, v3;
	v5 =	vld.idx.msk [tilespmem:v49+s16+$0x0], $0xffff  }
0x190: {  	v47 =	vmul.f32 v44, v44;
	v1 =	vadd.f32 v48, v1  }
0x191: {  	v48 =	vmul.f32 v40, v40;
	v40 =	vadd.f32 v40, v3  }
0x192: {  	v44 =	vor.u32 $0x34, v0;
	v1 =	vadd.f32 v47, v1  }
0x193: {  	v3 =	vor.u32 $0x34, v59;
	v40 =	vadd.f32 v38, v40  }
0x194: {  	v1 =	vadd.f32 v48, v1;
	v48 =	vmul.f32 v38, v38;
	v38 =	vadd.f32 v4, v5;
	_ =	sdelay $0x1  }
0x195: {  	v45 =	vmul.f32 v46, v46;
	v46 =	vadd.f32 v46, v40;
	[tilespmem:$0x100F0] =	vst v38  }
0x196: {  	v1 =	vadd.f32 v48, v1;
	v2 =	vld.idx.msk [tilespmem:v44+s11+$0x0], $0xffff  }
0x197: {  	v4 =	vadd.f32 v53, v46;
	v40 =	vld.idx.msk [tilespmem:v3+s16+$0x0], $0xffff  }
0x198: {  	v47 =	vmul.f32 v53, v53;
	v1 =	vadd.f32 v45, v1  }
0x199: {  	v4 =	vadd.f32 v58, v4  }
0x19a: {  	v48 =	vmul.f32 v58, v58;
	v58 =	vor.u32 $0x35, v0;
	v1 =	vadd.f32 v47, v1  }
0x19b: {  	v44 =	vor.u32 $0x35, v59;
	v4 =	vadd.f32 v61, v4  }
0x19c: {  	v53 =	vmul.f32 v61, v61;
	v1 =	vadd.f32 v48, v1;
	v40 =	vadd.f32 v2, v40  }
0x19d: {  	v4 =	vadd.f32 v62, v4  }
0x19e: {  	v46 =	vmul.f32 v62, v62;
	v1 =	vadd.f32 v53, v1;
	[tilespmem:$0x10100] =	vst v40  }
0x19f: {  	v4 =	vadd.f32 v63, v4;
	v48 =	vld.idx.msk [tilespmem:v58+s11+$0x0], $0xffff  }
0x1a0: {  	v47 =	vmul.f32 v63, v63;
	v58 =	vld.idx.msk [tilespmem:v44+s16+$0x0], $0xffff;
	v1 =	vadd.f32 v46, v1  }
0x1a1: {  	v4 =	vadd.f32 v43, v4  }
0x1a2: {  	v53 =	vmul.f32 v43, v43;
	v1 =	vadd.f32 v47, v1  }
0x1a3: {  	v62 =	vor.u32 $0x36, v0;
	v4 =	vadd.f32 v41, v4  }
0x1a4: {  	v61 =	vmul.f32 v41, v41;
	v43 =	vor.u32 $0x36, v59;
	v1 =	vadd.f32 v53, v1  }
0x1a5: {  	v63 =	vmul.f32 v33, v33;
	v4 =	vadd.f32 v33, v4;
	v33 =	vadd.f32 v48, v58  }
0x1a6: {  	v1 =	vadd.f32 v61, v1  }
0x1a7: {  	v4 =	vadd.f32 v39, v4;
	[tilespmem:$0x10110] =	vst v33  }
0x1a8: {  	v46 =	vmul.f32 v39, v39;
	v47 =	vld.idx.msk [tilespmem:v62+s11+$0x0], $0xffff;
	v1 =	vadd.f32 v63, v1  }
0x1a9: {  	v53 =	vld.idx.msk [tilespmem:v43+s16+$0x0], $0xffff;
	v4 =	vadd.f32 v37, v4  }
0x1aa: {  	v48 =	vmul.f32 v37, v37;
	v1 =	vadd.f32 v46, v1  }
0x1ab: {  	v4 =	vadd.f32 v36, v4  }
0x1ac: {  	v58 =	vmul.f32 v36, v36;
	v62 =	vor.u32 $0x37, v0;
	v1 =	vadd.f32 v48, v1  }
0x1ad: {  	v63 =	vadd.f32 v29, v4;
	v4 =	vor.u32 $0x37, v59  }
0x1ae: {  	v61 =	vmul.f32 v29, v29;
	v29 =	vadd.f32 v47, v53;
	v1 =	vadd.f32 v58, v1  }
0x1af: {  	v46 =	vadd.f32 v35, v63  }
0x1b0: {  	v45 =	vmul.f32 v35, v35;
	[tilespmem:$0x10120] =	vst v29;
	v1 =	vadd.f32 v61, v1  }
0x1b1: {  	v48 =	vld.idx.msk [tilespmem:v62+s11+$0x0], $0xffff;
	v5 =	vadd.f32 v34, v46  }
0x1b2: {  	v47 =	vmul.f32 v34, v34;
	v58 =	vld.idx.msk [tilespmem:v4+s16+$0x0], $0xffff;
	v1 =	vadd.f32 v45, v1  }
0x1b3: {  	v5 =	vadd.f32 v32, v5  }
0x1b4: {  	v53 =	vmul.f32 v32, v32;
	v1 =	vadd.f32 v47, v1  }
0x1b5: {  	v62 =	vor.u32 $0x38, v0;
	v5 =	vadd.f32 v31, v5  }
0x1b6: {  	v39 =	vor.u32 $0x38, v59;
	v61 =	vmul.f32 v31, v31;
	v1 =	vadd.f32 v53, v1  }
0x1b7: {  	v63 =	vmul.f32 v30, v30;
	v5 =	vadd.f32 v30, v5;
	v30 =	vadd.f32 v48, v58  }
0x1b8: {  	v1 =	vadd.f32 v61, v1  }
0x1b9: {  	v5 =	vadd.f32 v28, v5;
	[tilespmem:$0x10130] =	vst v30  }
0x1ba: {  	v32 =	vmul.f32 v28, v28;
	v34 =	vld.idx.msk [tilespmem:v62+s11+$0x0], $0xffff;
	v1 =	vadd.f32 v63, v1  }
0x1bb: {  	v36 =	vld.idx.msk [tilespmem:v39+s16+$0x0], $0xffff;
	v5 =	vadd.f32 v27, v5  }
0x1bc: {  	v35 =	vmul.f32 v27, v27;
	v1 =	vadd.f32 v32, v1  }
0x1bd: {  	v5 =	vadd.f32 v26, v5  }
0x1be: {  	v37 =	vmul.f32 v26, v26;
	v48 =	vor.u32 $0x39, v0;
	v1 =	vadd.f32 v35, v1  }
0x1bf: {  	v46 =	vor.u32 $0x39, v59;
	v5 =	vadd.f32 v25, v5  }
0x1c0: {  	v41 =	vmul.f32 v25, v25;
	v2 =	vadd.f32 v34, v36;
	v1 =	vadd.f32 v37, v1  }
0x1c1: {  	v5 =	vadd.f32 v24, v5  }
0x1c2: {  	v53 =	vmul.f32 v24, v24;
	[tilespmem:$0x10140] =	vst v2;
	v1 =	vadd.f32 v41, v1  }
0x1c3: {  	v61 =	vld.idx.msk [tilespmem:v48+s11+$0x0], $0xffff;
	v5 =	vadd.f32 v23, v5  }
0x1c4: {  	v58 =	vmul.f32 v23, v23;
	v63 =	vld.idx.msk [tilespmem:v46+s16+$0x0], $0xffff;
	v1 =	vadd.f32 v53, v1  }
0x1c5: {  	v5 =	vadd.f32 v22, v5  }
0x1c6: {  	v62 =	vmul.f32 v22, v22;
	v1 =	vadd.f32 v58, v1  }
0x1c7: {  	v27 =	vor.u32 $0x3A, v0;
	v5 =	vadd.f32 v21, v5  }
0x1c8: {  	v26 =	vmul.f32 v21, v21;
	v53 =	vor.u32 $0x3A, v59;
	v1 =	vadd.f32 v62, v1  }
0x1c9: {  	v28 =	vmul.f32 v20, v20;
	v5 =	vadd.f32 v20, v5;
	v20 =	vadd.f32 v61, v63  }
0x1ca: {  	v1 =	vadd.f32 v26, v1  }
0x1cb: {  	v5 =	vadd.f32 v19, v5;
	[tilespmem:$0x10150] =	vst v20  }
0x1cc: {  	v31 =	vmul.f32 v19, v19;
	v32 =	vld.idx.msk [tilespmem:v27+s11+$0x0], $0xffff;
	v1 =	vadd.f32 v28, v1  }
0x1cd: {  	v35 =	vld.idx.msk [tilespmem:v53+s16+$0x0], $0xffff;
	v5 =	vadd.f32 v18, v5  }
0x1ce: {  	v34 =	vmul.f32 v18, v18;
	v1 =	vadd.f32 v31, v1  }
0x1cf: {  	v5 =	vadd.f32 v17, v5  }
0x1d0: {  	v36 =	vmul.f32 v17, v17;
	v41 =	vor.u32 $0x3B, v0;
	v1 =	vadd.f32 v34, v1  }
0x1d1: {  	v58 =	vor.u32 $0x3B, v59;
	v5 =	vadd.f32 v16, v5  }
0x1d2: {  	v37 =	vmul.f32 v16, v16;
	v16 =	vadd.f32 v32, v35;
	v1 =	vadd.f32 v36, v1  }
0x1d3: {  	v5 =	vadd.f32 v15, v5  }
0x1d4: {  	v45 =	vmul.f32 v15, v15;
	[tilespmem:$0x10160] =	vst v16;
	v1 =	vadd.f32 v37, v1  }
0x1d5: {  	v48 =	vld.idx.msk [tilespmem:v41+s11+$0x0], $0xffff;
	v5 =	vadd.f32 v14, v5  }
0x1d6: {  	v47 =	vmul.f32 v14, v14;
	v21 =	vld.idx.msk [tilespmem:v58+s16+$0x0], $0xffff;
	v1 =	vadd.f32 v45, v1  }
0x1d7: {  	v5 =	vadd.f32 v13, v5  }
0x1d8: {  	v63 =	vmul.f32 v13, v13;
	v1 =	vadd.f32 v47, v1  }
0x1d9: {  	v23 =	vor.u32 $0x3C, v0;
	v5 =	vadd.f32 v12, v5  }
0x1da: {  	v22 =	vmul.f32 v12, v12;
	v61 =	vor.u32 $0x3C, v59;
	v1 =	vadd.f32 v63, v1  }
0x1db: {  	v24 =	vmul.f32 v11, v11;
	v5 =	vadd.f32 v11, v5;
	v11 =	vadd.f32 v48, v21  }
0x1dc: {  	v1 =	vadd.f32 v22, v1  }
0x1dd: {  	v5 =	vadd.f32 v10, v5;
	[tilespmem:$0x10170] =	vst v11  }
0x1de: {  	v25 =	vmul.f32 v10, v10;
	v26 =	vld.idx.msk [tilespmem:v23+s11+$0x0], $0xffff;
	v1 =	vadd.f32 v24, v1  }
0x1df: {  	v28 =	vld.idx.msk [tilespmem:v61+s16+$0x0], $0xffff;
	v5 =	vadd.f32 v9, v5  }
0x1e0: {  	v27 =	vmul.f32 v9, v9;
	v1 =	vadd.f32 v25, v1  }
0x1e1: {  	v5 =	vadd.f32 v8, v5  }
0x1e2: {  	v31 =	vmul.f32 v8, v8;
	v34 =	vor.u32 $0x3D, v0;
	v1 =	vadd.f32 v27, v1  }
0x1e3: {  	v62 =	vor.u32 $0x3D, v59;
	v5 =	vadd.f32 v7, v5  }
0x1e4: {  	v32 =	vmul.f32 v7, v7;
	v35 =	vadd.f32 v26, v28;
	v1 =	vadd.f32 v31, v1  }
0x1e5: {  	v5 =	vadd.f32 v6, v5  }
0x1e6: {  	v36 =	vmul.f32 v6, v6;
	[tilespmem:$0x10180] =	vst v35;
	v1 =	vadd.f32 v32, v1  }
0x1e7: {  	v41 =	vld.idx.msk [tilespmem:v34+s11+$0x0], $0xffff;
	v5 =	vadd.f32 v42, v5  }
0x1e8: {  	v37 =	vmul.f32 v42, v42;
	v45 =	vld.idx.msk [tilespmem:v62+s16+$0x0], $0xffff;
	v1 =	vadd.f32 v36, v1  }
0x1e9: {  	v5 =	vadd.f32 v38, v5  }
0x1ea: {  	v42 =	vmul.f32 v38, v38;
	v1 =	vadd.f32 v37, v1  }
0x1eb: {  	v48 =	vor.u32 $0x3E, v0;
	v5 =	vadd.f32 v40, v5  }
0x1ec: {  	v47 =	vmul.f32 v40, v40;
	v63 =	vor.u32 $0x3E, v59;
	v1 =	vadd.f32 v42, v1  }
0x1ed: {  	v8 =	vadd.f32 v41, v45;
	v5 =	vadd.f32 v33, v5  }
0x1ee: {  	v12 =	vmul.f32 v33, v33;
	v1 =	vadd.f32 v47, v1  }
0x1ef: {  	[tilespmem:$0x10190] =	vst v8;
	v5 =	vadd.f32 v29, v5  }
0x1f0: {  	v13 =	vmul.f32 v29, v29;
	v14 =	vld.idx.msk [tilespmem:v48+s11+$0x0], $0xffff;
	v1 =	vadd.f32 v12, v1  }
0x1f1: {  	v17 =	vld.idx.msk [tilespmem:v63+s16+$0x0], $0xffff;
	v5 =	vadd.f32 v30, v5  }
0x1f2: {  	v15 =	vmul.f32 v30, v30;
	v1 =	vadd.f32 v13, v1  }
0x1f3: {  	v18 =	vmul.f32 v2, v2;
	v2 =	vadd.f32 v2, v5  }
0x1f4: {  	v0 =	vor.u32 $0x3F, v0;
	v1 =	vadd.f32 v15, v1  }
0x1f5: {  	v21 =	vadd.f32 v20, v2;
	v2 =	vor.u32 $0x3F, v59  }
0x1f6: {  	v19 =	vmul.f32 v20, v20;
	v22 =	vadd.f32 v14, v17;
	v1 =	vadd.f32 v18, v1;
	_ =	sdelay $0x1  }
0x1f7: {  	v23 =	vmul.f32 v16, v16;
	[tilespmem:$0x101A0] =	vst v22;
	v9 =	vadd.f32 v16, v21;
	v1 =	vadd.f32 v19, v1  }
0x1f8: {  	v0 =	vld.idx.msk [tilespmem:v0+s11+$0x0], $0xffff  }
0x1f9: {  	v24 =	vmul.f32 v11, v11;
	v9 =	vadd.f32 v11, v9;
	v26 =	vld.idx.msk [tilespmem:v2+s16+$0x0], $0xffff;
	v1 =	vadd.f32 v23, v1;
	_ =	sdelay $0x1  }
0x1fa: {  	v25 =	vmul.f32 v35, v35;
	v7 =	vadd.f32 v35, v9;
	v1 =	vadd.f32 v24, v1;
	_ =	sdelay $0x1  }
0x1fb: {  	v28 =	vmul.f32 v8, v8;
	v7 =	vadd.f32 v8, v7;
	v1 =	vadd.f32 v25, v1  }
0x1fc: {  	v0 =	vadd.f32 v0, v26  }
0x1fd: {  	v5 =	vmul.f32 v22, v22;
	v30 =	vadd.f32 v22, v7;
	v1 =	vadd.f32 v28, v1;
	_ =	sdelay $0x1  }
0x1fe: {  	v31 =	vadd.f32 v0, v30;
	v32 =	vmul.f32 v0, v0;
	v1 =	vadd.f32 v5, v1;
	_ =	sdelay $0x1  }
0x1ff: {  	v6 =	vadd.f32 v32, v1;
	v1 =	vmul.f32 $1.562500000e-02, v31;
	_ =	sdelay $0x1  }
0x200: {  	v33 =	vmul.f32 $1.562500000e-02, v6;
	v34 =	vmul.f32 v1, v1;
	_ =	sdelay $0x1  }
0x201: {  	v5 =	vsub.f32 v33, v34;
	_ =	sdelay $0x1  }
0x202: {  	v5 =	vadd.f32 $9.999999740e-06, v5;
	_ =	sdelay $0x1  }
0x203: {  	v35 =	vshra.s32 v5, $0x1;
	v5 =	vmul.f32 $5.000000000e-01, v5  }
0x204: {  	v6 =	vsub.s32 $0x5F3759DF, v35  }
0x205: {  	v36 =	vmul.f32 v6, v5;
	_ =	sdelay $0x1  }
0x206: {  	v7 =	vmul.f32 v6, v36;
	_ =	sdelay $0x1  }
0x207: {  	v7 =	vsub.f32 $1.500000000e+00, v7;
	_ =	sdelay $0x1  }
0x208: {  	v6 =	vmul.f32 v6, v7;
	_ =	sdelay $0x1  }
0x209: {  	v7 =	vmul.f32 v6, v5;
	_ =	sdelay $0x1  }
0x20a: {  	v7 =	vmul.f32 v7, v6;
	_ =	sdelay $0x1  }
0x20b: {  	v7 =	vsub.f32 $1.500000000e+00, v7;
	_ =	sdelay $0x1  }
0x20c: {  	v6 =	vmul.f32 v7, v6;
	_ =	sdelay $0x1  }
0x20d: {  	v5 =	vmul.f32 v6, v5;
	_ =	sdelay $0x1  }
0x20e: {  	v5 =	vmul.f32 v5, v6;
	_ =	sdelay $0x1  }
0x20f: {  	[tilespmem:$0x101B0] =	vst v0;
	v37 =	vsub.f32 $1.500000000e+00, v5  }
0x210: {  	v38 =	vld.msk [tilespmem:s13+$0x0], $0xffff  }
0x211: {  	v40 =	vsub.f32 v60, v1;
	v0 =	vmul.f32 v37, v6  }
0x212: {  	v41 =	vld.msk [tilespmem:s14+$0x0], $0xffff  }
0x213: {  	v6 =	vmul.f32 v0, v40;
	_ =	sdelay $0x1  }
0x214: {  	v5 =	vmul.f32 v6, v38;
	_ =	sdelay $0x1  }
0x215: {  	v5 =	vadd.f32 v5, v41;
	_ =	sdelay $0x1  }
0x216: {  	v27 =	vimm.s32 $0x1;
	[tilespmem:v59+s16+$0x0] =	vst.idx.msk $0xffff, v5  }
0x217: {  	v5 =	vld [tilespmem:$0xFDD0];
	_ =	sdelay $0x3  }
0x218: {  	v42 =	vld.idx.msk [tilespmem:v27+s13+$0x0], $0xffff  }
0x219: {  	v5 =	vsub.f32 v5, v1  }
0x21a: {  	v45 =	vld.idx.msk [tilespmem:v27+s14+$0x0], $0xffff  }
0x21b: {  	v5 =	vmul.f32 v0, v5;
	_ =	sdelay $0x1  }
0x21c: {  	v5 =	vmul.f32 v5, v42;
	_ =	sdelay $0x1  }
0x21d: {  	v5 =	vadd.f32 v5, v45;
	_ =	sdelay $0x1  }
0x21e: {  	v47 =	vimm.s32 $0x2;
	[tilespmem:v57+s16+$0x0] =	vst.idx.msk $0xffff, v5  }
0x21f: {  	v5 =	vld [tilespmem:$0xFDE0];
	_ =	sdelay $0x3  }
0x220: {  	v48 =	vld.idx.msk [tilespmem:v47+s13+$0x0], $0xffff  }
0x221: {  	v5 =	vsub.f32 v5, v1  }
0x222: {  	v57 =	vld.idx.msk [tilespmem:v47+s14+$0x0], $0xffff  }
0x223: {  	v5 =	vmul.f32 v0, v5;
	_ =	sdelay $0x1  }
0x224: {  	v5 =	vmul.f32 v5, v48;
	_ =	sdelay $0x1  }
0x225: {  	v5 =	vadd.f32 v5, v57;
	_ =	sdelay $0x1  }
0x226: {  	v59 =	vimm.s32 $0x3;
	[tilespmem:v56+s16+$0x0] =	vst.idx.msk $0xffff, v5  }
0x227: {  	v5 =	vld [tilespmem:$0xFDF0];
	_ =	sdelay $0x3  }
0x228: {  	v60 =	vld.idx.msk [tilespmem:v59+s13+$0x0], $0xffff  }
0x229: {  	v5 =	vsub.f32 v5, v1  }
0x22a: {  	v12 =	vld.idx.msk [tilespmem:v59+s14+$0x0], $0xffff  }
0x22b: {  	v5 =	vmul.f32 v0, v5;
	_ =	sdelay $0x1  }
0x22c: {  	v5 =	vmul.f32 v5, v60;
	_ =	sdelay $0x1  }
0x22d: {  	v5 =	vadd.f32 v5, v12;
	_ =	sdelay $0x1  }
0x22e: {  	v13 =	vimm.s32 $0x4;
	[tilespmem:v55+s16+$0x0] =	vst.idx.msk $0xffff, v5  }
0x22f: {  	v5 =	vld [tilespmem:$0xFE00];
	_ =	sdelay $0x3  }
0x230: {  	v14 =	vld.idx.msk [tilespmem:v13+s13+$0x0], $0xffff  }
0x231: {  	v5 =	vsub.f32 v5, v1  }
0x232: {  	v15 =	vld.idx.msk [tilespmem:v13+s14+$0x0], $0xffff  }
0x233: {  	v5 =	vmul.f32 v0, v5;
	_ =	sdelay $0x1  }
0x234: {  	v5 =	vmul.f32 v5, v14;
	_ =	sdelay $0x1  }
0x235: {  	v5 =	vadd.f32 v5, v15;
	_ =	sdelay $0x1  }
0x236: {  	v16 =	vimm.s32 $0x5;
	[tilespmem:v54+s16+$0x0] =	vst.idx.msk $0xffff, v5  }
0x237: {  	v5 =	vld [tilespmem:$0xFE10];
	_ =	sdelay $0x3  }
0x238: {  	v17 =	vld.idx.msk [tilespmem:v16+s13+$0x0], $0xffff  }
0x239: {  	v5 =	vsub.f32 v5, v1  }
0x23a: {  	v18 =	vld.idx.msk [tilespmem:v16+s14+$0x0], $0xffff  }
0x23b: {  	v5 =	vmul.f32 v0, v5;
	_ =	sdelay $0x1  }
0x23c: {  	v5 =	vmul.f32 v5, v17;
	_ =	sdelay $0x1  }
0x23d: {  	v5 =	vadd.f32 v5, v18;
	_ =	sdelay $0x1  }
0x23e: {  	v29 =	vimm.s32 $0x6;
	[tilespmem:v52+s16+$0x0] =	vst.idx.msk $0xffff, v5  }
0x23f: {  	v5 =	vld [tilespmem:$0xFE20];
	_ =	sdelay $0x3  }
0x240: {  	v19 =	vld.idx.msk [tilespmem:v29+s13+$0x0], $0xffff  }
0x241: {  	v5 =	vsub.f32 v5, v1  }
0x242: {  	v20 =	vld.idx.msk [tilespmem:v29+s14+$0x0], $0xffff  }
0x243: {  	v5 =	vmul.f32 v5, v0;
	_ =	sdelay $0x1  }
0x244: {  	v5 =	vmul.f32 v5, v19;
	_ =	sdelay $0x1  }
0x245: {  	v5 =	vadd.f32 v5, v20;
	_ =	sdelay $0x1  }
0x246: {  	v21 =	vimm.s32 $0x7;
	[tilespmem:v51+s16+$0x0] =	vst.idx.msk $0xffff, v5  }
0x247: {  	v5 =	vld [tilespmem:$0xFE30];
	_ =	sdelay $0x3  }
0x248: {  	v22 =	vld.idx.msk [tilespmem:v21+s13+$0x0], $0xffff  }
0x249: {  	v5 =	vsub.f32 v5, v1  }
0x24a: {  	v23 =	vld.idx.msk [tilespmem:v21+s14+$0x0], $0xffff  }
0x24b: {  	v5 =	vmul.f32 v5, v0;
	_ =	sdelay $0x1  }
0x24c: {  	v5 =	vmul.f32 v5, v22;
	_ =	sdelay $0x1  }
0x24d: {  	v5 =	vadd.f32 v5, v23;
	_ =	sdelay $0x1  }
0x24e: {  	v24 =	vimm.s32 $0x8;
	[tilespmem:v50+s16+$0x0] =	vst.idx.msk $0xffff, v5  }
0x24f: {  	v5 =	vld [tilespmem:$0xFE40];
	_ =	sdelay $0x3  }
0x250: {  	v25 =	vld.idx.msk [tilespmem:v24+s13+$0x0], $0xffff  }
0x251: {  	v28 =	vld [tilespmem:$0x1FD50];
	v5 =	vsub.f32 v5, v1  }
0x252: {  	v26 =	vld.idx.msk [tilespmem:v24+s14+$0x0], $0xffff  }
0x253: {  	v5 =	vmul.f32 v5, v0;
	_ =	sdelay $0x1  }
0x254: {  	v5 =	vmul.f32 v5, v25;
	_ =	sdelay $0x1  }
0x255: {  	v5 =	vadd.f32 v5, v26;
	_ =	sdelay $0x1  }
0x256: {  	v27 =	vimm.s32 $0x9;
	[tilespmem:v28+s16+$0x0] =	vst.idx.msk $0xffff, v5  }
0x257: {  	v5 =	vld [tilespmem:$0xFE50];
	_ =	sdelay $0x3  }
0x258: {  	v6 =	vld.idx.msk [tilespmem:v27+s13+$0x0], $0xffff  }
0x259: {  	v31 =	vld [tilespmem:$0x1FD60];
	v5 =	vsub.f32 v5, v1  }
0x25a: {  	v29 =	vld.idx.msk [tilespmem:v27+s14+$0x0], $0xffff  }
0x25b: {  	v5 =	vmul.f32 v5, v0;
	_ =	sdelay $0x1  }
0x25c: {  	v5 =	vmul.f32 v5, v6;
	_ =	sdelay $0x1  }
0x25d: {  	v5 =	vadd.f32 v5, v29;
	_ =	sdelay $0x1  }
0x25e: {  	v30 =	vimm.s32 $0xA;
	[tilespmem:v31+s16+$0x0] =	vst.idx.msk $0xffff, v5  }
0x25f: {  	v5 =	vld [tilespmem:$0xFE60];
	_ =	sdelay $0x3  }
0x260: {  	v6 =	vld.idx.msk [tilespmem:v30+s13+$0x0], $0xffff  }
0x261: {  	v34 =	vld [tilespmem:$0x1FD70];
	v5 =	vsub.f32 v5, v1  }
0x262: {  	v32 =	vld.idx.msk [tilespmem:v30+s14+$0x0], $0xffff  }
0x263: {  	v5 =	vmul.f32 v5, v0;
	_ =	sdelay $0x1  }
0x264: {  	v5 =	vmul.f32 v5, v6;
	_ =	sdelay $0x1  }
0x265: {  	v5 =	vadd.f32 v5, v32;
	_ =	sdelay $0x1  }
0x266: {  	v33 =	vimm.s32 $0xB;
	[tilespmem:v34+s16+$0x0] =	vst.idx.msk $0xffff, v5  }
0x267: {  	v5 =	vld [tilespmem:$0xFE70];
	_ =	sdelay $0x3  }
0x268: {  	v6 =	vld.idx.msk [tilespmem:v33+s13+$0x0], $0xffff  }
0x269: {  	v37 =	vld [tilespmem:$0x1FD80];
	v5 =	vsub.f32 v5, v1  }
0x26a: {  	v35 =	vld.idx.msk [tilespmem:v33+s14+$0x0], $0xffff  }
0x26b: {  	v5 =	vmul.f32 v5, v0;
	_ =	sdelay $0x1  }
0x26c: {  	v5 =	vmul.f32 v5, v6;
	_ =	sdelay $0x1  }
0x26d: {  	v5 =	vadd.f32 v5, v35;
	_ =	sdelay $0x1  }
0x26e: {  	v36 =	vimm.s32 $0xC;
	[tilespmem:v37+s16+$0x0] =	vst.idx.msk $0xffff, v5  }
0x26f: {  	v5 =	vld [tilespmem:$0xFE80];
	_ =	sdelay $0x3  }
0x270: {  	v6 =	vld.idx.msk [tilespmem:v36+s13+$0x0], $0xffff  }
0x271: {  	v41 =	vld [tilespmem:$0x1FD90];
	v5 =	vsub.f32 v5, v1  }
0x272: {  	v38 =	vld.idx.msk [tilespmem:v36+s14+$0x0], $0xffff  }
0x273: {  	v5 =	vmul.f32 v5, v0;
	_ =	sdelay $0x1  }
0x274: {  	v5 =	vmul.f32 v5, v6;
	_ =	sdelay $0x1  }
0x275: {  	v5 =	vadd.f32 v5, v38;
	_ =	sdelay $0x1  }
0x276: {  	v40 =	vimm.s32 $0xD;
	[tilespmem:v41+s16+$0x0] =	vst.idx.msk $0xffff, v5  }
0x277: {  	v5 =	vld [tilespmem:$0xFE90];
	_ =	sdelay $0x3  }
0x278: {  	v6 =	vld.idx.msk [tilespmem:v40+s13+$0x0], $0xffff  }
0x279: {  	v47 =	vld [tilespmem:$0x1FDA0];
	v5 =	vsub.f32 v5, v1  }
0x27a: {  	v42 =	vld.idx.msk [tilespmem:v40+s14+$0x0], $0xffff  }
0x27b: {  	v5 =	vmul.f32 v5, v0;
	_ =	sdelay $0x1  }
0x27c: {  	v5 =	vmul.f32 v5, v6;
	_ =	sdelay $0x1  }
0x27d: {  	v5 =	vadd.f32 v5, v42;
	_ =	sdelay $0x1  }
0x27e: {  	v45 =	vimm.s32 $0xE;
	[tilespmem:v47+s16+$0x0] =	vst.idx.msk $0xffff, v5  }
0x27f: {  	v5 =	vld [tilespmem:$0xFEA0];
	_ =	sdelay $0x3  }
0x280: {  	v6 =	vld.idx.msk [tilespmem:v45+s13+$0x0], $0xffff  }
0x281: {  	v51 =	vld [tilespmem:$0x1FDB0];
	v5 =	vsub.f32 v5, v1  }
0x282: {  	v48 =	vld.idx.msk [tilespmem:v45+s14+$0x0], $0xffff  }
0x283: {  	v5 =	vmul.f32 v5, v0;
	_ =	sdelay $0x1  }
0x284: {  	v5 =	vmul.f32 v5, v6;
	_ =	sdelay $0x1  }
0x285: {  	v5 =	vadd.f32 v5, v48;
	_ =	sdelay $0x1  }
0x286: {  	v50 =	vimm.s32 $0xF;
	[tilespmem:v51+s16+$0x0] =	vst.idx.msk $0xffff, v5  }
0x287: {  	v5 =	vld [tilespmem:$0xFEB0];
	_ =	sdelay $0x3  }
0x288: {  	v6 =	vld.idx.msk [tilespmem:v50+s13+$0x0], $0xffff  }
0x289: {  	v55 =	vld [tilespmem:$0x1FDC0];
	v5 =	vsub.f32 v5, v1  }
0x28a: {  	v52 =	vld.idx.msk [tilespmem:v50+s14+$0x0], $0xffff  }
0x28b: {  	v5 =	vmul.f32 v5, v0;
	_ =	sdelay $0x1  }
0x28c: {  	v5 =	vmul.f32 v5, v6;
	_ =	sdelay $0x1  }
0x28d: {  	v5 =	vadd.f32 v5, v52;
	_ =	sdelay $0x1  }
0x28e: {  	v54 =	vimm.s32 $0x10;
	[tilespmem:v55+s16+$0x0] =	vst.idx.msk $0xffff, v5  }
0x28f: {  	v5 =	vld [tilespmem:$0xFEC0];
	_ =	sdelay $0x3  }
0x290: {  	v6 =	vld.idx.msk [tilespmem:v54+s13+$0x0], $0xffff  }
0x291: {  	v59 =	vld [tilespmem:$0x1FDD0];
	v5 =	vsub.f32 v5, v1  }
0x292: {  	v56 =	vld.idx.msk [tilespmem:v54+s14+$0x0], $0xffff  }
0x293: {  	v5 =	vmul.f32 v5, v0;
	_ =	sdelay $0x1  }
0x294: {  	v5 =	vmul.f32 v5, v6;
	_ =	sdelay $0x1  }
0x295: {  	v5 =	vadd.f32 v5, v56;
	_ =	sdelay $0x1  }
0x296: {  	v57 =	vimm.s32 $0x11;
	[tilespmem:v59+s16+$0x0] =	vst.idx.msk $0xffff, v5  }
0x297: {  	v5 =	vld [tilespmem:$0xFED0];
	_ =	sdelay $0x3  }
0x298: {  	v6 =	vld.idx.msk [tilespmem:v57+s13+$0x0], $0xffff  }
0x299: {  	v13 =	vld [tilespmem:$0x1FDE0];
	v5 =	vsub.f32 v5, v1  }
0x29a: {  	v60 =	vld.idx.msk [tilespmem:v57+s14+$0x0], $0xffff  }
0x29b: {  	v5 =	vmul.f32 v5, v0;
	_ =	sdelay $0x1  }
0x29c: {  	v5 =	vmul.f32 v5, v6;
	_ =	sdelay $0x1  }
0x29d: {  	v5 =	vadd.f32 v5, v60;
	_ =	sdelay $0x1  }
0x29e: {  	v12 =	vimm.s32 $0x12;
	[tilespmem:v13+s16+$0x0] =	vst.idx.msk $0xffff, v5  }
0x29f: {  	v5 =	vld [tilespmem:$0xFEE0];
	_ =	sdelay $0x3  }
0x2a0: {  	v6 =	vld.idx.msk [tilespmem:v12+s13+$0x0], $0xffff  }
0x2a1: {  	v16 =	vld [tilespmem:$0x1FDF0];
	v5 =	vsub.f32 v5, v1  }
0x2a2: {  	v14 =	vld.idx.msk [tilespmem:v12+s14+$0x0], $0xffff  }
0x2a3: {  	v5 =	vmul.f32 v5, v0;
	_ =	sdelay $0x1  }
0x2a4: {  	v5 =	vmul.f32 v5, v6;
	_ =	sdelay $0x1  }
0x2a5: {  	v5 =	vadd.f32 v5, v14;
	_ =	sdelay $0x1  }
0x2a6: {  	v15 =	vimm.s32 $0x13;
	[tilespmem:v16+s16+$0x0] =	vst.idx.msk $0xffff, v5  }
0x2a7: {  	v5 =	vld [tilespmem:$0xFEF0];
	_ =	sdelay $0x3  }
0x2a8: {  	v6 =	vld.idx.msk [tilespmem:v15+s13+$0x0], $0xffff  }
0x2a9: {  	v19 =	vld [tilespmem:$0x1FE00];
	v5 =	vsub.f32 v5, v1  }
0x2aa: {  	v17 =	vld.idx.msk [tilespmem:v15+s14+$0x0], $0xffff  }
0x2ab: {  	v5 =	vmul.f32 v5, v0;
	_ =	sdelay $0x1  }
0x2ac: {  	v5 =	vmul.f32 v5, v6;
	_ =	sdelay $0x1  }
0x2ad: {  	v5 =	vadd.f32 v5, v17;
	_ =	sdelay $0x1  }
0x2ae: {  	v18 =	vimm.s32 $0x14;
	[tilespmem:v19+s16+$0x0] =	vst.idx.msk $0xffff, v5  }
0x2af: {  	v5 =	vld [tilespmem:$0xFF00];
	_ =	sdelay $0x3  }
0x2b0: {  	v6 =	vld.idx.msk [tilespmem:v18+s13+$0x0], $0xffff  }
0x2b1: {  	v22 =	vld [tilespmem:$0x1FE10];
	v5 =	vsub.f32 v5, v1  }
0x2b2: {  	v20 =	vld.idx.msk [tilespmem:v18+s14+$0x0], $0xffff  }
0x2b3: {  	v5 =	vmul.f32 v5, v0;
	_ =	sdelay $0x1  }
0x2b4: {  	v5 =	vmul.f32 v5, v6;
	_ =	sdelay $0x1  }
0x2b5: {  	v5 =	vadd.f32 v5, v20;
	_ =	sdelay $0x1  }
0x2b6: {  	v21 =	vimm.s32 $0x15;
	[tilespmem:v22+s16+$0x0] =	vst.idx.msk $0xffff, v5  }
0x2b7: {  	v5 =	vld [tilespmem:$0xFF10];
	_ =	sdelay $0x3  }
0x2b8: {  	v6 =	vld.idx.msk [tilespmem:v21+s13+$0x0], $0xffff  }
0x2b9: {  	v25 =	vld [tilespmem:$0x1FE20];
	v5 =	vsub.f32 v5, v1  }
0x2ba: {  	v23 =	vld.idx.msk [tilespmem:v21+s14+$0x0], $0xffff  }
0x2bb: {  	v5 =	vmul.f32 v5, v0;
	_ =	sdelay $0x1  }
0x2bc: {  	v5 =	vmul.f32 v5, v6;
	_ =	sdelay $0x1  }
0x2bd: {  	v5 =	vadd.f32 v5, v23;
	_ =	sdelay $0x1  }
0x2be: {  	v24 =	vimm.s32 $0x16;
	[tilespmem:v25+s16+$0x0] =	vst.idx.msk $0xffff, v5  }
0x2bf: {  	v5 =	vld [tilespmem:$0xFF20];
	_ =	sdelay $0x3  }
0x2c0: {  	v6 =	vld.idx.msk [tilespmem:v24+s13+$0x0], $0xffff  }
0x2c1: {  	v28 =	vld [tilespmem:$0x1FE30];
	v5 =	vsub.f32 v5, v1  }
0x2c2: {  	v26 =	vld.idx.msk [tilespmem:v24+s14+$0x0], $0xffff  }
0x2c3: {  	v5 =	vmul.f32 v5, v0;
	_ =	sdelay $0x1  }
0x2c4: {  	v5 =	vmul.f32 v5, v6;
	_ =	sdelay $0x1  }
0x2c5: {  	v5 =	vadd.f32 v5, v26;
	_ =	sdelay $0x1  }
0x2c6: {  	v27 =	vimm.s32 $0x17;
	[tilespmem:v28+s16+$0x0] =	vst.idx.msk $0xffff, v5  }
0x2c7: {  	v5 =	vld [tilespmem:$0xFF30];
	_ =	sdelay $0x3  }
0x2c8: {  	v6 =	vld.idx.msk [tilespmem:v27+s13+$0x0], $0xffff  }
0x2c9: {  	v31 =	vld [tilespmem:$0x1FE40];
	v5 =	vsub.f32 v5, v1  }
0x2ca: {  	v29 =	vld.idx.msk [tilespmem:v27+s14+$0x0], $0xffff  }
0x2cb: {  	v5 =	vmul.f32 v5, v0;
	_ =	sdelay $0x1  }
0x2cc: {  	v5 =	vmul.f32 v5, v6;
	_ =	sdelay $0x1  }
0x2cd: {  	v5 =	vadd.f32 v5, v29;
	_ =	sdelay $0x1  }
0x2ce: {  	v30 =	vimm.s32 $0x18;
	[tilespmem:v31+s16+$0x0] =	vst.idx.msk $0xffff, v5  }
0x2cf: {  	v5 =	vld [tilespmem:$0xFF40];
	_ =	sdelay $0x3  }
0x2d0: {  	v6 =	vld.idx.msk [tilespmem:v30+s13+$0x0], $0xffff  }
0x2d1: {  	v34 =	vld [tilespmem:$0x1FE50];
	v5 =	vsub.f32 v5, v1  }
0x2d2: {  	v32 =	vld.idx.msk [tilespmem:v30+s14+$0x0], $0xffff  }
0x2d3: {  	v5 =	vmul.f32 v5, v0;
	_ =	sdelay $0x1  }
0x2d4: {  	v5 =	vmul.f32 v5, v6;
	_ =	sdelay $0x1  }
0x2d5: {  	v5 =	vadd.f32 v5, v32;
	_ =	sdelay $0x1  }
0x2d6: {  	v33 =	vimm.s32 $0x19;
	[tilespmem:v34+s16+$0x0] =	vst.idx.msk $0xffff, v5  }
0x2d7: {  	v5 =	vld [tilespmem:$0xFF50];
	_ =	sdelay $0x3  }
0x2d8: {  	v6 =	vld.idx.msk [tilespmem:v33+s13+$0x0], $0xffff  }
0x2d9: {  	v37 =	vld [tilespmem:$0x1FE60];
	v5 =	vsub.f32 v5, v1  }
0x2da: {  	v35 =	vld.idx.msk [tilespmem:v33+s14+$0x0], $0xffff  }
0x2db: {  	v5 =	vmul.f32 v5, v0;
	_ =	sdelay $0x1  }
0x2dc: {  	v5 =	vmul.f32 v5, v6;
	_ =	sdelay $0x1  }
0x2dd: {  	v5 =	vadd.f32 v5, v35;
	_ =	sdelay $0x1  }
0x2de: {  	v36 =	vimm.s32 $0x1A;
	[tilespmem:v37+s16+$0x0] =	vst.idx.msk $0xffff, v5  }
0x2df: {  	v5 =	vld [tilespmem:$0xFF60];
	_ =	sdelay $0x3  }
0x2e0: {  	v6 =	vld.idx.msk [tilespmem:v36+s13+$0x0], $0xffff  }
0x2e1: {  	v41 =	vld [tilespmem:$0x1FE70];
	v5 =	vsub.f32 v5, v1  }
0x2e2: {  	v38 =	vld.idx.msk [tilespmem:v36+s14+$0x0], $0xffff  }
0x2e3: {  	v5 =	vmul.f32 v5, v0;
	_ =	sdelay $0x1  }
0x2e4: {  	v5 =	vmul.f32 v5, v6;
	_ =	sdelay $0x1  }
0x2e5: {  	v5 =	vadd.f32 v5, v38;
	_ =	sdelay $0x1  }
0x2e6: {  	v40 =	vimm.s32 $0x1B;
	[tilespmem:v41+s16+$0x0] =	vst.idx.msk $0xffff, v5  }
0x2e7: {  	v5 =	vld [tilespmem:$0xFF70];
	_ =	sdelay $0x3  }
0x2e8: {  	v6 =	vld.idx.msk [tilespmem:v40+s13+$0x0], $0xffff  }
0x2e9: {  	v47 =	vld [tilespmem:$0x1FE80];
	v5 =	vsub.f32 v5, v1  }
0x2ea: {  	v42 =	vld.idx.msk [tilespmem:v40+s14+$0x0], $0xffff  }
0x2eb: {  	v5 =	vmul.f32 v5, v0;
	_ =	sdelay $0x1  }
0x2ec: {  	v5 =	vmul.f32 v5, v6;
	_ =	sdelay $0x1  }
0x2ed: {  	v5 =	vadd.f32 v5, v42;
	_ =	sdelay $0x1  }
0x2ee: {  	v45 =	vimm.s32 $0x1C;
	[tilespmem:v47+s16+$0x0] =	vst.idx.msk $0xffff, v5  }
0x2ef: {  	v5 =	vld [tilespmem:$0xFF80];
	_ =	sdelay $0x3  }
0x2f0: {  	v6 =	vld.idx.msk [tilespmem:v45+s13+$0x0], $0xffff  }
0x2f1: {  	v51 =	vld [tilespmem:$0x1FE90];
	v5 =	vsub.f32 v5, v1  }
0x2f2: {  	v48 =	vld.idx.msk [tilespmem:v45+s14+$0x0], $0xffff  }
0x2f3: {  	v5 =	vmul.f32 v5, v0;
	_ =	sdelay $0x1  }
0x2f4: {  	v5 =	vmul.f32 v5, v6;
	_ =	sdelay $0x1  }
0x2f5: {  	v5 =	vadd.f32 v5, v48;
	_ =	sdelay $0x1  }
0x2f6: {  	v50 =	vimm.s32 $0x1D;
	[tilespmem:v51+s16+$0x0] =	vst.idx.msk $0xffff, v5  }
0x2f7: {  	v5 =	vld [tilespmem:$0xFF90];
	_ =	sdelay $0x3  }
0x2f8: {  	v6 =	vld.idx.msk [tilespmem:v50+s13+$0x0], $0xffff  }
0x2f9: {  	v55 =	vld [tilespmem:$0x1FEA0];
	v5 =	vsub.f32 v5, v1  }
0x2fa: {  	v52 =	vld.idx.msk [tilespmem:v50+s14+$0x0], $0xffff  }
0x2fb: {  	v5 =	vmul.f32 v5, v0;
	_ =	sdelay $0x1  }
0x2fc: {  	v5 =	vmul.f32 v5, v6;
	_ =	sdelay $0x1  }
0x2fd: {  	v5 =	vadd.f32 v5, v52;
	_ =	sdelay $0x1  }
0x2fe: {  	v54 =	vimm.s32 $0x1E;
	[tilespmem:v55+s16+$0x0] =	vst.idx.msk $0xffff, v5  }
0x2ff: {  	v5 =	vld [tilespmem:$0xFFA0];
	_ =	sdelay $0x3  }
0x300: {  	v6 =	vld.idx.msk [tilespmem:v54+s13+$0x0], $0xffff  }
0x301: {  	v59 =	vld [tilespmem:$0x1FEB0];
	v5 =	vsub.f32 v5, v1  }
0x302: {  	v56 =	vld.idx.msk [tilespmem:v54+s14+$0x0], $0xffff  }
0x303: {  	v5 =	vmul.f32 v5, v0;
	_ =	sdelay $0x1  }
0x304: {  	v5 =	vmul.f32 v5, v6;
	_ =	sdelay $0x1  }
0x305: {  	v5 =	vadd.f32 v5, v56;
	_ =	sdelay $0x1  }
0x306: {  	v57 =	vimm.s32 $0x1F;
	[tilespmem:v59+s16+$0x0] =	vst.idx.msk $0xffff, v5  }
0x307: {  	v5 =	vld [tilespmem:$0xFFB0];
	_ =	sdelay $0x3  }
0x308: {  	v6 =	vld.idx.msk [tilespmem:v57+s13+$0x0], $0xffff  }
0x309: {  	v13 =	vld [tilespmem:$0x1FEC0];
	v5 =	vsub.f32 v5, v1  }
0x30a: {  	v60 =	vld.idx.msk [tilespmem:v57+s14+$0x0], $0xffff  }
0x30b: {  	v5 =	vmul.f32 v5, v0;
	_ =	sdelay $0x1  }
0x30c: {  	v5 =	vmul.f32 v5, v6;
	_ =	sdelay $0x1  }
0x30d: {  	v5 =	vadd.f32 v5, v60;
	_ =	sdelay $0x1  }
0x30e: {  	v12 =	vimm.s32 $0x20;
	[tilespmem:v13+s16+$0x0] =	vst.idx.msk $0xffff, v5  }
0x30f: {  	v5 =	vld [tilespmem:$0xFFC0];
	_ =	sdelay $0x3  }
0x310: {  	v6 =	vld.idx.msk [tilespmem:v12+s13+$0x0], $0xffff  }
0x311: {  	v16 =	vld [tilespmem:$0x1FED0];
	v5 =	vsub.f32 v5, v1  }
0x312: {  	v14 =	vld.idx.msk [tilespmem:v12+s14+$0x0], $0xffff  }
0x313: {  	v5 =	vmul.f32 v5, v0;
	_ =	sdelay $0x1  }
0x314: {  	v5 =	vmul.f32 v5, v6;
	_ =	sdelay $0x1  }
0x315: {  	v5 =	vadd.f32 v5, v14;
	_ =	sdelay $0x1  }
0x316: {  	v15 =	vimm.s32 $0x21;
	[tilespmem:v16+s16+$0x0] =	vst.idx.msk $0xffff, v5  }
0x317: {  	v5 =	vld [tilespmem:$0xFFD0];
	_ =	sdelay $0x3  }
0x318: {  	v6 =	vld.idx.msk [tilespmem:v15+s13+$0x0], $0xffff  }
0x319: {  	v19 =	vld [tilespmem:$0x1FEE0];
	v5 =	vsub.f32 v5, v1  }
0x31a: {  	v17 =	vld.idx.msk [tilespmem:v15+s14+$0x0], $0xffff  }
0x31b: {  	v5 =	vmul.f32 v5, v0;
	_ =	sdelay $0x1  }
0x31c: {  	v5 =	vmul.f32 v5, v6;
	_ =	sdelay $0x1  }
0x31d: {  	v5 =	vadd.f32 v5, v17;
	_ =	sdelay $0x1  }
0x31e: {  	v18 =	vimm.s32 $0x22;
	[tilespmem:v19+s16+$0x0] =	vst.idx.msk $0xffff, v5  }
0x31f: {  	v5 =	vld [tilespmem:$0xFFE0];
	_ =	sdelay $0x3  }
0x320: {  	v6 =	vld.idx.msk [tilespmem:v18+s13+$0x0], $0xffff  }
0x321: {  	v22 =	vld [tilespmem:$0x1FEF0];
	v5 =	vsub.f32 v5, v1  }
0x322: {  	v20 =	vld.idx.msk [tilespmem:v18+s14+$0x0], $0xffff  }
0x323: {  	v5 =	vmul.f32 v5, v0;
	_ =	sdelay $0x1  }
0x324: {  	v5 =	vmul.f32 v5, v6;
	_ =	sdelay $0x1  }
0x325: {  	v5 =	vadd.f32 v5, v20;
	_ =	sdelay $0x1  }
0x326: {  	v21 =	vimm.s32 $0x23;
	[tilespmem:v22+s16+$0x0] =	vst.idx.msk $0xffff, v5  }
0x327: {  	v5 =	vld [tilespmem:$0xFFF0];
	_ =	sdelay $0x3  }
0x328: {  	v6 =	vld.idx.msk [tilespmem:v21+s13+$0x0], $0xffff  }
0x329: {  	v25 =	vld [tilespmem:$0x1FF00];
	v5 =	vsub.f32 v5, v1  }
0x32a: {  	v23 =	vld.idx.msk [tilespmem:v21+s14+$0x0], $0xffff  }
0x32b: {  	v5 =	vmul.f32 v5, v0;
	_ =	sdelay $0x1  }
0x32c: {  	v5 =	vmul.f32 v5, v6;
	_ =	sdelay $0x1  }
0x32d: {  	v5 =	vadd.f32 v5, v23;
	_ =	sdelay $0x1  }
0x32e: {  	v24 =	vimm.s32 $0x24;
	[tilespmem:v25+s16+$0x0] =	vst.idx.msk $0xffff, v5  }
0x32f: {  	v5 =	vld [tilespmem:$0x10000];
	_ =	sdelay $0x3  }
0x330: {  	v6 =	vld.idx.msk [tilespmem:v24+s13+$0x0], $0xffff  }
0x331: {  	v28 =	vld [tilespmem:$0x1FF10];
	v5 =	vsub.f32 v5, v1  }
0x332: {  	v26 =	vld.idx.msk [tilespmem:v24+s14+$0x0], $0xffff  }
0x333: {  	v5 =	vmul.f32 v5, v0;
	_ =	sdelay $0x1  }
0x334: {  	v5 =	vmul.f32 v5, v6;
	_ =	sdelay $0x1  }
0x335: {  	v5 =	vadd.f32 v5, v26;
	_ =	sdelay $0x1  }
0x336: {  	v27 =	vimm.s32 $0x25;
	[tilespmem:v28+s16+$0x0] =	vst.idx.msk $0xffff, v5  }
0x337: {  	v5 =	vld [tilespmem:$0x10010];
	_ =	sdelay $0x3  }
0x338: {  	v6 =	vld.idx.msk [tilespmem:v27+s13+$0x0], $0xffff  }
0x339: {  	v31 =	vld [tilespmem:$0x1FF20];
	v5 =	vsub.f32 v5, v1  }
0x33a: {  	v29 =	vld.idx.msk [tilespmem:v27+s14+$0x0], $0xffff  }
0x33b: {  	v5 =	vmul.f32 v5, v0;
	_ =	sdelay $0x1  }
0x33c: {  	v5 =	vmul.f32 v5, v6;
	_ =	sdelay $0x1  }
0x33d: {  	v5 =	vadd.f32 v5, v29;
	_ =	sdelay $0x1  }
0x33e: {  	v30 =	vimm.s32 $0x26;
	[tilespmem:v31+s16+$0x0] =	vst.idx.msk $0xffff, v5  }
0x33f: {  	v5 =	vld [tilespmem:$0x10020];
	_ =	sdelay $0x3  }
0x340: {  	v6 =	vld.idx.msk [tilespmem:v30+s13+$0x0], $0xffff  }
0x341: {  	v34 =	vld [tilespmem:$0x1FF30];
	v5 =	vsub.f32 v5, v1  }
0x342: {  	v32 =	vld.idx.msk [tilespmem:v30+s14+$0x0], $0xffff  }
0x343: {  	v5 =	vmul.f32 v5, v0;
	_ =	sdelay $0x1  }
0x344: {  	v5 =	vmul.f32 v5, v6;
	_ =	sdelay $0x1  }
0x345: {  	v5 =	vadd.f32 v5, v32;
	_ =	sdelay $0x1  }
0x346: {  	v33 =	vimm.s32 $0x27;
	[tilespmem:v34+s16+$0x0] =	vst.idx.msk $0xffff, v5  }
0x347: {  	v5 =	vld [tilespmem:$0x10030];
	_ =	sdelay $0x3  }
0x348: {  	v6 =	vld.idx.msk [tilespmem:v33+s13+$0x0], $0xffff  }
0x349: {  	v37 =	vld [tilespmem:$0x1FF40];
	v5 =	vsub.f32 v5, v1  }
0x34a: {  	v35 =	vld.idx.msk [tilespmem:v33+s14+$0x0], $0xffff  }
0x34b: {  	v5 =	vmul.f32 v5, v0;
	_ =	sdelay $0x1  }
0x34c: {  	v5 =	vmul.f32 v5, v6;
	_ =	sdelay $0x1  }
0x34d: {  	v5 =	vadd.f32 v5, v35;
	_ =	sdelay $0x1  }
0x34e: {  	v36 =	vimm.s32 $0x28;
	[tilespmem:v37+s16+$0x0] =	vst.idx.msk $0xffff, v5  }
0x34f: {  	v5 =	vld [tilespmem:$0x10040];
	_ =	sdelay $0x3  }
0x350: {  	v6 =	vld.idx.msk [tilespmem:v36+s13+$0x0], $0xffff  }
0x351: {  	v41 =	vld [tilespmem:$0x1FF50];
	v5 =	vsub.f32 v5, v1  }
0x352: {  	v38 =	vld.idx.msk [tilespmem:v36+s14+$0x0], $0xffff  }
0x353: {  	v5 =	vmul.f32 v5, v0;
	_ =	sdelay $0x1  }
0x354: {  	v5 =	vmul.f32 v5, v6;
	_ =	sdelay $0x1  }
0x355: {  	v5 =	vadd.f32 v5, v38;
	_ =	sdelay $0x1  }
0x356: {  	v40 =	vimm.s32 $0x29;
	[tilespmem:v41+s16+$0x0] =	vst.idx.msk $0xffff, v5  }
0x357: {  	v5 =	vld [tilespmem:$0x10050];
	_ =	sdelay $0x3  }
0x358: {  	v6 =	vld.idx.msk [tilespmem:v40+s13+$0x0], $0xffff  }
0x359: {  	v47 =	vld [tilespmem:$0x1FF60];
	v5 =	vsub.f32 v5, v1  }
0x35a: {  	v42 =	vld.idx.msk [tilespmem:v40+s14+$0x0], $0xffff  }
0x35b: {  	v5 =	vmul.f32 v5, v0;
	_ =	sdelay $0x1  }
0x35c: {  	v5 =	vmul.f32 v5, v6;
	_ =	sdelay $0x1  }
0x35d: {  	v5 =	vadd.f32 v5, v42;
	_ =	sdelay $0x1  }
0x35e: {  	v45 =	vimm.s32 $0x2A;
	[tilespmem:v47+s16+$0x0] =	vst.idx.msk $0xffff, v5  }
0x35f: {  	v5 =	vld [tilespmem:$0x10060];
	_ =	sdelay $0x3  }
0x360: {  	v6 =	vld.idx.msk [tilespmem:v45+s13+$0x0], $0xffff  }
0x361: {  	v51 =	vld [tilespmem:$0x1FF70];
	v5 =	vsub.f32 v5, v1  }
0x362: {  	v48 =	vld.idx.msk [tilespmem:v45+s14+$0x0], $0xffff  }
0x363: {  	v5 =	vmul.f32 v5, v0;
	_ =	sdelay $0x1  }
0x364: {  	v5 =	vmul.f32 v5, v6;
	_ =	sdelay $0x1  }
0x365: {  	v5 =	vadd.f32 v5, v48;
	_ =	sdelay $0x1  }
0x366: {  	v50 =	vimm.s32 $0x2B;
	[tilespmem:v51+s16+$0x0] =	vst.idx.msk $0xffff, v5  }
0x367: {  	v5 =	vld [tilespmem:$0x10070];
	_ =	sdelay $0x3  }
0x368: {  	v6 =	vld.idx.msk [tilespmem:v50+s13+$0x0], $0xffff  }
0x369: {  	v55 =	vld [tilespmem:$0x1FF80];
	v5 =	vsub.f32 v5, v1  }
0x36a: {  	v52 =	vld.idx.msk [tilespmem:v50+s14+$0x0], $0xffff  }
0x36b: {  	v5 =	vmul.f32 v5, v0;
	_ =	sdelay $0x1  }
0x36c: {  	v5 =	vmul.f32 v5, v6;
	_ =	sdelay $0x1  }
0x36d: {  	v5 =	vadd.f32 v5, v52;
	_ =	sdelay $0x1  }
0x36e: {  	v54 =	vimm.s32 $0x2C;
	[tilespmem:v55+s16+$0x0] =	vst.idx.msk $0xffff, v5  }
0x36f: {  	v5 =	vld [tilespmem:$0x10080];
	_ =	sdelay $0x3  }
0x370: {  	v6 =	vld.idx.msk [tilespmem:v54+s13+$0x0], $0xffff  }
0x371: {  	v59 =	vld [tilespmem:$0x1FF90];
	v5 =	vsub.f32 v5, v1  }
0x372: {  	v56 =	vld.idx.msk [tilespmem:v54+s14+$0x0], $0xffff  }
0x373: {  	v5 =	vmul.f32 v5, v0;
	_ =	sdelay $0x1  }
0x374: {  	v5 =	vmul.f32 v5, v6;
	_ =	sdelay $0x1  }
0x375: {  	v5 =	vadd.f32 v5, v56;
	_ =	sdelay $0x1  }
0x376: {  	v57 =	vimm.s32 $0x2D;
	[tilespmem:v59+s16+$0x0] =	vst.idx.msk $0xffff, v5  }
0x377: {  	v5 =	vld [tilespmem:$0x10090];
	_ =	sdelay $0x3  }
0x378: {  	v6 =	vld.idx.msk [tilespmem:v57+s13+$0x0], $0xffff  }
0x379: {  	v13 =	vld [tilespmem:$0x1FFA0];
	v5 =	vsub.f32 v5, v1  }
0x37a: {  	v60 =	vld.idx.msk [tilespmem:v57+s14+$0x0], $0xffff  }
0x37b: {  	v5 =	vmul.f32 v5, v0;
	_ =	sdelay $0x1  }
0x37c: {  	v5 =	vmul.f32 v5, v6;
	_ =	sdelay $0x1  }
0x37d: {  	v5 =	vadd.f32 v5, v60;
	_ =	sdelay $0x1  }
0x37e: {  	v12 =	vimm.s32 $0x2E;
	[tilespmem:v13+s16+$0x0] =	vst.idx.msk $0xffff, v5  }
0x37f: {  	v5 =	vld [tilespmem:$0x100A0];
	_ =	sdelay $0x3  }
0x380: {  	v6 =	vld.idx.msk [tilespmem:v12+s13+$0x0], $0xffff  }
0x381: {  	v16 =	vld [tilespmem:$0x1FFB0];
	v5 =	vsub.f32 v5, v1  }
0x382: {  	v14 =	vld.idx.msk [tilespmem:v12+s14+$0x0], $0xffff  }
0x383: {  	v5 =	vmul.f32 v5, v0;
	_ =	sdelay $0x1  }
0x384: {  	v5 =	vmul.f32 v5, v6;
	_ =	sdelay $0x1  }
0x385: {  	v5 =	vadd.f32 v5, v14;
	_ =	sdelay $0x1  }
0x386: {  	v15 =	vimm.s32 $0x2F;
	[tilespmem:v16+s16+$0x0] =	vst.idx.msk $0xffff, v5  }
0x387: {  	v5 =	vld [tilespmem:$0x100B0];
	_ =	sdelay $0x3  }
0x388: {  	v6 =	vld.idx.msk [tilespmem:v15+s13+$0x0], $0xffff  }
0x389: {  	v19 =	vld [tilespmem:$0x1FFC0];
	v5 =	vsub.f32 v5, v1  }
0x38a: {  	v17 =	vld.idx.msk [tilespmem:v15+s14+$0x0], $0xffff  }
0x38b: {  	v5 =	vmul.f32 v5, v0;
	_ =	sdelay $0x1  }
0x38c: {  	v5 =	vmul.f32 v5, v6;
	_ =	sdelay $0x1  }
0x38d: {  	v5 =	vadd.f32 v5, v17;
	_ =	sdelay $0x1  }
0x38e: {  	v18 =	vimm.s32 $0x30;
	[tilespmem:v19+s16+$0x0] =	vst.idx.msk $0xffff, v5  }
0x38f: {  	v5 =	vld [tilespmem:$0x100C0];
	_ =	sdelay $0x3  }
0x390: {  	v6 =	vld.idx.msk [tilespmem:v18+s13+$0x0], $0xffff  }
0x391: {  	v22 =	vld [tilespmem:$0x1FFD0];
	v5 =	vsub.f32 v5, v1  }
0x392: {  	v20 =	vld.idx.msk [tilespmem:v18+s14+$0x0], $0xffff  }
0x393: {  	v5 =	vmul.f32 v5, v0;
	_ =	sdelay $0x1  }
0x394: {  	v5 =	vmul.f32 v5, v6;
	_ =	sdelay $0x1  }
0x395: {  	v5 =	vadd.f32 v5, v20;
	_ =	sdelay $0x1  }
0x396: {  	v21 =	vimm.s32 $0x31;
	[tilespmem:v22+s16+$0x0] =	vst.idx.msk $0xffff, v5  }
0x397: {  	v5 =	vld [tilespmem:$0x100D0];
	_ =	sdelay $0x3  }
0x398: {  	v6 =	vld.idx.msk [tilespmem:v21+s13+$0x0], $0xffff  }
0x399: {  	v25 =	vld [tilespmem:$0x1FFE0];
	v5 =	vsub.f32 v5, v1  }
0x39a: {  	v23 =	vld.idx.msk [tilespmem:v21+s14+$0x0], $0xffff  }
0x39b: {  	v5 =	vmul.f32 v5, v0;
	_ =	sdelay $0x1  }
0x39c: {  	v5 =	vmul.f32 v5, v6;
	_ =	sdelay $0x1  }
0x39d: {  	v5 =	vadd.f32 v5, v23;
	_ =	sdelay $0x1  }
0x39e: {  	v24 =	vimm.s32 $0x32;
	[tilespmem:v25+s16+$0x0] =	vst.idx.msk $0xffff, v5  }
0x39f: {  	v5 =	vld [tilespmem:$0x100E0];
	_ =	sdelay $0x3  }
0x3a0: {  	v6 =	vld.idx.msk [tilespmem:v24+s13+$0x0], $0xffff  }
0x3a1: {  	v28 =	vld [tilespmem:$0x1FFF0];
	v5 =	vsub.f32 v5, v1  }
0x3a2: {  	v26 =	vld.idx.msk [tilespmem:v24+s14+$0x0], $0xffff  }
0x3a3: {  	v5 =	vmul.f32 v5, v0;
	_ =	sdelay $0x1  }
0x3a4: {  	v5 =	vmul.f32 v5, v6;
	_ =	sdelay $0x1  }
0x3a5: {  	v5 =	vadd.f32 v5, v26;
	_ =	sdelay $0x1  }
0x3a6: {  	v27 =	vimm.s32 $0x33;
	[tilespmem:v28+s16+$0x0] =	vst.idx.msk $0xffff, v5  }
0x3a7: {  	v5 =	vld [tilespmem:$0x100F0];
	_ =	sdelay $0x3  }
0x3a8: {  	v6 =	vld.idx.msk [tilespmem:v27+s13+$0x0], $0xffff  }
0x3a9: {  	v5 =	vsub.f32 v5, v1  }
0x3aa: {  	v29 =	vld.idx.msk [tilespmem:v27+s14+$0x0], $0xffff  }
0x3ab: {  	v5 =	vmul.f32 v5, v0;
	_ =	sdelay $0x1  }
0x3ac: {  	v5 =	vmul.f32 v5, v6;
	_ =	sdelay $0x1  }
0x3ad: {  	v5 =	vadd.f32 v5, v29;
	_ =	sdelay $0x1  }
0x3ae: {  	v30 =	vimm.s32 $0x34;
	[tilespmem:v49+s16+$0x0] =	vst.idx.msk $0xffff, v5  }
0x3af: {  	v5 =	vld [tilespmem:$0x10100];
	_ =	sdelay $0x3  }
0x3b0: {  	v31 =	vld.idx.msk [tilespmem:v30+s13+$0x0], $0xffff  }
0x3b1: {  	v5 =	vsub.f32 v5, v1  }
0x3b2: {  	v32 =	vld.idx.msk [tilespmem:v30+s14+$0x0], $0xffff  }
0x3b3: {  	v5 =	vmul.f32 v5, v0;
	_ =	sdelay $0x1  }
0x3b4: {  	v5 =	vmul.f32 v5, v31;
	_ =	sdelay $0x1  }
0x3b5: {  	v5 =	vadd.f32 v5, v32;
	_ =	sdelay $0x1  }
0x3b6: {  	v34 =	vimm.s32 $0x35;
	[tilespmem:v3+s16+$0x0] =	vst.idx.msk $0xffff, v5  }
0x3b7: {  	v3 =	vld [tilespmem:$0x10110];
	_ =	sdelay $0x3  }
0x3b8: {  	v5 =	vld.idx.msk [tilespmem:v34+s13+$0x0], $0xffff  }
0x3b9: {  	v3 =	vsub.f32 v3, v1  }
0x3ba: {  	v6 =	vld.idx.msk [tilespmem:v34+s14+$0x0], $0xffff  }
0x3bb: {  	v3 =	vmul.f32 v3, v0;
	_ =	sdelay $0x1  }
0x3bc: {  	v3 =	vmul.f32 v3, v5;
	_ =	sdelay $0x1  }
0x3bd: {  	v3 =	vadd.f32 v3, v6;
	_ =	sdelay $0x1  }
0x3be: {  	v33 =	vimm.s32 $0x36;
	[tilespmem:v44+s16+$0x0] =	vst.idx.msk $0xffff, v3  }
0x3bf: {  	v3 =	vld [tilespmem:$0x10120];
	_ =	sdelay $0x3  }
0x3c0: {  	v35 =	vld.idx.msk [tilespmem:v33+s13+$0x0], $0xffff  }
0x3c1: {  	v3 =	vsub.f32 v3, v1  }
0x3c2: {  	v36 =	vld.idx.msk [tilespmem:v33+s14+$0x0], $0xffff  }
0x3c3: {  	v3 =	vmul.f32 v3, v0;
	_ =	sdelay $0x1  }
0x3c4: {  	v3 =	vmul.f32 v3, v35;
	_ =	sdelay $0x1  }
0x3c5: {  	v3 =	vadd.f32 v3, v36;
	_ =	sdelay $0x1  }
0x3c6: {  	v37 =	vimm.s32 $0x37;
	[tilespmem:v43+s16+$0x0] =	vst.idx.msk $0xffff, v3  }
0x3c7: {  	v3 =	vld [tilespmem:$0x10130];
	_ =	sdelay $0x3  }
0x3c8: {  	v38 =	vld.idx.msk [tilespmem:v37+s13+$0x0], $0xffff  }
0x3c9: {  	v3 =	vsub.f32 v3, v1  }
0x3ca: {  	v40 =	vld.idx.msk [tilespmem:v37+s14+$0x0], $0xffff  }
0x3cb: {  	v3 =	vmul.f32 v3, v0;
	_ =	sdelay $0x1  }
0x3cc: {  	v3 =	vmul.f32 v3, v38;
	_ =	sdelay $0x1  }
0x3cd: {  	v3 =	vadd.f32 v3, v40;
	_ =	sdelay $0x1  }
0x3ce: {  	v42 =	vimm.s32 $0x38;
	[tilespmem:v4+s16+$0x0] =	vst.idx.msk $0xffff, v3  }
0x3cf: {  	v3 =	vld [tilespmem:$0x10140];
	_ =	sdelay $0x3  }
0x3d0: {  	v4 =	vld.idx.msk [tilespmem:v42+s13+$0x0], $0xffff  }
0x3d1: {  	v3 =	vsub.f32 v3, v1  }
0x3d2: {  	v5 =	vld.idx.msk [tilespmem:v42+s14+$0x0], $0xffff  }
0x3d3: {  	v3 =	vmul.f32 v3, v0;
	_ =	sdelay $0x1  }
0x3d4: {  	v3 =	vmul.f32 v3, v4;
	_ =	sdelay $0x1  }
0x3d5: {  	v3 =	vadd.f32 v3, v5;
	_ =	sdelay $0x1  }
0x3d6: {  	v41 =	vimm.s32 $0x39;
	[tilespmem:v39+s16+$0x0] =	vst.idx.msk $0xffff, v3  }
0x3d7: {  	v3 =	vld [tilespmem:$0x10150];
	_ =	sdelay $0x3  }
0x3d8: {  	v43 =	vld.idx.msk [tilespmem:v41+s13+$0x0], $0xffff  }
0x3d9: {  	v3 =	vsub.f32 v3, v1  }
0x3da: {  	v44 =	vld.idx.msk [tilespmem:v41+s14+$0x0], $0xffff  }
0x3db: {  	v3 =	vmul.f32 v3, v0;
	_ =	sdelay $0x1  }
0x3dc: {  	v3 =	vmul.f32 v3, v43;
	_ =	sdelay $0x1  }
0x3dd: {  	v3 =	vadd.f32 v3, v44;
	_ =	sdelay $0x1  }
0x3de: {  	v45 =	vimm.s32 $0x3A;
	[tilespmem:v46+s16+$0x0] =	vst.idx.msk $0xffff, v3  }
0x3df: {  	v3 =	vld [tilespmem:$0x10160];
	_ =	sdelay $0x3  }
0x3e0: {  	v47 =	vld.idx.msk [tilespmem:v45+s13+$0x0], $0xffff  }
0x3e1: {  	v3 =	vsub.f32 v3, v1  }
0x3e2: {  	v48 =	vld.idx.msk [tilespmem:v45+s14+$0x0], $0xffff  }
0x3e3: {  	v3 =	vmul.f32 v3, v0;
	_ =	sdelay $0x1  }
0x3e4: {  	v3 =	vmul.f32 v3, v47;
	_ =	sdelay $0x1  }
0x3e5: {  	v3 =	vadd.f32 v3, v48;
	_ =	sdelay $0x1  }
0x3e6: {  	v49 =	vimm.s32 $0x3B;
	[tilespmem:v53+s16+$0x0] =	vst.idx.msk $0xffff, v3  }
0x3e7: {  	v3 =	vld [tilespmem:$0x10170];
	_ =	sdelay $0x3  }
0x3e8: {  	v50 =	vld.idx.msk [tilespmem:v49+s13+$0x0], $0xffff  }
0x3e9: {  	v3 =	vsub.f32 v3, v1  }
0x3ea: {  	v51 =	vld.idx.msk [tilespmem:v49+s14+$0x0], $0xffff  }
0x3eb: {  	v3 =	vmul.f32 v3, v0;
	_ =	sdelay $0x1  }
0x3ec: {  	v3 =	vmul.f32 v3, v50;
	_ =	sdelay $0x1  }
0x3ed: {  	v3 =	vadd.f32 v3, v51;
	_ =	sdelay $0x1  }
0x3ee: {  	v52 =	vimm.s32 $0x3C;
	[tilespmem:v58+s16+$0x0] =	vst.idx.msk $0xffff, v3  }
0x3ef: {  	v3 =	vld [tilespmem:$0x10180];
	_ =	sdelay $0x3  }
0x3f0: {  	v53 =	vld.idx.msk [tilespmem:v52+s13+$0x0], $0xffff  }
0x3f1: {  	v3 =	vsub.f32 v3, v1  }
0x3f2: {  	v54 =	vld.idx.msk [tilespmem:v52+s14+$0x0], $0xffff  }
0x3f3: {  	v3 =	vmul.f32 v3, v0;
	_ =	sdelay $0x1  }
0x3f4: {  	v3 =	vmul.f32 v3, v53;
	_ =	sdelay $0x1  }
0x3f5: {  	v3 =	vadd.f32 v3, v54;
	_ =	sdelay $0x1  }
0x3f6: {  	v55 =	vimm.s32 $0x3D;
	[tilespmem:v61+s16+$0x0] =	vst.idx.msk $0xffff, v3  }
0x3f7: {  	v3 =	vld [tilespmem:$0x10190];
	_ =	sdelay $0x3  }
0x3f8: {  	v56 =	vld.idx.msk [tilespmem:v55+s13+$0x0], $0xffff  }
0x3f9: {  	v3 =	vsub.f32 v3, v1  }
0x3fa: {  	v57 =	vld.idx.msk [tilespmem:v55+s14+$0x0], $0xffff  }
0x3fb: {  	v3 =	vmul.f32 v3, v0;
	_ =	sdelay $0x1  }
0x3fc: {  	v3 =	vmul.f32 v3, v56;
	_ =	sdelay $0x1  }
0x3fd: {  	v3 =	vadd.f32 v3, v57;
	_ =	sdelay $0x1  }
0x3fe: {  	v58 =	vimm.s32 $0x3E;
	[tilespmem:v62+s16+$0x0] =	vst.idx.msk $0xffff, v3  }
0x3ff: {  	v3 =	vld [tilespmem:$0x101A0];
	_ =	sdelay $0x3  }
0x400: {  	v59 =	vld.idx.msk [tilespmem:v58+s13+$0x0], $0xffff  }
0x401: {  	v3 =	vsub.f32 v3, v1  }
0x402: {  	v60 =	vld.idx.msk [tilespmem:v58+s14+$0x0], $0xffff  }
0x403: {  	v3 =	vmul.f32 v3, v0;
	_ =	sdelay $0x1  }
0x404: {  	v3 =	vmul.f32 v3, v59;
	_ =	sdelay $0x1  }
0x405: {  	v3 =	vadd.f32 v3, v60;
	_ =	sdelay $0x1  }
0x406: {  	v61 =	vimm.s32 $0x3F;
	[tilespmem:v63+s16+$0x0] =	vst.idx.msk $0xffff, v3  }
0x407: {  	v3 =	vld [tilespmem:$0x101B0];
	_ =	sdelay $0x3  }
0x408: {  	v62 =	vld.idx.msk [tilespmem:v61+s13+$0x0], $0xffff  }
0x409: {  	v1 =	vsub.f32 v3, v1  }
0x40a: {  	v63 =	vld.idx.msk [tilespmem:v61+s14+$0x0], $0xffff  }
0x40b: {  	v0 =	vmul.f32 v1, v0  }
0x40c: {  	p0 =	sne.s32 s8, $0x310  }
.Ltmp0:
0x40d: {  	v0 =	vmul.f32 v0, v62;
	(pc) =	sbr.rel @p0 .LBB2_3-.Ltmp0, $3  }
0x40e: {  	_ = 	snop  }
0x40f: {  	v0 =	vadd.f32 v0, v63;
	_ =	sdelay $0x1  }
0x410: {  	s8 =	sadd.s32 $0x10, s8;
	[tilespmem:v2+s16+$0x0] =	vst.idx.msk $0xffff, v0  }
0x411: {  	s0 =	sadd.s32 $0x1, s0  }
0x412: {  	s1 =	sshll.u32 s1, $0x3;
	p0 =	sne.s32 s0, $0x20  }
.Ltmp1:
0x413: {  	s1 =	sadd.s32 s3, s1;
	(pc) =	sbr.rel @p0 .LBB2_2-.Ltmp1, $4  }
0x414: {  	[hbm4b:s1+s4] =	stream.linear.scatter [tilespmem:s16], [sflag:$0x2], $0xC800, $0x38;
	[tilespmem:$0x101C0] =	vst v63  }
0x415: {  	_ =	swait.ge [sflag:s12], $0xC800  }
0x416: {  	[sflag:s12] =	ssyncset.done $0x0  }
0x417: {  	[sflag:s12] =	ssyncadd.s32 $0xFFFF3800  }
0x418: {  	s5 =	sadd.s32 $0x1, s5;
	s0 =	rddreg [dreg:$0x6]  }
0x419: {  	p0 =	sne.s32 s5, s0  }
.Ltmp2:
0x41a: {  	_ = 	snop;
	(pc) =	sbr.rel @p0 .LBB2_1-.Ltmp2, $1  }
0x41b: {  	_ =	sdelay $0x3  }
0x41c: {  	_ =	sfence.sel $0x180000  }
0x41d: {  	[bflag:$0x0] =	sbarrier.arrive $0xFFFF  }
0x41e: {  	_ =	strace $0x90000047  }
0x41f: {  	s0 =	stileid.u32;
	[bflag:$0x2] =	sbarrier.arrive $0xFFFF  }
0x420: {  	p0 =	sne.s32 s0, $0x0;
	s0 =	rddreg [dreg:$0x4]  }
0x421: {  	s0 =	sadd.s32 @!p0 $0x100000, s0  }
0x422: {  	[sflag:s0] =	ssyncadd.tile.s32 @!p0 $0x1;
	_ =	shalt  }
.Lfunc_end2:
_tile_overlayer_lowered:
.L_overlay_start_2:
0x423: {  	(tag) =	ssettag $0x2  }
0x424: {  	s0 =	rddreg [dreg:$0x0];
	s2 =	stileid.u32  }
0x425: {  	s1 =	rddreg [dreg:$0x1];
	p0 =	sne.s32 s2, $0x0  }
0x426: {  	s3 =	rddreg [dreg:$0x2];
	[bflag:$0x3] =	sbarrier.arrive $0xFFFF;
	s2 =	simm.s32 @!p0 $0x1C02  }
0x427: {  	[timem:s3], [sflag:s2] =	dma.local @!p0 [hbm:s0], s1  }
0x428: {  	s0 =	simm.s32 @!p0 $0x2  }
0x429: {  	_ =	swait.ge @!p0 [sflag:s0], s1  }
0x42a: {  	s1 =	ssub.s32 @!p0 $0x0, s1;
	[sflag:s0] =	ssyncset.done @!p0 $0x0  }
0x42b: {  	[sflag:s0] =	ssyncadd.s32 @!p0 s1  }
0x42c: {  	[bflag:$0x3] =	sbarrier.arrive $0xFFFF  }
0x42d: {  	_ =	shalt  }

// kernel: sparse-core-data-format-call.cloned.1.call-start
scs
called_computation_lowered:
.L_overlay_start_0:
0x0: {  	s2 =	sld [smem:$0x3FD9]  }
0x1: {  	s3 =	sld [smem:$0x3FFE];
	_ =	sdelay $0x1  }
0x2: {  	s1 =	srdreg.scid  }
0x3: {  	s0 =	sand.u32 $0x1, s1  }
0x4: {  	s18 =	sshll.u32 s0, $0xA;
	s2 =	sadd.s32 s3, s2  }
0x5: {  	s2 =	sadd.s32 s2, s18  }
0x6: {  	[smem:$0x3FC3] =	sst s2  }
0x7: {  	_ = 	snop  }
0x8: {  	s2 =	sld [smem:$0x3FD0];
	(tm) =	ssettm $0x1  }
0x9: {  	s19 =	sld [smem:$0x3FFB];
	_ =	sdelay $0x3  }
0xa: {  	_ =	strace s19  }
0xb: {  	s3 =	sld [smem:$0x3FFC];
	_ =	sdelay $0x3  }
0xc: {  	_ =	strace s3  }
0xd: {  	s3 =	sld [smem:$0x3FFD];
	_ =	sdelay $0x3  }
0xe: {  	_ =	strace s3  }
0xf: {  	_ =	strace $0x8FFFFFFF  }
0x10: {  	s20 =	sld [smem:$0x3FDB];
	_ =	sdelay $0x1  }
0x11: {  	s4 =	simm.s32 $_scs_section_size  }
0x12: {  	s5 =	simm.s32 $_size__tile_overlayer_lowered;
	s6 =	simm.s32 $_tile_overlayer_lowered  }
0x13: {  	s23 =	simm.s32 $0x1BFF;
	s22 =	sshll.u32 s6, $0x1;
	s3 =	sadd.s32 s4, s20  }
0x14: {  	s7 =	simm.s32 $0x0;
	s21 =	sshll.u32 s5, $0x1;
	s5 =	sadd.s32 s22, s3  }
0x15: {  	[timem:s7], [sflag:s23] =	dma.local [hbm:s5], s21  }
0x16: {  	_ =	swait.ge [sflag:s23], s21  }
0x17: {  	s4 =	ssub.s32 $0x0, s21;
	[sflag:s23] =	ssyncset.done $0x0  }
0x18: {  	[sflag:s23] =	ssyncadd.s32 s4;
	_ =	sdelay $0x1  }
0x19: {  	s24 =	simm.s32 $0x1B8B  }
0x1a: {  	_ =	swait.ge [sflag:s24], $0x1  }
0x1b: {  	[sflag:s24] =	ssyncset.done $0x0  }
0x1c: {  	s26 =	simm.s32 $0x1B8E;
	s25 =	sld [smem:$0x3FFE];
	[sflag:s24] =	ssyncadd.s32 $0xFFFFFFFF  }
0x1d: {  	s27 =	simm.s32 $execute0_lowered;
	[smem:$0x3FD2] =	sst s26  }
0x1e: {  	s5 =	sshll.u32 s27, $0x1;
	_ =	strace $0x80000049;
	[dreg:$0x1] =	wrdreg $0xFFFFFFFF  }
0x1f: {  	s28 =	simm.s32 $_size_execute0_lowered;
	s3 =	sadd.s32 s3, s5;
	[dreg:$0x0] =	wrdreg $0x0  }
0x20: {  	s5 =	sshll.u32 s28, $0x1;
	[dreg:$0x2] =	wrdreg s3  }
0x21: {  	[dreg:$0x3] =	wrdreg s5  }
0x22: {  	[dreg:$0x4] =	wrdreg $0xC0  }
0x23: {  	_ =	task [dreg:s7], $0x5FFFF  }
0x24: {  	[dreg:$0x1] =	wrdreg $0xFFFFFFFF  }
0x25: {  	[dreg:$0x0] =	wrdreg $0x60  }
0x26: {  	[dreg:$0x2] =	wrdreg s25  }
0x27: {  	[dreg:$0x3] =	wrdreg s2  }
0x28: {  	[dreg:$0x4] =	wrdreg $0x9  }
0x29: {  	_ =	task.clear_ibuf [dreg:s7], $0x5FFFF;
	_ =	strace $0x90000049  }
0x2a: {  	s29 =	simm.s32 $0x9;
	_ =	strace $0x8000004B  }
0x2b: {  	_ =	swait.ge [sflag:s29], $0x1  }
0x2c: {  	[sflag:s29] =	ssyncadd.s32 $0xFFFFFFFF  }
0x2d: {  	_ =	strace $0x9000004B  }
0x2e: {  	_ =	sfence  }
0x2f: {  	s30 =	sld [smem:$0x0];
	_ =	sdelay $0x2  }
0x30: {  	s31 =	sshll.u32 s1, $0xD;
	s1 =	sshrl.u32 s1, $0x2  }
0x31: {  	s3 =	sand.u32 $0x4000, s31;
	s1 =	sadd.s32 s1, s30  }
0x32: {  	s0 =	sor.u32 s3, s0;
	s1 =	sshll.u32 s1, $0x11  }
0x33: {  	s0 =	sor.u32 s1, s0  }
0x34: {  	s0 =	sadd.s32 $0x8F2B, s0  }
0x35: {  	[sflag:s0] =	ssyncadd.remote.s32 $0x1  }
0x36: {  	_ =	sfence.sel $0xFFFF  }
0x37: {  	[dreg:$0x0] =	wrdreg $0xFFFFFFFF;
	(pc) =	sbr.abs _section_cstart, $3  }
0x38: {  	[dreg:$0x1] =	wrdreg $0xFFFFFFFF  }
0x39: {  	_ =	task.clear_ibuf [dreg:s7], $0x2FFFF;
	_ =	strace $0x9FFFFFFF  }
0x3a: {  	(tm) =	ssettm $0x7FFFFFFF  }
0x3b: {  	_ =	shalt  }
tec
execute0_lowered:
.L_overlay_start_1:
0x0: {  	(tag) =	ssettag $0x1  }
0x1: {  	s0 =	srdreg.scid  }
0x2: {  	s1 =	sshll.u32 s0, $0x4  }
0x3: {  	s0 =	stileid.u32;
	s1 =	sand.u32 $0x10, s1  }
0x4: {  	s1 =	sor.u32 s0, s1  }
0x5: {  	s6 =	rddreg [dreg:$0x0];
	s4 =	simm.s32 $0x1;
	s2 =	sshll.u32 s1, $0x7  }
0x6: {  	s7 =	simm.s32 $0x2;
	s12 =	simm.s32 $0x0;
	s1 =	ssub.s32 $0x1000, s2  }
0x7: {  	s8 =	simm.s32 $0x8000;
	s13 =	simm.s32 $0x0;
	s3 =	sand.u32 $0xF80, s1  }
0x8: {  	s9 =	simm.s32 $0x0;
	s5 =	sshrl.u32 s1, $0xC;
	p0 =	sne.s32 s3, $0x0  }
.Ltmp0:
0x9: {  	s1 =	rddreg [dreg:$0x2];
	s4 =	simm.s32 @!p0 $0x0;
	(pc) =	sbr.rel .LBB1_1-.Ltmp0, $4  }
0xa: {  	s11 =	simm.s32 $0x0;
	s3 =	rddreg [dreg:$0x1];
	s5 =	sadd.s32 s4, s5  }
0xb: {  	_ =	strace $0x8000004A;
	s4 =	simm.s32 $0x1;
	s5 =	smul.u32 $0xC8, s5  }
0xc: {  	s6 =	sadd.s32 $0xA00, s6;
	s10 =	smov.u32 s2;
	[sflag:s4] =	ssyncpa.u1 $0x0  }
0xd: {  	p0 =	por $0x0, $0x0;
	[sflag:s7] =	ssyncpa.u1 $0x0;
	s7 =	sor.u32 $0x1, s5  }
.LBB1_4:
0xe: {  	s16 =	sshll.u32 s13, $0x3;
	s17 =	sand.u32 $0x78, s13  }
0xf: {  	s30 =	sand.u32 $0x7E00, s13;
	s12 =	sshll.u32 s12, $0xF;
	s16 =	sand.u32 $0xC00, s16  }
0x10: {  	[tilespmem:s15+$0x810 ss:$0x81] =	vst.msk $0xffff, v2;
	s31 =	sand.u32 $0x7, s13;
	s16 =	sor.u32 s17, s16;
	s17 =	sadd.s32 s3, s30  }
0x11: {  	[tilespmem:s15+$0x1020 ss:$0x81] =	vst.msk $0xffff, v0;
	s13 =	sshll.u32 s31, $0x12;
	s12 =	sadd.s32 s12, s17;
	s16 =	sshrl.u32 s16, $0x3  }
0x12: {  	[tilespmem:s15+$0x0 ss:$0x81] =	vst.msk $0xffff, v1;
	s13 =	sor.u32 $0x400, s13;
	s12 =	sadd.s32 s16, s12  }
0x13: {  	[hbm4b:s12+s13] =	stream.strided.scatter [tilespmem:s14], [sflag:$0x2], $0x2000, s8, s13, $0x20;
	[tilespmem:$0x8080] =	vst v63  }
.LBB1_5:
0x14: {  	s14 =	sadd.s32 $0x1, s9  }
0x15: {  	s12 =	sadd.s32 $0x1000, s10;
	s16 =	smov.u32 s10;
	p2 =	sgt.s32 s14, $0xC7  }
0x16: {  	s16 =	smov.u32 @p2 s12  }
0x17: {  	s14 =	simm.s32 @p2 $0x0;
	p2 =	sgt.s32 s16, $0xFFF  }
0x18: {  	s16 =	smov.u32 @p2 s2;
	p2 =	sne.s32 s11, s7  }
.Ltmp1:
0x19: {  	p1 =	slt.u32 s11, $0x2;
	(pc) =	sbr.rel @!p2 .LBB1_6-.Ltmp1, $4  }
0x1a: {  	s15 =	simm.s32 @!p1 $0x2  }
0x1b: {  	s13 =	smov.u32 s10;
	p0 =	por !p0, !p0;
	_ =	swait.ge @!p1 [sflag:s15], $0x2000  }
0x1c: {  	s12 =	smov.u32 s9;
	[sflag:s15] =	ssyncset.done @!p1 $0x0;
	s9 =	smov.u32 s14  }
0x1d: {  	s11 =	sadd.s32 $0x1, s11;
	[sflag:s15] =	ssyncadd.s32 @!p1 $0xFFFFE000;
	s10 =	smov.u32 s16  }
.LBB1_1:
0x1e: {  	p1 =	sge.u32 s11, s5  }
0x1f: {  	s14 =	sand.u32 @!p1 $0x1FFFFFF, s9  }
0x20: {  	s15 =	smulhi.u32 @!p1 $0x147AE15, s14;
	_ =	sdelay $0x1  }
0x21: {  	s15 =	smul.u32 @!p1 $0xC8, s15  }
0x22: {  	s16 =	sxor.u32 @!p1 $0xFFFFFFFF, s11;
	s17 =	smul.u32 @!p1 $0xC80, s10  }
0x23: {  	s31 =	sadd.s32 $0xFFFFFFFF, s11;
	s16 =	sshll.u32 @!p1 s16, $0xD;
	s14 =	ssub.s32 @!p1 s14, s15  }
0x24: {  	s15 =	sand.u32 @!p1 $0x2000, s16;
	s16 =	sadd.s32 @!p1 s6, s17;
	s14 =	sshll.u32 @!p1 s14, $0x4  }
0x25: {  	s17 =	simm.s32 @!p1 $0x6400;
	s14 =	sadd.s32 @!p1 s14, s16;
	s16 =	simm.s32 @!p1 $0x40  }
0x26: {  	[tilespmem:s15], [sflag:$0x1] =	stream.strided.gather @!p1 [hbm4b:s14+s16], $0x2000, s17, s16, $0x38;
	[tilespmem:$0x8080] =	vst v63  }
0x27: {  	p1 =	sge.u32 s31, s5  }
.Ltmp2:
0x28: {  	_ = 	snop;
	(pc) =	sbr.rel @p1 .LBB1_5-.Ltmp2, $1  }
0x29: {  	_ =	sdelay $0x3  }
0x2a: {  	s14 =	simm.s32 $0x1  }
0x2b: {  	_ =	swait.ge [sflag:s4], $0x2000;
	s14 =	simm.s32 @!p0 $0x0  }
0x2c: {  	[sflag:s4] =	ssyncset.done $0x0;
	s15 =	sshll.u32 s14, $0xD  }
0x2d: {  	[sflag:s4] =	ssyncadd.s32 $0xFFFFE000;
	s18 =	sor.u32 $0x20, s15  }
0x2e: {  	s14 =	smul.u32 $0x8100, s14;
	v3 =	vld [tilespmem:s18+$0x10]  }
0x2f: {  	s30 =	sand.u32 $0x1, s11;
	v2 =	vld [tilespmem:s18+$0xFFFFFFF0]  }
0x30: {  	s15 =	smul.u32 $0x8100, s30;
	s14 =	sshrl.u32 s14, $0x2;
	v0 =	vld [tilespmem:s18+$0x0]  }
0x31: {  	v1 =	vld [tilespmem:s18+$0xFFFFFFE0];
	s16 =	sor.u32 $0x4000, s14  }
0x32: {  	s31 =	sshrl.u32 s15, $0x2;
	s15 =	sadd.s32 $0x0, s16  }
0x33: {  	s17 =	simm.s32 $0x4;
	s18 =	sadd.s32 $0x40, s18;
	s14 =	sor.u32 $0x4000, s31;
	[tilespmem:s15+$0x1830 ss:$0x81] =	vst.msk $0xffff, v3  }
.LBB1_3:
0x34: {  	v3 =	vld [tilespmem:s18+$0x10];
	p1 =	sne.s32 s17, $0x1FC;
	[tilespmem:s15+$0x810 ss:$0x81] =	vst.msk $0xffff, v2;
	s19 =	smov.u32 s17;
	s17 =	sadd.s32 $0x4, s17  }
.Ltmp3:
0x35: {  	v2 =	vld [tilespmem:s18+$0xFFFFFFF0];
	[tilespmem:s15+$0x1020 ss:$0x81] =	vst.msk $0xffff, v0;
	(pc) =	sbr.rel @p1 .LBB1_3-.Ltmp3, $4  }
0x36: {  	v0 =	vld [tilespmem:s18+$0x0];
	[tilespmem:s15+$0x0 ss:$0x81] =	vst.msk $0xffff, v1  }
0x37: {  	s15 =	sshra.s32 s19, $0x2;
	v1 =	vld [tilespmem:s18+$0xFFFFFFE0]  }
0x38: {  	s15 =	sadd.s32 s15, s16  }
0x39: {  	s18 =	sadd.s32 $0x40, s18;
	[tilespmem:s15+$0x1830 ss:$0x81] =	vst.msk $0xffff, v3  }
.Ltmp4:
0x3a: {  	_ = 	snop;
	(pc) =	sbr.rel .LBB1_4-.Ltmp4, $1  }
0x3b: {  	_ =	sdelay $0x3  }
.LBB1_6:
0x3c: {  	_ =	sfence.sel $0x180000  }
0x3d: {  	s2 =	simm.s32 $0x1;
	[bflag:$0x0] =	sbarrier.arrive $0xFFFF  }
0x3e: {  	s31 =	simm.s32 $0x2;
	[sflag:s2] =	ssyncpa.u1 $0x1  }
0x3f: {  	[sflag:s31] =	ssyncpa.u1 $0x1  }
0x40: {  	p0 =	sne.s32 s0, $0x0;
	_ =	strace $0x9000004A  }
0x41: {  	s0 =	sadd.s32 @!p0 $0x100000, s1;
	[bflag:$0x2] =	sbarrier.arrive $0xFFFF  }
0x42: {  	[sflag:s0] =	ssyncadd.tile.s32 @!p0 $0x1;
	_ =	shalt  }
.Lfunc_end1:
_tile_overlayer_lowered:
.L_overlay_start_2:
0x43: {  	(tag) =	ssettag $0x2  }
0x44: {  	s0 =	rddreg [dreg:$0x0];
	s2 =	stileid.u32  }
0x45: {  	s1 =	rddreg [dreg:$0x1];
	p0 =	sne.s32 s2, $0x0  }
0x46: {  	s3 =	rddreg [dreg:$0x2];
	[bflag:$0x3] =	sbarrier.arrive $0xFFFF;
	s2 =	simm.s32 @!p0 $0x1C01  }
0x47: {  	[timem:s3], [sflag:s2] =	dma.local @!p0 [hbm:s0], s1  }
0x48: {  	s0 =	simm.s32 @!p0 $0x1  }
0x49: {  	_ =	swait.ge @!p0 [sflag:s0], s1  }
0x4a: {  	s1 =	ssub.s32 @!p0 $0x0, s1;
	[sflag:s0] =	ssyncset.done @!p0 $0x0  }
0x4b: {  	[sflag:s0] =	ssyncadd.s32 @!p0 s1  }
0x4c: {  	[bflag:$0x3] =	sbarrier.arrive $0xFFFF  }
0x4d: {  	_ =	shalt  }

</sc_bundles>
